<compile_context>
chip_gen: v7x
topology: tpu7x:2x2x1
jax: 0.10.2.dev20260603
libtpu: 0.0.44.dev20260713+nightly
codegen_flags: <defaults>
</compile_context>

<pallas_src>
import functools

import jax
import jax.numpy as jnp
from jax import lax
from jax.experimental import pallas as pl
from jax.experimental.pallas import tpu as pltpu
from jax.experimental.pallas import tpu_sc as plsc

ALPHA = 0.1
K_STEPS = 2

NC = 2
NS = 16
CHUNK = 128
NBUF = 2
DNBUF = 8
DEGW = 16
FRAC0 = 0.875


def _deg_body(echunks_hbm, ones_hbm, zeros_hbm, deg_hbm,
              idxall_v, ones_v, tab_sh, *sems):
    cid = lax.axis_index("c")
    sid = lax.axis_index("s")
    _, _, nch, _ = echunks_hbm.shape
    N = tab_sh.shape[0]
    rows = N // NS
    row0 = sid * rows

    pltpu.sync_copy(ones_hbm, ones_v)
    pltpu.sync_copy(echunks_hbm.at[cid, sid], idxall_v)
    pltpu.sync_copy(zeros_hbm, tab_sh.at[pl.ds(row0, rows)])
    plsc.subcore_barrier()

    def body(g, carry):
        copies = []
        for b in range(DNBUF):
            c = g * DNBUF + b
            copies.append(pltpu.async_copy(
                ones_v, tab_sh.at[idxall_v.at[c]], sems[b], add=True))
        for cp in copies:
            cp.wait()
        return carry

    lax.fori_loop(0, nch // DNBUF, body, 0)
    plsc.subcore_barrier()

    sl = pl.ds(row0, rows)
    pltpu.sync_copy(tab_sh.at[sl], deg_hbm.at[cid].at[sl])


def _edge_body(c0, hs_hbm, echunks_hbm, zeros_hbm, agg_hbm,
               idxr_v, stage_v, agg_sh, *sems):
    cid = lax.axis_index("c")
    sid = lax.axis_index("s")
    nch_pad, _, _ = echunks_hbm.shape
    nch = nch_pad - NBUF
    nch0 = c0 // NS
    nch1 = (nch - c0) // NS
    base = jnp.where(cid == 0, sid * nch0, c0 + sid * nch1)
    ngroups = jnp.where(cid == 0, nch0 // NBUF, nch1 // NBUF)
    N, D = agg_sh.shape
    rows = N // NS
    row0 = sid * rows

    sem_i = sems[:2]
    sem_g = sems[2:2 + NBUF]
    sem_s = sems[2 + NBUF:]

    def idx_group(g):
        return echunks_hbm.at[pl.ds(base + g * NBUF, NBUF)]

    pltpu.async_copy(idx_group(0), idxr_v.at[0], sem_i[0])
    pltpu.sync_copy(zeros_hbm, agg_sh.at[pl.ds(row0, rows)])
    plsc.subcore_barrier()

    def body(g2, carry):
        for p in range(2):
            g = 2 * g2 + p
            pltpu.make_async_copy(idx_group(g), idxr_v.at[p], sem_i[p]).wait()
            pltpu.async_copy(idx_group(g + 1), idxr_v.at[1 - p], sem_i[1 - p])
            gathers = []
            for b in range(NBUF):
                gathers.append(pltpu.async_copy(
                    hs_hbm.at[idxr_v.at[p, b, 0]], stage_v.at[b], sem_g[b]))
            scatters = []
            for b in range(NBUF):
                gathers[b].wait()
                scatters.append(pltpu.async_copy(
                    stage_v.at[b], agg_sh.at[idxr_v.at[p, b, 1]], sem_s[b],
                    add=True))
            for cp in scatters:
                cp.wait()
        return carry

    lax.fori_loop(0, ngroups // 2, body, 0)
    pltpu.make_async_copy(idx_group(ngroups), idxr_v.at[0], sem_i[0]).wait()
    plsc.subcore_barrier()

    sl = pl.ds(row0, rows)
    pltpu.sync_copy(agg_sh.at[sl], agg_hbm.at[cid].at[sl])


def _linear_body(x_ref, w_ref, b_ref, od_ref, id_ref,
                 h0_ref, h0s_ref, ns_ref, nd_ref):
    h0 = jax.lax.dot_general(
        x_ref[...], w_ref[...], (((1,), (1,)), ((), ())),
        preferred_element_type=jnp.float32) + b_ref[...]
    ns = jax.lax.rsqrt(jnp.clip(od_ref[:, 0:1], 1.0, None))
    nd = jax.lax.rsqrt(jnp.clip(id_ref[:, 0:1], 1.0, None))
    h0_ref[...] = h0
    h0s_ref[...] = h0 * ns
    ns_ref[...] = jnp.broadcast_to(ns, ns_ref.shape)
    nd_ref[...] = jnp.broadcast_to(nd, nd_ref.shape)


def _blend_body(scale_src, use_b, *refs):
    if use_b:
        aggA_ref, aggB_ref, h0_ref, ns_ref, nd_ref, out_ref = refs
        agg = aggA_ref[...] + aggB_ref[...]
    else:
        aggA_ref, h0_ref, ns_ref, nd_ref, out_ref = refs
        agg = aggA_ref[...]
    h = (1.0 - ALPHA) * nd_ref[:, 0:1] * agg + ALPHA * h0_ref[...]
    if scale_src:
        h = h * ns_ref[:, 0:1]
    out_ref[...] = h


def kernel(x, edge_index, W, b):
    N0, D = x.shape
    E0 = edge_index.shape[1]

    f32 = jnp.float32
    mesh = plsc.VectorSubcoreMesh(core_axis_name="c", subcore_axis_name="s")

    quantum = NS * 8 * 10
    N = ((N0 + quantum - 1) // quantum) * quantum
    x = jnp.pad(x, ((0, N - N0), (0, 0)))

    ntiles = NC * NS
    equantum = ntiles * CHUNK * NBUF * 2
    assert (equantum // NC) % (CHUNK * DNBUF) == 0
    E = ((E0 + equantum - 1) // equantum) * equantum
    edges = jnp.pad(edge_index, ((0, 0), (0, E - E0)), constant_values=N - 1)

    C = E // CHUNK
    e_edge = edges.reshape(2, C, CHUNK).transpose(1, 0, 2)
    e_edge = jnp.concatenate(
        [e_edge, jnp.full((NBUF, 2, CHUNK), N - 1, jnp.int32)], axis=0)
    cquantum = NS * NBUF * 2
    c0_chunks = min(C, max(cquantum, int(round(FRAC0 * C / cquantum)) * cquantum))
    assert 0 < c0_chunks <= C and (C - c0_chunks) % cquantum == 0
    e_deg = edges.reshape(2, NS, E // (NS * CHUNK), CHUNK)
    nch_d = e_deg.shape[2]

    rows = N // NS
    ones_rows = jnp.zeros((CHUNK, D), f32).at[:, 0].set(1.0)
    zeros_agg = jnp.zeros((rows, D), f32)

    deg_kernel = pl.kernel(
        _deg_body,
        out_type=jax.ShapeDtypeStruct((NC, N, D), f32),
        mesh=mesh,
        scratch_types=[
            pltpu.VMEM((nch_d, CHUNK), jnp.int32),
            pltpu.VMEM((CHUNK, D), f32),
            pltpu.VMEM_SHARED((N, D), f32),
        ] + [pltpu.SemaphoreType.DMA] * DNBUF,
    )
    deg2 = deg_kernel(e_deg, ones_rows, zeros_agg)
    outdeg, indeg = deg2[0], deg2[1]

    grid = 10
    blk = N // grid
    linear = pl.pallas_call(
        _linear_body,
        grid=(grid,),
        in_specs=[
            pl.BlockSpec((blk, D), lambda i: (i, 0)),
            pl.BlockSpec((D, D), lambda i: (0, 0)),
            pl.BlockSpec((1, D), lambda i: (0, 0)),
            pl.BlockSpec((blk, D), lambda i: (i, 0)),
            pl.BlockSpec((blk, D), lambda i: (i, 0)),
        ],
        out_specs=[
            pl.BlockSpec((blk, D), lambda i: (i, 0)),
            pl.BlockSpec((blk, D), lambda i: (i, 0)),
            pl.BlockSpec((blk, DEGW), lambda i: (i, 0)),
            pl.BlockSpec((blk, DEGW), lambda i: (i, 0)),
        ],
        out_shape=[
            jax.ShapeDtypeStruct((N, D), f32),
            jax.ShapeDtypeStruct((N, D), f32),
            jax.ShapeDtypeStruct((N, DEGW), f32),
            jax.ShapeDtypeStruct((N, DEGW), f32),
        ],
    )
    h0, h0s, ns, nd = linear(x, W, b.reshape(1, D), outdeg, indeg)

    edge_kernel = pl.kernel(
        functools.partial(_edge_body, c0_chunks),
        out_type=jax.ShapeDtypeStruct((NC, N, D), f32),
        mesh=mesh,
        scratch_types=[
            pltpu.VMEM((2, NBUF, 2, CHUNK), jnp.int32),
            pltpu.VMEM((NBUF, CHUNK, D), f32),
            pltpu.VMEM_SHARED((N, D), f32),
        ] + [pltpu.SemaphoreType.DMA] * (2 + 2 * NBUF),
    )

    use_b = c0_chunks < C

    def blend(scale_src, aggs):
        nagg = len(aggs)
        return pl.pallas_call(
            functools.partial(_blend_body, scale_src, use_b),
            grid=(grid,),
            in_specs=[pl.BlockSpec((blk, D), lambda i: (i, 0))] * (nagg + 1) + [
                pl.BlockSpec((blk, DEGW), lambda i: (i, 0)),
                pl.BlockSpec((blk, DEGW), lambda i: (i, 0)),
            ],
            out_specs=pl.BlockSpec((blk, D), lambda i: (i, 0)),
            out_shape=jax.ShapeDtypeStruct((N, D), f32),
        )(*aggs, h0, ns, nd)

    h = h0s
    for step in range(K_STEPS):
        agg2 = edge_kernel(h, e_edge, zeros_agg)
        aggs = [agg2[0], agg2[1]] if use_b else [agg2[0]]
        h = blend(step < K_STEPS - 1, aggs)
    return h[:N0]

# --- scband reference (transcript-rebuilt; emitter-appended) ---
"""Pipeline reference for scband-appnpmodule-83459804496278 (READ-ONLY COPY).

The authoritative reference and input builder live on the scoring server;
editing this copy changes nothing except your own understanding.
"""

import jax, jax.numpy as jnp
import numpy as np

N_NODES = 10000
N_EDGES = 320000
DIM = 128
K_STEPS = 2
ALPHA = 0.1


def setup_inputs(seed: int = 0) -> dict:
    key = jax.random.key(seed)
    k1, k2, k3, k4 = jax.random.split(key, 4)
    x = jax.random.normal(k1, (N_NODES, DIM), dtype=jnp.float32)
    edge_index = jax.random.randint(k2, (2, N_EDGES), 0, N_NODES)
    # nn.Linear(128, 128) parameters (kaiming-uniform-ish init)
    bound = 1.0 / np.sqrt(DIM)
    W = jax.random.uniform(k3, (DIM, DIM), dtype=jnp.float32, minval=-bound, maxval=bound)
    b = jax.random.uniform(k4, (DIM,), dtype=jnp.float32, minval=-bound, maxval=bound)
    return {"x": x, "edge_index": edge_index, "W": W, "b": b}


def reference(x, edge_index, W, b):
    N = x.shape[0]
    src = edge_index[0]
    dst = edge_index[1]
    ones = jnp.ones(src.shape[0], dtype=x.dtype)
    out_deg = jnp.zeros((N,), dtype=x.dtype).at[src].add(ones)
    in_deg = jnp.zeros((N,), dtype=x.dtype).at[dst].add(ones)
    norm_src = jnp.power(jnp.clip(out_deg, 1.0, None), -0.5)[:, None]
    norm_dst = jnp.power(jnp.clip(in_deg, 1.0, None), -0.5)[:, None]
    # dense layer: h = x @ W.T + b
    h = x @ W.T + b
    h0 = h
    # APPNP propagation: k steps of symmetric-normalized aggregation
    for _ in range(K_STEPS):
        h = h * norm_src
        m = h[src]  # gather messages from source nodes
        agg = jnp.zeros((N, h.shape[1]), dtype=h.dtype).at[dst].add(m)  # scatter-add to dst
        h = agg * norm_dst
        h = (1.0 - ALPHA) * h + ALPHA * h0
    return h

if __name__ == "__main__":
    import jax
    _d = setup_inputs()
    print(jax.jit(kernel)(*tuple(_d.values())))

</pallas_src>

<mosaic_0001>
#map = affine_map<(d0, d1) -> (0, 0)>
#map1 = affine_map<(d0, d1) -> (0, 0, 0)>
module attributes {stable_mosaic.version = 14 : i64} {
  func.func @_edge_body(%arg0: i32, %arg1: i32, %arg2: memref<10240x128xf32, #tpu.memory_space<hbm>>, %arg3: memref<2562x2x128xi32, #tpu.memory_space<hbm>>, %arg4: memref<640x128xf32, #tpu.memory_space<hbm>>, %arg5: memref<2x10240x128xf32, #tpu.memory_space<hbm>>, %arg6: memref<2x2x2x128xi32, #tpu.memory_space<vmem>>, %arg7: memref<2x128x128xf32, #tpu.memory_space<vmem>>, %arg8: memref<10240x128xf32, #tpu.memory_space<vmem_shared>>, %arg9: memref<!tpu.dma_semaphore, #tpu.memory_space<semaphore_mem>>, %arg10: memref<!tpu.dma_semaphore, #tpu.memory_space<semaphore_mem>>, %arg11: memref<!tpu.dma_semaphore, #tpu.memory_space<semaphore_mem>>, %arg12: memref<!tpu.dma_semaphore, #tpu.memory_space<semaphore_mem>>, %arg13: memref<!tpu.dma_semaphore, #tpu.memory_space<semaphore_mem>>, %arg14: memref<!tpu.dma_semaphore, #tpu.memory_space<semaphore_mem>>) attributes {dimension_semantics = [#tpu.dimension_semantics<core_parallel>, #tpu.dimension_semantics<subcore_parallel>], iteration_bounds = array<i64: 2, 16>, scalar_prefetch = 0 : i64, scratch_operands = 9 : i64, tpu.core_type = #tpu.core_type<sc_vector_subcore>, window_params = [{transform_indices = #map}, {transform_indices = #map1}, {transform_indices = #map}, {transform_indices = #map1}]} {
    %eq3A = arith.constant 0 : i32
    %eq3A_0 = arith.cmpi eq, %arg0, %eq3A : i32
    %mul3A = arith.constant 140 : i32
    %mul3A_1 = arith.muli %arg1, %mul3A : i32
    %mul3A_2 = arith.constant 20 : i32
    %mul3A_3 = arith.muli %arg1, %mul3A_2 : i32
    %add3A = arith.constant 2240 : i32
    %add3A_4 = arith.addi %add3A, %mul3A_3 : i32
    %select_n3A = arith.select %eq3A_0, %mul3A_1, %add3A_4 : i32
    %eq3A_5 = arith.constant 0 : i32
    %eq3A_6 = arith.cmpi eq, %arg0, %eq3A_5 : i32
    %jit3A = arith.constant 70 : i32
    %jit3A_7 = arith.constant 10 : i32
    %select_n3A_8 = arith.select %eq3A_6, %jit3A, %jit3A_7 : i32
    %mul3A_9 = arith.constant 640 : i32
    %mul3A_10 = arith.muli %arg1, %mul3A_9 : i32
    %add3A_11 = arith.constant 0 : i32
    %add3A_12 = arith.addi %select_n3A, %add3A_11 : i32
    %dma_start3A = arith.constant 0 : i32
    %dma_start3A_13 = arith.constant 0 : i32
    %dma_start3A_14 = arith.constant 0 : i32
    %dma_start3A_15 = arith.constant 0 : i32
    %dma_start3A_16 = tpu.memref_slice %arg6[%dma_start3A, %dma_start3A_13, %dma_start3A_14, %dma_start3A_15] : memref<2x2x2x128xi32, #tpu.memory_space<vmem>> -> memref<1x2x2x128xi32, #tpu.memory_space<vmem>>
    %dma_start3A_17 = tpu.memref_squeeze %dma_start3A_16 : memref<1x2x2x128xi32, #tpu.memory_space<vmem>> -> memref<2x2x128xi32, #tpu.memory_space<vmem>>
    %dma_start3A_18 = arith.constant 0 : i32
    %dma_start3A_19 = arith.constant 0 : i32
    %dma_start3A_20 = tpu.memref_slice %arg3[%add3A_12, %dma_start3A_18, %dma_start3A_19] : memref<2562x2x128xi32, #tpu.memory_space<hbm>> -> memref<2x2x128xi32, #tpu.memory_space<hbm>>
    %dma_start3A_21 = arith.constant 0 : i32
    %dma_start3A_22 = arith.constant 0 : i32
    %dma_start3A_23 = arith.constant 0 : i32
    %dma_start3A_24 = tpu.memref_slice %arg6[%dma_start3A, %dma_start3A_21, %dma_start3A_22, %dma_start3A_23] : memref<2x2x2x128xi32, #tpu.memory_space<vmem>> -> memref<1x2x2x128xi32, #tpu.memory_space<vmem>>
    %dma_start3A_25 = tpu.memref_squeeze %dma_start3A_24 : memref<1x2x2x128xi32, #tpu.memory_space<vmem>> -> memref<2x2x128xi32, #tpu.memory_space<vmem>>
    %dma_start3A_26 = arith.constant 0 : i32
    %dma_start3A_27 = arith.constant 0 : i32
    %dma_start3A_28 = tpu.memref_slice %arg3[%add3A_12, %dma_start3A_26, %dma_start3A_27] : memref<2562x2x128xi32, #tpu.memory_space<hbm>> -> memref<2x2x128xi32, #tpu.memory_space<hbm>>
    tpu.enqueue_dma source(%dma_start3A_28 : memref<2x2x128xi32, #tpu.memory_space<hbm>>) target(%dma_start3A_25 : memref<2x2x128xi32, #tpu.memory_space<vmem>>) target_semaphore(%arg9 : memref<!tpu.dma_semaphore, #tpu.memory_space<semaphore_mem>>)
    "tpu.region"() ({
      %run_scoped3A = tpu.sem_alloc : memref<!tpu.dma_semaphore, #tpu.memory_space<semaphore_mem>>
      %dma_start3A_76 = arith.constant 0 : i32
      %dma_start3A_77 = tpu.memref_slice %arg8[%mul3A_10, %dma_start3A_76] : memref<10240x128xf32, #tpu.memory_space<vmem_shared>> -> memref<640x128xf32, #tpu.memory_space<vmem_shared>>
      tpu.enqueue_dma source(%arg4 : memref<640x128xf32, #tpu.memory_space<hbm>>) target(%dma_start3A_77 : memref<640x128xf32, #tpu.memory_space<vmem_shared>>) target_semaphore(%run_scoped3A : memref<!tpu.dma_semaphore, #tpu.memory_space<semaphore_mem>>)
      %dma_wait3A_78 = arith.constant 0 : i32
      %dma_wait3A_79 = tpu.memref_slice %arg8[%mul3A_10, %dma_wait3A_78] : memref<10240x128xf32, #tpu.memory_space<vmem_shared>> -> memref<640x128xf32, #tpu.memory_space<vmem_shared>>
      tpu.wait_dma2 semaphore(%run_scoped3A : memref<!tpu.dma_semaphore, #tpu.memory_space<semaphore_mem>>) src(%arg4 : memref<640x128xf32, #tpu.memory_space<hbm>>) dst(%dma_wait3A_79 : memref<640x128xf32, #tpu.memory_space<vmem_shared>>)
      tpu.yield
    }) : () -> ()
    %barrier3A = arith.constant 0 : index
    tpu.barrier barrier_id(%barrier3A)
    %jit3A_29 = arith.constant 2 : i32
    %div3A = arith.divsi %select_n3A_8, %jit3A_29 : i32
    %sign3A = arith.constant 0 : i32
    %sign3A_30 = arith.cmpi sgt, %select_n3A_8, %sign3A : i32
    %sign3A_31 = arith.extui %sign3A_30 : i1 to i32
    %sign3A_32 = arith.constant 0 : i32
    %sign3A_33 = arith.cmpi slt, %select_n3A_8, %sign3A_32 : i32
    %sign3A_34 = arith.extui %sign3A_33 : i1 to i32
    %sign3A_35 = arith.subi %sign3A_31, %sign3A_34 : i32
    %sign3A_36 = arith.constant 0 : i32
    %sign3A_37 = arith.cmpi sgt, %jit3A_29, %sign3A_36 : i32
    %sign3A_38 = arith.extui %sign3A_37 : i1 to i32
    %sign3A_39 = arith.constant 0 : i32
    %sign3A_40 = arith.cmpi slt, %jit3A_29, %sign3A_39 : i32
    %sign3A_41 = arith.extui %sign3A_40 : i1 to i32
    %sign3A_42 = arith.subi %sign3A_38, %sign3A_41 : i32
    %ne3A = arith.cmpi ne, %sign3A_35, %sign3A_42 : i32
    %rem3A = arith.remsi %select_n3A_8, %jit3A_29 : i32
    %ne3A_43 = arith.constant 0 : i32
    %ne3A_44 = arith.cmpi ne, %rem3A, %ne3A_43 : i32
    %and3A = arith.andi %ne3A, %ne3A_44 : i1
    %sub3A = arith.constant 1 : i32
    %sub3A_45 = arith.subi %div3A, %sub3A : i32
    %select_n3A_46 = arith.select %and3A, %sub3A_45, %div3A : i32
    %while3A = arith.constant 0 : i32
    %while3A_47 = arith.constant 0 : i32
    %while3A_48 = arith.subi %select_n3A_46, %while3A_47 : i32
    %while3A_49 = arith.addi %while3A_47, %while3A_48 : i32
    %while3A_50 = arith.constant 1 : i32
    %while3A_51 = arith.divsi %while3A_48, %while3A_50 : i32
    %while3A_52 = arith.muli %while3A_51, %while3A_50 : i32
    %while3A_53 = arith.addi %while3A_47, %while3A_52 : i32
    %while3A_54 = arith.constant 1 : i32
    scf.for %while3A_76 = %while3A_47 to %while3A_53 step %while3A_54  : i32 {
      %mul3A_77 = arith.constant 2 : i32
      %mul3A_78 = arith.muli %mul3A_77, %while3A_76 : i32
      %add3A_79 = arith.constant 0 : i32
      %add3A_80 = arith.addi %mul3A_78, %add3A_79 : i32
      %mul3A_81 = arith.constant 2 : i32
      %mul3A_82 = arith.muli %add3A_80, %mul3A_81 : i32
      %add3A_83 = arith.addi %select_n3A, %mul3A_82 : i32
      %dma_wait3A_84 = arith.constant 0 : i32
      %dma_wait3A_85 = arith.constant 0 : i32
      %dma_wait3A_86 = arith.constant 0 : i32
      %dma_wait3A_87 = arith.constant 0 : i32
      %dma_wait3A_88 = tpu.memref_slice %arg6[%dma_wait3A_84, %dma_wait3A_85, %dma_wait3A_86, %dma_wait3A_87] : memref<2x2x2x128xi32, #tpu.memory_space<vmem>> -> memref<1x2x2x128xi32, #tpu.memory_space<vmem>>
      %dma_wait3A_89 = tpu.memref_squeeze %dma_wait3A_88 : memref<1x2x2x128xi32, #tpu.memory_space<vmem>> -> memref<2x2x128xi32, #tpu.memory_space<vmem>>
      %dma_wait3A_90 = arith.constant 0 : i32
      %dma_wait3A_91 = arith.constant 0 : i32
      %dma_wait3A_92 = tpu.memref_slice %arg3[%add3A_83, %dma_wait3A_90, %dma_wait3A_91] : memref<2562x2x128xi32, #tpu.memory_space<hbm>> -> memref<2x2x128xi32, #tpu.memory_space<hbm>>
      %dma_wait3A_93 = arith.constant 0 : i32
      %dma_wait3A_94 = arith.constant 0 : i32
      %dma_wait3A_95 = arith.constant 0 : i32
      %dma_wait3A_96 = tpu.memref_slice %arg6[%dma_wait3A_84, %dma_wait3A_93, %dma_wait3A_94, %dma_wait3A_95] : memref<2x2x2x128xi32, #tpu.memory_space<vmem>> -> memref<1x2x2x128xi32, #tpu.memory_space<vmem>>
      %dma_wait3A_97 = tpu.memref_squeeze %dma_wait3A_96 : memref<1x2x2x128xi32, #tpu.memory_space<vmem>> -> memref<2x2x128xi32, #tpu.memory_space<vmem>>
      %dma_wait3A_98 = arith.constant 0 : i32
      %dma_wait3A_99 = arith.constant 0 : i32
      %dma_wait3A_100 = tpu.memref_slice %arg3[%add3A_83, %dma_wait3A_98, %dma_wait3A_99] : memref<2562x2x128xi32, #tpu.memory_space<hbm>> -> memref<2x2x128xi32, #tpu.memory_space<hbm>>
      tpu.wait_dma2 semaphore(%arg9 : memref<!tpu.dma_semaphore, #tpu.memory_space<semaphore_mem>>) src(%dma_wait3A_100 : memref<2x2x128xi32, #tpu.memory_space<hbm>>) dst(%dma_wait3A_97 : memref<2x2x128xi32, #tpu.memory_space<vmem>>)
      %add3A_101 = arith.constant 1 : i32
      %add3A_102 = arith.addi %add3A_80, %add3A_101 : i32
      %mul3A_103 = arith.constant 2 : i32
      %mul3A_104 = arith.muli %add3A_102, %mul3A_103 : i32
      %add3A_105 = arith.addi %select_n3A, %mul3A_104 : i32
      %dma_start3A_106 = arith.constant 1 : i32
      %dma_start3A_107 = arith.constant 0 : i32
      %dma_start3A_108 = arith.constant 0 : i32
      %dma_start3A_109 = arith.constant 0 : i32
      %dma_start3A_110 = tpu.memref_slice %arg6[%dma_start3A_106, %dma_start3A_107, %dma_start3A_108, %dma_start3A_109] : memref<2x2x2x128xi32, #tpu.memory_space<vmem>> -> memref<1x2x2x128xi32, #tpu.memory_space<vmem>>
      %dma_start3A_111 = tpu.memref_squeeze %dma_start3A_110 : memref<1x2x2x128xi32, #tpu.memory_space<vmem>> -> memref<2x2x128xi32, #tpu.memory_space<vmem>>
      %dma_start3A_112 = arith.constant 0 : i32
      %dma_start3A_113 = arith.constant 0 : i32
      %dma_start3A_114 = tpu.memref_slice %arg3[%add3A_105, %dma_start3A_112, %dma_start3A_113] : memref<2562x2x128xi32, #tpu.memory_space<hbm>> -> memref<2x2x128xi32, #tpu.memory_space<hbm>>
      %dma_start3A_115 = arith.constant 0 : i32
      %dma_start3A_116 = arith.constant 0 : i32
      %dma_start3A_117 = arith.constant 0 : i32
      %dma_start3A_118 = tpu.memref_slice %arg6[%dma_start3A_106, %dma_start3A_115, %dma_start3A_116, %dma_start3A_117] : memref<2x2x2x128xi32, #tpu.memory_space<vmem>> -> memref<1x2x2x128xi32, #tpu.memory_space<vmem>>
      %dma_start3A_119 = tpu.memref_squeeze %dma_start3A_118 : memref<1x2x2x128xi32, #tpu.memory_space<vmem>> -> memref<2x2x128xi32, #tpu.memory_space<vmem>>
      %dma_start3A_120 = arith.constant 0 : i32
      %dma_start3A_121 = arith.constant 0 : i32
      %dma_start3A_122 = tpu.memref_slice %arg3[%add3A_105, %dma_start3A_120, %dma_start3A_121] : memref<2562x2x128xi32, #tpu.memory_space<hbm>> -> memref<2x2x128xi32, #tpu.memory_space<hbm>>
      tpu.enqueue_dma source(%dma_start3A_122 : memref<2x2x128xi32, #tpu.memory_space<hbm>>) target(%dma_start3A_119 : memref<2x2x128xi32, #tpu.memory_space<vmem>>) target_semaphore(%arg10 : memref<!tpu.dma_semaphore, #tpu.memory_space<semaphore_mem>>)
      %dma_start3A_123 = arith.constant 0 : i32
      %dma_start3A_124 = arith.constant 0 : i32
      %dma_start3A_125 = arith.constant 0 : i32
      %dma_start3A_126 = arith.constant 0 : i32
      %dma_start3A_127 = arith.constant 0 : i32
      %dma_start3A_128 = arith.constant 0 : i32
      %dma_start3A_129 = tpu.memref_slice %arg7[%dma_start3A_126, %dma_start3A_127, %dma_start3A_128] : memref<2x128x128xf32, #tpu.memory_space<vmem>> -> memref<1x128x128xf32, #tpu.memory_space<vmem>>
      %dma_start3A_130 = tpu.memref_squeeze %dma_start3A_129 : memref<1x128x128xf32, #tpu.memory_space<vmem>> -> memref<128x128xf32, #tpu.memory_space<vmem>>
      %dma_start3A_131 = arith.constant 0 : i32
      %dma_start3A_132 = tpu.memref_slice %arg6[%dma_start3A_123, %dma_start3A_124, %dma_start3A_125, %dma_start3A_131] : memref<2x2x2x128xi32, #tpu.memory_space<vmem>> -> memref<1x1x1x128xi32, #tpu.memory_space<vmem>>
      %dma_start3A_133 = tpu.memref_squeeze %dma_start3A_132 : memref<1x1x1x128xi32, #tpu.memory_space<vmem>> -> memref<128xi32, #tpu.memory_space<vmem>>
      %dma_start3A_134 = arith.constant 0 : i32
      %dma_start3A_135 = arith.constant 0 : i32
      %dma_start3A_136 = tpu.memref_slice %arg2[%dma_start3A_134, %dma_start3A_135] : memref<10240x128xf32, #tpu.memory_space<hbm>> -> memref<10240x128xf32, #tpu.memory_space<hbm>>
      tpu.enqueue_indirect_dma source(%dma_start3A_136 : memref<10240x128xf32, #tpu.memory_space<hbm>>) target(%dma_start3A_130 : memref<128x128xf32, #tpu.memory_space<vmem>>) offsets(%dma_start3A_133 : memref<128xi32, #tpu.memory_space<vmem>>) semaphore(%arg11 : memref<!tpu.dma_semaphore, #tpu.memory_space<semaphore_mem>>)
      %dma_start3A_137 = arith.constant 0 : i32
      %dma_start3A_138 = arith.constant 1 : i32
      %dma_start3A_139 = arith.constant 0 : i32
      %dma_start3A_140 = arith.constant 1 : i32
      %dma_start3A_141 = arith.constant 0 : i32
      %dma_start3A_142 = arith.constant 0 : i32
      %dma_start3A_143 = tpu.memref_slice %arg7[%dma_start3A_140, %dma_start3A_141, %dma_start3A_142] : memref<2x128x128xf32, #tpu.memory_space<vmem>> -> memref<1x128x128xf32, #tpu.memory_space<vmem>>
      %dma_start3A_144 = tpu.memref_squeeze %dma_start3A_143 : memref<1x128x128xf32, #tpu.memory_space<vmem>> -> memref<128x128xf32, #tpu.memory_space<vmem>>
      %dma_start3A_145 = arith.constant 0 : i32
      %dma_start3A_146 = tpu.memref_slice %arg6[%dma_start3A_137, %dma_start3A_138, %dma_start3A_139, %dma_start3A_145] : memref<2x2x2x128xi32, #tpu.memory_space<vmem>> -> memref<1x1x1x128xi32, #tpu.memory_space<vmem>>
      %dma_start3A_147 = tpu.memref_squeeze %dma_start3A_146 : memref<1x1x1x128xi32, #tpu.memory_space<vmem>> -> memref<128xi32, #tpu.memory_space<vmem>>
      %dma_start3A_148 = arith.constant 0 : i32
      %dma_start3A_149 = arith.constant 0 : i32
      %dma_start3A_150 = tpu.memref_slice %arg2[%dma_start3A_148, %dma_start3A_149] : memref<10240x128xf32, #tpu.memory_space<hbm>> -> memref<10240x128xf32, #tpu.memory_space<hbm>>
      tpu.enqueue_indirect_dma source(%dma_start3A_150 : memref<10240x128xf32, #tpu.memory_space<hbm>>) target(%dma_start3A_144 : memref<128x128xf32, #tpu.memory_space<vmem>>) offsets(%dma_start3A_147 : memref<128xi32, #tpu.memory_space<vmem>>) semaphore(%arg12 : memref<!tpu.dma_semaphore, #tpu.memory_space<semaphore_mem>>)
      %dma_wait3A_151 = arith.constant 0 : i32
      %dma_wait3A_152 = arith.constant 0 : i32
      %dma_wait3A_153 = arith.constant 0 : i32
      %dma_wait3A_154 = arith.constant 0 : i32
      %dma_wait3A_155 = arith.constant 0 : i32
      %dma_wait3A_156 = arith.constant 0 : i32
      %dma_wait3A_157 = tpu.memref_slice %arg7[%dma_wait3A_154, %dma_wait3A_155, %dma_wait3A_156] : memref<2x128x128xf32, #tpu.memory_space<vmem>> -> memref<1x128x128xf32, #tpu.memory_space<vmem>>
      %dma_wait3A_158 = tpu.memref_squeeze %dma_wait3A_157 : memref<1x128x128xf32, #tpu.memory_space<vmem>> -> memref<128x128xf32, #tpu.memory_space<vmem>>
      %dma_wait3A_159 = arith.constant 0 : i32
      %dma_wait3A_160 = tpu.memref_slice %arg6[%dma_wait3A_151, %dma_wait3A_152, %dma_wait3A_153, %dma_wait3A_159] : memref<2x2x2x128xi32, #tpu.memory_space<vmem>> -> memref<1x1x1x128xi32, #tpu.memory_space<vmem>>
      %dma_wait3A_161 = tpu.memref_squeeze %dma_wait3A_160 : memref<1x1x1x128xi32, #tpu.memory_space<vmem>> -> memref<128xi32, #tpu.memory_space<vmem>>
      %dma_wait3A_162 = arith.constant 0 : i32
      %dma_wait3A_163 = arith.constant 0 : i32
      %dma_wait3A_164 = tpu.memref_slice %arg2[%dma_wait3A_162, %dma_wait3A_163] : memref<10240x128xf32, #tpu.memory_space<hbm>> -> memref<10240x128xf32, #tpu.memory_space<hbm>>
      tpu.wait_indirect_dma semaphore(%arg11 : memref<!tpu.dma_semaphore, #tpu.memory_space<semaphore_mem>>) src(%dma_wait3A_164 : memref<10240x128xf32, #tpu.memory_space<hbm>>) dst(%dma_wait3A_158 : memref<128x128xf32, #tpu.memory_space<vmem>>)
      %dma_start3A_165 = arith.constant 0 : i32
      %dma_start3A_166 = arith.constant 0 : i32
      %dma_start3A_167 = arith.constant 0 : i32
      %dma_start3A_168 = arith.constant 1 : i32
      %dma_start3A_169 = arith.constant 0 : i32
      %dma_start3A_170 = arith.constant 0 : i32
      %dma_start3A_171 = tpu.memref_slice %arg7[%dma_start3A_165, %dma_start3A_169, %dma_start3A_170] : memref<2x128x128xf32, #tpu.memory_space<vmem>> -> memref<1x128x128xf32, #tpu.memory_space<vmem>>
      %dma_start3A_172 = tpu.memref_squeeze %dma_start3A_171 : memref<1x128x128xf32, #tpu.memory_space<vmem>> -> memref<128x128xf32, #tpu.memory_space<vmem>>
      %dma_start3A_173 = arith.constant 0 : i32
      %dma_start3A_174 = tpu.memref_slice %arg6[%dma_start3A_166, %dma_start3A_167, %dma_start3A_168, %dma_start3A_173] : memref<2x2x2x128xi32, #tpu.memory_space<vmem>> -> memref<1x1x1x128xi32, #tpu.memory_space<vmem>>
      %dma_start3A_175 = tpu.memref_squeeze %dma_start3A_174 : memref<1x1x1x128xi32, #tpu.memory_space<vmem>> -> memref<128xi32, #tpu.memory_space<vmem>>
      %dma_start3A_176 = arith.constant 0 : i32
      %dma_start3A_177 = arith.constant 0 : i32
      %dma_start3A_178 = tpu.memref_slice %arg8[%dma_start3A_176, %dma_start3A_177] : memref<10240x128xf32, #tpu.memory_space<vmem_shared>> -> memref<10240x128xf32, #tpu.memory_space<vmem_shared>>
      tpu.enqueue_indirect_dma source(%dma_start3A_172 : memref<128x128xf32, #tpu.memory_space<vmem>>) target(%dma_start3A_178 : memref<10240x128xf32, #tpu.memory_space<vmem_shared>>) offsets(%dma_start3A_175 : memref<128xi32, #tpu.memory_space<vmem>>) semaphore(%arg13 : memref<!tpu.dma_semaphore, #tpu.memory_space<semaphore_mem>>) {add = true}
      %dma_wait3A_179 = arith.constant 0 : i32
      %dma_wait3A_180 = arith.constant 1 : i32
      %dma_wait3A_181 = arith.constant 0 : i32
      %dma_wait3A_182 = arith.constant 1 : i32
      %dma_wait3A_183 = arith.constant 0 : i32
      %dma_wait3A_184 = arith.constant 0 : i32
      %dma_wait3A_185 = tpu.memref_slice %arg7[%dma_wait3A_182, %dma_wait3A_183, %dma_wait3A_184] : memref<2x128x128xf32, #tpu.memory_space<vmem>> -> memref<1x128x128xf32, #tpu.memory_space<vmem>>
      %dma_wait3A_186 = tpu.memref_squeeze %dma_wait3A_185 : memref<1x128x128xf32, #tpu.memory_space<vmem>> -> memref<128x128xf32, #tpu.memory_space<vmem>>
      %dma_wait3A_187 = arith.constant 0 : i32
      %dma_wait3A_188 = tpu.memref_slice %arg6[%dma_wait3A_179, %dma_wait3A_180, %dma_wait3A_181, %dma_wait3A_187] : memref<2x2x2x128xi32, #tpu.memory_space<vmem>> -> memref<1x1x1x128xi32, #tpu.memory_space<vmem>>
      %dma_wait3A_189 = tpu.memref_squeeze %dma_wait3A_188 : memref<1x1x1x128xi32, #tpu.memory_space<vmem>> -> memref<128xi32, #tpu.memory_space<vmem>>
      %dma_wait3A_190 = arith.constant 0 : i32
      %dma_wait3A_191 = arith.constant 0 : i32
      %dma_wait3A_192 = tpu.memref_slice %arg2[%dma_wait3A_190, %dma_wait3A_191] : memref<10240x128xf32, #tpu.memory_space<hbm>> -> memref<10240x128xf32, #tpu.memory_space<hbm>>
      tpu.wait_indirect_dma semaphore(%arg12 : memref<!tpu.dma_semaphore, #tpu.memory_space<semaphore_mem>>) src(%dma_wait3A_192 : memref<10240x128xf32, #tpu.memory_space<hbm>>) dst(%dma_wait3A_186 : memref<128x128xf32, #tpu.memory_space<vmem>>)
      %dma_start3A_193 = arith.constant 1 : i32
      %dma_start3A_194 = arith.constant 0 : i32
      %dma_start3A_195 = arith.constant 1 : i32
      %dma_start3A_196 = arith.constant 1 : i32
      %dma_start3A_197 = arith.constant 0 : i32
      %dma_start3A_198 = arith.constant 0 : i32
      %dma_start3A_199 = tpu.memref_slice %arg7[%dma_start3A_193, %dma_start3A_197, %dma_start3A_198] : memref<2x128x128xf32, #tpu.memory_space<vmem>> -> memref<1x128x128xf32, #tpu.memory_space<vmem>>
      %dma_start3A_200 = tpu.memref_squeeze %dma_start3A_199 : memref<1x128x128xf32, #tpu.memory_space<vmem>> -> memref<128x128xf32, #tpu.memory_space<vmem>>
      %dma_start3A_201 = arith.constant 0 : i32
      %dma_start3A_202 = tpu.memref_slice %arg6[%dma_start3A_194, %dma_start3A_195, %dma_start3A_196, %dma_start3A_201] : memref<2x2x2x128xi32, #tpu.memory_space<vmem>> -> memref<1x1x1x128xi32, #tpu.memory_space<vmem>>
      %dma_start3A_203 = tpu.memref_squeeze %dma_start3A_202 : memref<1x1x1x128xi32, #tpu.memory_space<vmem>> -> memref<128xi32, #tpu.memory_space<vmem>>
      %dma_start3A_204 = arith.constant 0 : i32
      %dma_start3A_205 = arith.constant 0 : i32
      %dma_start3A_206 = tpu.memref_slice %arg8[%dma_start3A_204, %dma_start3A_205] : memref<10240x128xf32, #tpu.memory_space<vmem_shared>> -> memref<10240x128xf32, #tpu.memory_space<vmem_shared>>
      tpu.enqueue_indirect_dma source(%dma_start3A_200 : memref<128x128xf32, #tpu.memory_space<vmem>>) target(%dma_start3A_206 : memref<10240x128xf32, #tpu.memory_space<vmem_shared>>) offsets(%dma_start3A_203 : memref<128xi32, #tpu.memory_space<vmem>>) semaphore(%arg14 : memref<!tpu.dma_semaphore, #tpu.memory_space<semaphore_mem>>) {add = true}
      %dma_wait3A_207 = arith.constant 0 : i32
      %dma_wait3A_208 = arith.constant 0 : i32
      %dma_wait3A_209 = arith.constant 0 : i32
      %dma_wait3A_210 = arith.constant 1 : i32
      %dma_wait3A_211 = arith.constant 0 : i32
      %dma_wait3A_212 = arith.constant 0 : i32
      %dma_wait3A_213 = tpu.memref_slice %arg7[%dma_wait3A_207, %dma_wait3A_211, %dma_wait3A_212] : memref<2x128x128xf32, #tpu.memory_space<vmem>> -> memref<1x128x128xf32, #tpu.memory_space<vmem>>
      %dma_wait3A_214 = tpu.memref_squeeze %dma_wait3A_213 : memref<1x128x128xf32, #tpu.memory_space<vmem>> -> memref<128x128xf32, #tpu.memory_space<vmem>>
      %dma_wait3A_215 = arith.constant 0 : i32
      %dma_wait3A_216 = tpu.memref_slice %arg6[%dma_wait3A_208, %dma_wait3A_209, %dma_wait3A_210, %dma_wait3A_215] : memref<2x2x2x128xi32, #tpu.memory_space<vmem>> -> memref<1x1x1x128xi32, #tpu.memory_space<vmem>>
      %dma_wait3A_217 = tpu.memref_squeeze %dma_wait3A_216 : memref<1x1x1x128xi32, #tpu.memory_space<vmem>> -> memref<128xi32, #tpu.memory_space<vmem>>
      %dma_wait3A_218 = arith.constant 0 : i32
      %dma_wait3A_219 = arith.constant 0 : i32
      %dma_wait3A_220 = tpu.memref_slice %arg8[%dma_wait3A_218, %dma_wait3A_219] : memref<10240x128xf32, #tpu.memory_space<vmem_shared>> -> memref<10240x128xf32, #tpu.memory_space<vmem_shared>>
      tpu.wait_indirect_dma semaphore(%arg13 : memref<!tpu.dma_semaphore, #tpu.memory_space<semaphore_mem>>) src(%dma_wait3A_214 : memref<128x128xf32, #tpu.memory_space<vmem>>) dst(%dma_wait3A_220 : memref<10240x128xf32, #tpu.memory_space<vmem_shared>>)
      %dma_wait3A_221 = arith.constant 1 : i32
      %dma_wait3A_222 = arith.constant 0 : i32
      %dma_wait3A_223 = arith.constant 1 : i32
      %dma_wait3A_224 = arith.constant 1 : i32
      %dma_wait3A_225 = arith.constant 0 : i32
      %dma_wait3A_226 = arith.constant 0 : i32
      %dma_wait3A_227 = tpu.memref_slice %arg7[%dma_wait3A_221, %dma_wait3A_225, %dma_wait3A_226] : memref<2x128x128xf32, #tpu.memory_space<vmem>> -> memref<1x128x128xf32, #tpu.memory_space<vmem>>
      %dma_wait3A_228 = tpu.memref_squeeze %dma_wait3A_227 : memref<1x128x128xf32, #tpu.memory_space<vmem>> -> memref<128x128xf32, #tpu.memory_space<vmem>>
      %dma_wait3A_229 = arith.constant 0 : i32
      %dma_wait3A_230 = tpu.memref_slice %arg6[%dma_wait3A_222, %dma_wait3A_223, %dma_wait3A_224, %dma_wait3A_229] : memref<2x2x2x128xi32, #tpu.memory_space<vmem>> -> memref<1x1x1x128xi32, #tpu.memory_space<vmem>>
      %dma_wait3A_231 = tpu.memref_squeeze %dma_wait3A_230 : memref<1x1x1x128xi32, #tpu.memory_space<vmem>> -> memref<128xi32, #tpu.memory_space<vmem>>
      %dma_wait3A_232 = arith.constant 0 : i32
      %dma_wait3A_233 = arith.constant 0 : i32
      %dma_wait3A_234 = tpu.memref_slice %arg8[%dma_wait3A_232, %dma_wait3A_233] : memref<10240x128xf32, #tpu.memory_space<vmem_shared>> -> memref<10240x128xf32, #tpu.memory_space<vmem_shared>>
      tpu.wait_indirect_dma semaphore(%arg14 : memref<!tpu.dma_semaphore, #tpu.memory_space<semaphore_mem>>) src(%dma_wait3A_228 : memref<128x128xf32, #tpu.memory_space<vmem>>) dst(%dma_wait3A_234 : memref<10240x128xf32, #tpu.memory_space<vmem_shared>>)
      %mul3A_235 = arith.constant 2 : i32
      %mul3A_236 = arith.muli %mul3A_235, %while3A_76 : i32
      %add3A_237 = arith.constant 1 : i32
      %add3A_238 = arith.addi %mul3A_236, %add3A_237 : i32
      %mul3A_239 = arith.constant 2 : i32
      %mul3A_240 = arith.muli %add3A_238, %mul3A_239 : i32
      %add3A_241 = arith.addi %select_n3A, %mul3A_240 : i32
      %dma_wait3A_242 = arith.constant 1 : i32
      %dma_wait3A_243 = arith.constant 0 : i32
      %dma_wait3A_244 = arith.constant 0 : i32
      %dma_wait3A_245 = arith.constant 0 : i32
      %dma_wait3A_246 = tpu.memref_slice %arg6[%dma_wait3A_242, %dma_wait3A_243, %dma_wait3A_244, %dma_wait3A_245] : memref<2x2x2x128xi32, #tpu.memory_space<vmem>> -> memref<1x2x2x128xi32, #tpu.memory_space<vmem>>
      %dma_wait3A_247 = tpu.memref_squeeze %dma_wait3A_246 : memref<1x2x2x128xi32, #tpu.memory_space<vmem>> -> memref<2x2x128xi32, #tpu.memory_space<vmem>>
      %dma_wait3A_248 = arith.constant 0 : i32
      %dma_wait3A_249 = arith.constant 0 : i32
      %dma_wait3A_250 = tpu.memref_slice %arg3[%add3A_241, %dma_wait3A_248, %dma_wait3A_249] : memref<2562x2x128xi32, #tpu.memory_space<hbm>> -> memref<2x2x128xi32, #tpu.memory_space<hbm>>
      %dma_wait3A_251 = arith.constant 0 : i32
      %dma_wait3A_252 = arith.constant 0 : i32
      %dma_wait3A_253 = arith.constant 0 : i32
      %dma_wait3A_254 = tpu.memref_slice %arg6[%dma_wait3A_242, %dma_wait3A_251, %dma_wait3A_252, %dma_wait3A_253] : memref<2x2x2x128xi32, #tpu.memory_space<vmem>> -> memref<1x2x2x128xi32, #tpu.memory_space<vmem>>
      %dma_wait3A_255 = tpu.memref_squeeze %dma_wait3A_254 : memref<1x2x2x128xi32, #tpu.memory_space<vmem>> -> memref<2x2x128xi32, #tpu.memory_space<vmem>>
      %dma_wait3A_256 = arith.constant 0 : i32
      %dma_wait3A_257 = arith.constant 0 : i32
      %dma_wait3A_258 = tpu.memref_slice %arg3[%add3A_241, %dma_wait3A_256, %dma_wait3A_257] : memref<2562x2x128xi32, #tpu.memory_space<hbm>> -> memref<2x2x128xi32, #tpu.memory_space<hbm>>
      tpu.wait_dma2 semaphore(%arg10 : memref<!tpu.dma_semaphore, #tpu.memory_space<semaphore_mem>>) src(%dma_wait3A_258 : memref<2x2x128xi32, #tpu.memory_space<hbm>>) dst(%dma_wait3A_255 : memref<2x2x128xi32, #tpu.memory_space<vmem>>)
      %add3A_259 = arith.constant 1 : i32
      %add3A_260 = arith.addi %add3A_238, %add3A_259 : i32
      %mul3A_261 = arith.constant 2 : i32
      %mul3A_262 = arith.muli %add3A_260, %mul3A_261 : i32
      %add3A_263 = arith.addi %select_n3A, %mul3A_262 : i32
      %dma_start3A_264 = arith.constant 0 : i32
      %dma_start3A_265 = arith.constant 0 : i32
      %dma_start3A_266 = arith.constant 0 : i32
      %dma_start3A_267 = arith.constant 0 : i32
      %dma_start3A_268 = tpu.memref_slice %arg6[%dma_start3A_264, %dma_start3A_265, %dma_start3A_266, %dma_start3A_267] : memref<2x2x2x128xi32, #tpu.memory_space<vmem>> -> memref<1x2x2x128xi32, #tpu.memory_space<vmem>>
      %dma_start3A_269 = tpu.memref_squeeze %dma_start3A_268 : memref<1x2x2x128xi32, #tpu.memory_space<vmem>> -> memref<2x2x128xi32, #tpu.memory_space<vmem>>
      %dma_start3A_270 = arith.constant 0 : i32
      %dma_start3A_271 = arith.constant 0 : i32
      %dma_start3A_272 = tpu.memref_slice %arg3[%add3A_263, %dma_start3A_270, %dma_start3A_271] : memref<2562x2x128xi32, #tpu.memory_space<hbm>> -> memref<2x2x128xi32, #tpu.memory_space<hbm>>
      %dma_start3A_273 = arith.constant 0 : i32
      %dma_start3A_274 = arith.constant 0 : i32
      %dma_start3A_275 = arith.constant 0 : i32
      %dma_start3A_276 = tpu.memref_slice %arg6[%dma_start3A_264, %dma_start3A_273, %dma_start3A_274, %dma_start3A_275] : memref<2x2x2x128xi32, #tpu.memory_space<vmem>> -> memref<1x2x2x128xi32, #tpu.memory_space<vmem>>
      %dma_start3A_277 = tpu.memref_squeeze %dma_start3A_276 : memref<1x2x2x128xi32, #tpu.memory_space<vmem>> -> memref<2x2x128xi32, #tpu.memory_space<vmem>>
      %dma_start3A_278 = arith.constant 0 : i32
      %dma_start3A_279 = arith.constant 0 : i32
      %dma_start3A_280 = tpu.memref_slice %arg3[%add3A_263, %dma_start3A_278, %dma_start3A_279] : memref<2562x2x128xi32, #tpu.memory_space<hbm>> -> memref<2x2x128xi32, #tpu.memory_space<hbm>>
      tpu.enqueue_dma source(%dma_start3A_280 : memref<2x2x128xi32, #tpu.memory_space<hbm>>) target(%dma_start3A_277 : memref<2x2x128xi32, #tpu.memory_space<vmem>>) target_semaphore(%arg9 : memref<!tpu.dma_semaphore, #tpu.memory_space<semaphore_mem>>)
      %dma_start3A_281 = arith.constant 1 : i32
      %dma_start3A_282 = arith.constant 0 : i32
      %dma_start3A_283 = arith.constant 0 : i32
      %dma_start3A_284 = arith.constant 0 : i32
      %dma_start3A_285 = arith.constant 0 : i32
      %dma_start3A_286 = arith.constant 0 : i32
      %dma_start3A_287 = tpu.memref_slice %arg7[%dma_start3A_284, %dma_start3A_285, %dma_start3A_286] : memref<2x128x128xf32, #tpu.memory_space<vmem>> -> memref<1x128x128xf32, #tpu.memory_space<vmem>>
      %dma_start3A_288 = tpu.memref_squeeze %dma_start3A_287 : memref<1x128x128xf32, #tpu.memory_space<vmem>> -> memref<128x128xf32, #tpu.memory_space<vmem>>
      %dma_start3A_289 = arith.constant 0 : i32
      %dma_start3A_290 = tpu.memref_slice %arg6[%dma_start3A_281, %dma_start3A_282, %dma_start3A_283, %dma_start3A_289] : memref<2x2x2x128xi32, #tpu.memory_space<vmem>> -> memref<1x1x1x128xi32, #tpu.memory_space<vmem>>
      %dma_start3A_291 = tpu.memref_squeeze %dma_start3A_290 : memref<1x1x1x128xi32, #tpu.memory_space<vmem>> -> memref<128xi32, #tpu.memory_space<vmem>>
      %dma_start3A_292 = arith.constant 0 : i32
      %dma_start3A_293 = arith.constant 0 : i32
      %dma_start3A_294 = tpu.memref_slice %arg2[%dma_start3A_292, %dma_start3A_293] : memref<10240x128xf32, #tpu.memory_space<hbm>> -> memref<10240x128xf32, #tpu.memory_space<hbm>>
      tpu.enqueue_indirect_dma source(%dma_start3A_294 : memref<10240x128xf32, #tpu.memory_space<hbm>>) target(%dma_start3A_288 : memref<128x128xf32, #tpu.memory_space<vmem>>) offsets(%dma_start3A_291 : memref<128xi32, #tpu.memory_space<vmem>>) semaphore(%arg11 : memref<!tpu.dma_semaphore, #tpu.memory_space<semaphore_mem>>)
      %dma_start3A_295 = arith.constant 1 : i32
      %dma_start3A_296 = arith.constant 1 : i32
      %dma_start3A_297 = arith.constant 0 : i32
      %dma_start3A_298 = arith.constant 1 : i32
      %dma_start3A_299 = arith.constant 0 : i32
      %dma_start3A_300 = arith.constant 0 : i32
      %dma_start3A_301 = tpu.memref_slice %arg7[%dma_start3A_298, %dma_start3A_299, %dma_start3A_300] : memref<2x128x128xf32, #tpu.memory_space<vmem>> -> memref<1x128x128xf32, #tpu.memory_space<vmem>>
      %dma_start3A_302 = tpu.memref_squeeze %dma_start3A_301 : memref<1x128x128xf32, #tpu.memory_space<vmem>> -> memref<128x128xf32, #tpu.memory_space<vmem>>
      %dma_start3A_303 = arith.constant 0 : i32
      %dma_start3A_304 = tpu.memref_slice %arg6[%dma_start3A_295, %dma_start3A_296, %dma_start3A_297, %dma_start3A_303] : memref<2x2x2x128xi32, #tpu.memory_space<vmem>> -> memref<1x1x1x128xi32, #tpu.memory_space<vmem>>
      %dma_start3A_305 = tpu.memref_squeeze %dma_start3A_304 : memref<1x1x1x128xi32, #tpu.memory_space<vmem>> -> memref<128xi32, #tpu.memory_space<vmem>>
      %dma_start3A_306 = arith.constant 0 : i32
      %dma_start3A_307 = arith.constant 0 : i32
      %dma_start3A_308 = tpu.memref_slice %arg2[%dma_start3A_306, %dma_start3A_307] : memref<10240x128xf32, #tpu.memory_space<hbm>> -> memref<10240x128xf32, #tpu.memory_space<hbm>>
      tpu.enqueue_indirect_dma source(%dma_start3A_308 : memref<10240x128xf32, #tpu.memory_space<hbm>>) target(%dma_start3A_302 : memref<128x128xf32, #tpu.memory_space<vmem>>) offsets(%dma_start3A_305 : memref<128xi32, #tpu.memory_space<vmem>>) semaphore(%arg12 : memref<!tpu.dma_semaphore, #tpu.memory_space<semaphore_mem>>)
      %dma_wait3A_309 = arith.constant 1 : i32
      %dma_wait3A_310 = arith.constant 0 : i32
      %dma_wait3A_311 = arith.constant 0 : i32
      %dma_wait3A_312 = arith.constant 0 : i32
      %dma_wait3A_313 = arith.constant 0 : i32
      %dma_wait3A_314 = arith.constant 0 : i32
      %dma_wait3A_315 = tpu.memref_slice %arg7[%dma_wait3A_312, %dma_wait3A_313, %dma_wait3A_314] : memref<2x128x128xf32, #tpu.memory_space<vmem>> -> memref<1x128x128xf32, #tpu.memory_space<vmem>>
      %dma_wait3A_316 = tpu.memref_squeeze %dma_wait3A_315 : memref<1x128x128xf32, #tpu.memory_space<vmem>> -> memref<128x128xf32, #tpu.memory_space<vmem>>
      %dma_wait3A_317 = arith.constant 0 : i32
      %dma_wait3A_318 = tpu.memref_slice %arg6[%dma_wait3A_309, %dma_wait3A_310, %dma_wait3A_311, %dma_wait3A_317] : memref<2x2x2x128xi32, #tpu.memory_space<vmem>> -> memref<1x1x1x128xi32, #tpu.memory_space<vmem>>
      %dma_wait3A_319 = tpu.memref_squeeze %dma_wait3A_318 : memref<1x1x1x128xi32, #tpu.memory_space<vmem>> -> memref<128xi32, #tpu.memory_space<vmem>>
      %dma_wait3A_320 = arith.constant 0 : i32
      %dma_wait3A_321 = arith.constant 0 : i32
      %dma_wait3A_322 = tpu.memref_slice %arg2[%dma_wait3A_320, %dma_wait3A_321] : memref<10240x128xf32, #tpu.memory_space<hbm>> -> memref<10240x128xf32, #tpu.memory_space<hbm>>
      tpu.wait_indirect_dma semaphore(%arg11 : memref<!tpu.dma_semaphore, #tpu.memory_space<semaphore_mem>>) src(%dma_wait3A_322 : memref<10240x128xf32, #tpu.memory_space<hbm>>) dst(%dma_wait3A_316 : memref<128x128xf32, #tpu.memory_space<vmem>>)
      %dma_start3A_323 = arith.constant 0 : i32
      %dma_start3A_324 = arith.constant 1 : i32
      %dma_start3A_325 = arith.constant 0 : i32
      %dma_start3A_326 = arith.constant 1 : i32
      %dma_start3A_327 = arith.constant 0 : i32
      %dma_start3A_328 = arith.constant 0 : i32
      %dma_start3A_329 = tpu.memref_slice %arg7[%dma_start3A_323, %dma_start3A_327, %dma_start3A_328] : memref<2x128x128xf32, #tpu.memory_space<vmem>> -> memref<1x128x128xf32, #tpu.memory_space<vmem>>
      %dma_start3A_330 = tpu.memref_squeeze %dma_start3A_329 : memref<1x128x128xf32, #tpu.memory_space<vmem>> -> memref<128x128xf32, #tpu.memory_space<vmem>>
      %dma_start3A_331 = arith.constant 0 : i32
      %dma_start3A_332 = tpu.memref_slice %arg6[%dma_start3A_324, %dma_start3A_325, %dma_start3A_326, %dma_start3A_331] : memref<2x2x2x128xi32, #tpu.memory_space<vmem>> -> memref<1x1x1x128xi32, #tpu.memory_space<vmem>>
      %dma_start3A_333 = tpu.memref_squeeze %dma_start3A_332 : memref<1x1x1x128xi32, #tpu.memory_space<vmem>> -> memref<128xi32, #tpu.memory_space<vmem>>
      %dma_start3A_334 = arith.constant 0 : i32
      %dma_start3A_335 = arith.constant 0 : i32
      %dma_start3A_336 = tpu.memref_slice %arg8[%dma_start3A_334, %dma_start3A_335] : memref<10240x128xf32, #tpu.memory_space<vmem_shared>> -> memref<10240x128xf32, #tpu.memory_space<vmem_shared>>
      tpu.enqueue_indirect_dma source(%dma_start3A_330 : memref<128x128xf32, #tpu.memory_space<vmem>>) target(%dma_start3A_336 : memref<10240x128xf32, #tpu.memory_space<vmem_shared>>) offsets(%dma_start3A_333 : memref<128xi32, #tpu.memory_space<vmem>>) semaphore(%arg13 : memref<!tpu.dma_semaphore, #tpu.memory_space<semaphore_mem>>) {add = true}
      %dma_wait3A_337 = arith.constant 1 : i32
      %dma_wait3A_338 = arith.constant 1 : i32
      %dma_wait3A_339 = arith.constant 0 : i32
      %dma_wait3A_340 = arith.constant 1 : i32
      %dma_wait3A_341 = arith.constant 0 : i32
      %dma_wait3A_342 = arith.constant 0 : i32
      %dma_wait3A_343 = tpu.memref_slice %arg7[%dma_wait3A_340, %dma_wait3A_341, %dma_wait3A_342] : memref<2x128x128xf32, #tpu.memory_space<vmem>> -> memref<1x128x128xf32, #tpu.memory_space<vmem>>
      %dma_wait3A_344 = tpu.memref_squeeze %dma_wait3A_343 : memref<1x128x128xf32, #tpu.memory_space<vmem>> -> memref<128x128xf32, #tpu.memory_space<vmem>>
      %dma_wait3A_345 = arith.constant 0 : i32
      %dma_wait3A_346 = tpu.memref_slice %arg6[%dma_wait3A_337, %dma_wait3A_338, %dma_wait3A_339, %dma_wait3A_345] : memref<2x2x2x128xi32, #tpu.memory_space<vmem>> -> memref<1x1x1x128xi32, #tpu.memory_space<vmem>>
      %dma_wait3A_347 = tpu.memref_squeeze %dma_wait3A_346 : memref<1x1x1x128xi32, #tpu.memory_space<vmem>> -> memref<128xi32, #tpu.memory_space<vmem>>
      %dma_wait3A_348 = arith.constant 0 : i32
      %dma_wait3A_349 = arith.constant 0 : i32
      %dma_wait3A_350 = tpu.memref_slice %arg2[%dma_wait3A_348, %dma_wait3A_349] : memref<10240x128xf32, #tpu.memory_space<hbm>> -> memref<10240x128xf32, #tpu.memory_space<hbm>>
      tpu.wait_indirect_dma semaphore(%arg12 : memref<!tpu.dma_semaphore, #tpu.memory_space<semaphore_mem>>) src(%dma_wait3A_350 : memref<10240x128xf32, #tpu.memory_space<hbm>>) dst(%dma_wait3A_344 : memref<128x128xf32, #tpu.memory_space<vmem>>)
      %dma_start3A_351 = arith.constant 1 : i32
      %dma_start3A_352 = arith.constant 1 : i32
      %dma_start3A_353 = arith.constant 1 : i32
      %dma_start3A_354 = arith.constant 1 : i32
      %dma_start3A_355 = arith.constant 0 : i32
      %dma_start3A_356 = arith.constant 0 : i32
      %dma_start3A_357 = tpu.memref_slice %arg7[%dma_start3A_351, %dma_start3A_355, %dma_start3A_356] : memref<2x128x128xf32, #tpu.memory_space<vmem>> -> memref<1x128x128xf32, #tpu.memory_space<vmem>>
      %dma_start3A_358 = tpu.memref_squeeze %dma_start3A_357 : memref<1x128x128xf32, #tpu.memory_space<vmem>> -> memref<128x128xf32, #tpu.memory_space<vmem>>
      %dma_start3A_359 = arith.constant 0 : i32
      %dma_start3A_360 = tpu.memref_slice %arg6[%dma_start3A_352, %dma_start3A_353, %dma_start3A_354, %dma_start3A_359] : memref<2x2x2x128xi32, #tpu.memory_space<vmem>> -> memref<1x1x1x128xi32, #tpu.memory_space<vmem>>
      %dma_start3A_361 = tpu.memref_squeeze %dma_start3A_360 : memref<1x1x1x128xi32, #tpu.memory_space<vmem>> -> memref<128xi32, #tpu.memory_space<vmem>>
      %dma_start3A_362 = arith.constant 0 : i32
      %dma_start3A_363 = arith.constant 0 : i32
      %dma_start3A_364 = tpu.memref_slice %arg8[%dma_start3A_362, %dma_start3A_363] : memref<10240x128xf32, #tpu.memory_space<vmem_shared>> -> memref<10240x128xf32, #tpu.memory_space<vmem_shared>>
      tpu.enqueue_indirect_dma source(%dma_start3A_358 : memref<128x128xf32, #tpu.memory_space<vmem>>) target(%dma_start3A_364 : memref<10240x128xf32, #tpu.memory_space<vmem_shared>>) offsets(%dma_start3A_361 : memref<128xi32, #tpu.memory_space<vmem>>) semaphore(%arg14 : memref<!tpu.dma_semaphore, #tpu.memory_space<semaphore_mem>>) {add = true}
      %dma_wait3A_365 = arith.constant 0 : i32
      %dma_wait3A_366 = arith.constant 1 : i32
      %dma_wait3A_367 = arith.constant 0 : i32
      %dma_wait3A_368 = arith.constant 1 : i32
      %dma_wait3A_369 = arith.constant 0 : i32
      %dma_wait3A_370 = arith.constant 0 : i32
      %dma_wait3A_371 = tpu.memref_slice %arg7[%dma_wait3A_365, %dma_wait3A_369, %dma_wait3A_370] : memref<2x128x128xf32, #tpu.memory_space<vmem>> -> memref<1x128x128xf32, #tpu.memory_space<vmem>>
      %dma_wait3A_372 = tpu.memref_squeeze %dma_wait3A_371 : memref<1x128x128xf32, #tpu.memory_space<vmem>> -> memref<128x128xf32, #tpu.memory_space<vmem>>
      %dma_wait3A_373 = arith.constant 0 : i32
      %dma_wait3A_374 = tpu.memref_slice %arg6[%dma_wait3A_366, %dma_wait3A_367, %dma_wait3A_368, %dma_wait3A_373] : memref<2x2x2x128xi32, #tpu.memory_space<vmem>> -> memref<1x1x1x128xi32, #tpu.memory_space<vmem>>
      %dma_wait3A_375 = tpu.memref_squeeze %dma_wait3A_374 : memref<1x1x1x128xi32, #tpu.memory_space<vmem>> -> memref<128xi32, #tpu.memory_space<vmem>>
      %dma_wait3A_376 = arith.constant 0 : i32
      %dma_wait3A_377 = arith.constant 0 : i32
      %dma_wait3A_378 = tpu.memref_slice %arg8[%dma_wait3A_376, %dma_wait3A_377] : memref<10240x128xf32, #tpu.memory_space<vmem_shared>> -> memref<10240x128xf32, #tpu.memory_space<vmem_shared>>
      tpu.wait_indirect_dma semaphore(%arg13 : memref<!tpu.dma_semaphore, #tpu.memory_space<semaphore_mem>>) src(%dma_wait3A_372 : memref<128x128xf32, #tpu.memory_space<vmem>>) dst(%dma_wait3A_378 : memref<10240x128xf32, #tpu.memory_space<vmem_shared>>)
      %dma_wait3A_379 = arith.constant 1 : i32
      %dma_wait3A_380 = arith.constant 1 : i32
      %dma_wait3A_381 = arith.constant 1 : i32
      %dma_wait3A_382 = arith.constant 1 : i32
      %dma_wait3A_383 = arith.constant 0 : i32
      %dma_wait3A_384 = arith.constant 0 : i32
      %dma_wait3A_385 = tpu.memref_slice %arg7[%dma_wait3A_379, %dma_wait3A_383, %dma_wait3A_384] : memref<2x128x128xf32, #tpu.memory_space<vmem>> -> memref<1x128x128xf32, #tpu.memory_space<vmem>>
      %dma_wait3A_386 = tpu.memref_squeeze %dma_wait3A_385 : memref<1x128x128xf32, #tpu.memory_space<vmem>> -> memref<128x128xf32, #tpu.memory_space<vmem>>
      %dma_wait3A_387 = arith.constant 0 : i32
      %dma_wait3A_388 = tpu.memref_slice %arg6[%dma_wait3A_380, %dma_wait3A_381, %dma_wait3A_382, %dma_wait3A_387] : memref<2x2x2x128xi32, #tpu.memory_space<vmem>> -> memref<1x1x1x128xi32, #tpu.memory_space<vmem>>
      %dma_wait3A_389 = tpu.memref_squeeze %dma_wait3A_388 : memref<1x1x1x128xi32, #tpu.memory_space<vmem>> -> memref<128xi32, #tpu.memory_space<vmem>>
      %dma_wait3A_390 = arith.constant 0 : i32
      %dma_wait3A_391 = arith.constant 0 : i32
      %dma_wait3A_392 = tpu.memref_slice %arg8[%dma_wait3A_390, %dma_wait3A_391] : memref<10240x128xf32, #tpu.memory_space<vmem_shared>> -> memref<10240x128xf32, #tpu.memory_space<vmem_shared>>
      tpu.wait_indirect_dma semaphore(%arg14 : memref<!tpu.dma_semaphore, #tpu.memory_space<semaphore_mem>>) src(%dma_wait3A_386 : memref<128x128xf32, #tpu.memory_space<vmem>>) dst(%dma_wait3A_392 : memref<10240x128xf32, #tpu.memory_space<vmem_shared>>)
    }
    %while3A_55 = arith.constant 1 : i32
    scf.for %while3A_76 = %while3A_53 to %while3A_49 step %while3A_55  : i32 {
      %mul3A_77 = arith.constant 2 : i32
      %mul3A_78 = arith.muli %mul3A_77, %while3A_76 : i32
      %add3A_79 = arith.constant 0 : i32
      %add3A_80 = arith.addi %mul3A_78, %add3A_79 : i32
      %mul3A_81 = arith.constant 2 : i32
      %mul3A_82 = arith.muli %add3A_80, %mul3A_81 : i32
      %add3A_83 = arith.addi %select_n3A, %mul3A_82 : i32
      %dma_wait3A_84 = arith.constant 0 : i32
      %dma_wait3A_85 = arith.constant 0 : i32
      %dma_wait3A_86 = arith.constant 0 : i32
      %dma_wait3A_87 = arith.constant 0 : i32
      %dma_wait3A_88 = tpu.memref_slice %arg6[%dma_wait3A_84, %dma_wait3A_85, %dma_wait3A_86, %dma_wait3A_87] : memref<2x2x2x128xi32, #tpu.memory_space<vmem>> -> memref<1x2x2x128xi32, #tpu.memory_space<vmem>>
      %dma_wait3A_89 = tpu.memref_squeeze %dma_wait3A_88 : memref<1x2x2x128xi32, #tpu.memory_space<vmem>> -> memref<2x2x128xi32, #tpu.memory_space<vmem>>
      %dma_wait3A_90 = arith.constant 0 : i32
      %dma_wait3A_91 = arith.constant 0 : i32
      %dma_wait3A_92 = tpu.memref_slice %arg3[%add3A_83, %dma_wait3A_90, %dma_wait3A_91] : memref<2562x2x128xi32, #tpu.memory_space<hbm>> -> memref<2x2x128xi32, #tpu.memory_space<hbm>>
      %dma_wait3A_93 = arith.constant 0 : i32
      %dma_wait3A_94 = arith.constant 0 : i32
      %dma_wait3A_95 = arith.constant 0 : i32
      %dma_wait3A_96 = tpu.memref_slice %arg6[%dma_wait3A_84, %dma_wait3A_93, %dma_wait3A_94, %dma_wait3A_95] : memref<2x2x2x128xi32, #tpu.memory_space<vmem>> -> memref<1x2x2x128xi32, #tpu.memory_space<vmem>>
      %dma_wait3A_97 = tpu.memref_squeeze %dma_wait3A_96 : memref<1x2x2x128xi32, #tpu.memory_space<vmem>> -> memref<2x2x128xi32, #tpu.memory_space<vmem>>
      %dma_wait3A_98 = arith.constant 0 : i32
      %dma_wait3A_99 = arith.constant 0 : i32
      %dma_wait3A_100 = tpu.memref_slice %arg3[%add3A_83, %dma_wait3A_98, %dma_wait3A_99] : memref<2562x2x128xi32, #tpu.memory_space<hbm>> -> memref<2x2x128xi32, #tpu.memory_space<hbm>>
      tpu.wait_dma2 semaphore(%arg9 : memref<!tpu.dma_semaphore, #tpu.memory_space<semaphore_mem>>) src(%dma_wait3A_100 : memref<2x2x128xi32, #tpu.memory_space<hbm>>) dst(%dma_wait3A_97 : memref<2x2x128xi32, #tpu.memory_space<vmem>>)
      %add3A_101 = arith.constant 1 : i32
      %add3A_102 = arith.addi %add3A_80, %add3A_101 : i32
      %mul3A_103 = arith.constant 2 : i32
      %mul3A_104 = arith.muli %add3A_102, %mul3A_103 : i32
      %add3A_105 = arith.addi %select_n3A, %mul3A_104 : i32
      %dma_start3A_106 = arith.constant 1 : i32
      %dma_start3A_107 = arith.constant 0 : i32
      %dma_start3A_108 = arith.constant 0 : i32
      %dma_start3A_109 = arith.constant 0 : i32
      %dma_start3A_110 = tpu.memref_slice %arg6[%dma_start3A_106, %dma_start3A_107, %dma_start3A_108, %dma_start3A_109] : memref<2x2x2x128xi32, #tpu.memory_space<vmem>> -> memref<1x2x2x128xi32, #tpu.memory_space<vmem>>
      %dma_start3A_111 = tpu.memref_squeeze %dma_start3A_110 : memref<1x2x2x128xi32, #tpu.memory_space<vmem>> -> memref<2x2x128xi32, #tpu.memory_space<vmem>>
      %dma_start3A_112 = arith.constant 0 : i32
      %dma_start3A_113 = arith.constant 0 : i32
      %dma_start3A_114 = tpu.memref_slice %arg3[%add3A_105, %dma_start3A_112, %dma_start3A_113] : memref<2562x2x128xi32, #tpu.memory_space<hbm>> -> memref<2x2x128xi32, #tpu.memory_space<hbm>>
      %dma_start3A_115 = arith.constant 0 : i32
      %dma_start3A_116 = arith.constant 0 : i32
      %dma_start3A_117 = arith.constant 0 : i32
      %dma_start3A_118 = tpu.memref_slice %arg6[%dma_start3A_106, %dma_start3A_115, %dma_start3A_116, %dma_start3A_117] : memref<2x2x2x128xi32, #tpu.memory_space<vmem>> -> memref<1x2x2x128xi32, #tpu.memory_space<vmem>>
      %dma_start3A_119 = tpu.memref_squeeze %dma_start3A_118 : memref<1x2x2x128xi32, #tpu.memory_space<vmem>> -> memref<2x2x128xi32, #tpu.memory_space<vmem>>
      %dma_start3A_120 = arith.constant 0 : i32
      %dma_start3A_121 = arith.constant 0 : i32
      %dma_start3A_122 = tpu.memref_slice %arg3[%add3A_105, %dma_start3A_120, %dma_start3A_121] : memref<2562x2x128xi32, #tpu.memory_space<hbm>> -> memref<2x2x128xi32, #tpu.memory_space<hbm>>
      tpu.enqueue_dma source(%dma_start3A_122 : memref<2x2x128xi32, #tpu.memory_space<hbm>>) target(%dma_start3A_119 : memref<2x2x128xi32, #tpu.memory_space<vmem>>) target_semaphore(%arg10 : memref<!tpu.dma_semaphore, #tpu.memory_space<semaphore_mem>>)
      %dma_start3A_123 = arith.constant 0 : i32
      %dma_start3A_124 = arith.constant 0 : i32
      %dma_start3A_125 = arith.constant 0 : i32
      %dma_start3A_126 = arith.constant 0 : i32
      %dma_start3A_127 = arith.constant 0 : i32
      %dma_start3A_128 = arith.constant 0 : i32
      %dma_start3A_129 = tpu.memref_slice %arg7[%dma_start3A_126, %dma_start3A_127, %dma_start3A_128] : memref<2x128x128xf32, #tpu.memory_space<vmem>> -> memref<1x128x128xf32, #tpu.memory_space<vmem>>
      %dma_start3A_130 = tpu.memref_squeeze %dma_start3A_129 : memref<1x128x128xf32, #tpu.memory_space<vmem>> -> memref<128x128xf32, #tpu.memory_space<vmem>>
      %dma_start3A_131 = arith.constant 0 : i32
      %dma_start3A_132 = tpu.memref_slice %arg6[%dma_start3A_123, %dma_start3A_124, %dma_start3A_125, %dma_start3A_131] : memref<2x2x2x128xi32, #tpu.memory_space<vmem>> -> memref<1x1x1x128xi32, #tpu.memory_space<vmem>>
      %dma_start3A_133 = tpu.memref_squeeze %dma_start3A_132 : memref<1x1x1x128xi32, #tpu.memory_space<vmem>> -> memref<128xi32, #tpu.memory_space<vmem>>
      %dma_start3A_134 = arith.constant 0 : i32
      %dma_start3A_135 = arith.constant 0 : i32
      %dma_start3A_136 = tpu.memref_slice %arg2[%dma_start3A_134, %dma_start3A_135] : memref<10240x128xf32, #tpu.memory_space<hbm>> -> memref<10240x128xf32, #tpu.memory_space<hbm>>
      tpu.enqueue_indirect_dma source(%dma_start3A_136 : memref<10240x128xf32, #tpu.memory_space<hbm>>) target(%dma_start3A_130 : memref<128x128xf32, #tpu.memory_space<vmem>>) offsets(%dma_start3A_133 : memref<128xi32, #tpu.memory_space<vmem>>) semaphore(%arg11 : memref<!tpu.dma_semaphore, #tpu.memory_space<semaphore_mem>>)
      %dma_start3A_137 = arith.constant 0 : i32
      %dma_start3A_138 = arith.constant 1 : i32
      %dma_start3A_139 = arith.constant 0 : i32
      %dma_start3A_140 = arith.constant 1 : i32
      %dma_start3A_141 = arith.constant 0 : i32
      %dma_start3A_142 = arith.constant 0 : i32
      %dma_start3A_143 = tpu.memref_slice %arg7[%dma_start3A_140, %dma_start3A_141, %dma_start3A_142] : memref<2x128x128xf32, #tpu.memory_space<vmem>> -> memref<1x128x128xf32, #tpu.memory_space<vmem>>
      %dma_start3A_144 = tpu.memref_squeeze %dma_start3A_143 : memref<1x128x128xf32, #tpu.memory_space<vmem>> -> memref<128x128xf32, #tpu.memory_space<vmem>>
      %dma_start3A_145 = arith.constant 0 : i32
      %dma_start3A_146 = tpu.memref_slice %arg6[%dma_start3A_137, %dma_start3A_138, %dma_start3A_139, %dma_start3A_145] : memref<2x2x2x128xi32, #tpu.memory_space<vmem>> -> memref<1x1x1x128xi32, #tpu.memory_space<vmem>>
      %dma_start3A_147 = tpu.memref_squeeze %dma_start3A_146 : memref<1x1x1x128xi32, #tpu.memory_space<vmem>> -> memref<128xi32, #tpu.memory_space<vmem>>
      %dma_start3A_148 = arith.constant 0 : i32
      %dma_start3A_149 = arith.constant 0 : i32
      %dma_start3A_150 = tpu.memref_slice %arg2[%dma_start3A_148, %dma_start3A_149] : memref<10240x128xf32, #tpu.memory_space<hbm>> -> memref<10240x128xf32, #tpu.memory_space<hbm>>
      tpu.enqueue_indirect_dma source(%dma_start3A_150 : memref<10240x128xf32, #tpu.memory_space<hbm>>) target(%dma_start3A_144 : memref<128x128xf32, #tpu.memory_space<vmem>>) offsets(%dma_start3A_147 : memref<128xi32, #tpu.memory_space<vmem>>) semaphore(%arg12 : memref<!tpu.dma_semaphore, #tpu.memory_space<semaphore_mem>>)
      %dma_wait3A_151 = arith.constant 0 : i32
      %dma_wait3A_152 = arith.constant 0 : i32
      %dma_wait3A_153 = arith.constant 0 : i32
      %dma_wait3A_154 = arith.constant 0 : i32
      %dma_wait3A_155 = arith.constant 0 : i32
      %dma_wait3A_156 = arith.constant 0 : i32
      %dma_wait3A_157 = tpu.memref_slice %arg7[%dma_wait3A_154, %dma_wait3A_155, %dma_wait3A_156] : memref<2x128x128xf32, #tpu.memory_space<vmem>> -> memref<1x128x128xf32, #tpu.memory_space<vmem>>
      %dma_wait3A_158 = tpu.memref_squeeze %dma_wait3A_157 : memref<1x128x128xf32, #tpu.memory_space<vmem>> -> memref<128x128xf32, #tpu.memory_space<vmem>>
      %dma_wait3A_159 = arith.constant 0 : i32
      %dma_wait3A_160 = tpu.memref_slice %arg6[%dma_wait3A_151, %dma_wait3A_152, %dma_wait3A_153, %dma_wait3A_159] : memref<2x2x2x128xi32, #tpu.memory_space<vmem>> -> memref<1x1x1x128xi32, #tpu.memory_space<vmem>>
      %dma_wait3A_161 = tpu.memref_squeeze %dma_wait3A_160 : memref<1x1x1x128xi32, #tpu.memory_space<vmem>> -> memref<128xi32, #tpu.memory_space<vmem>>
      %dma_wait3A_162 = arith.constant 0 : i32
      %dma_wait3A_163 = arith.constant 0 : i32
      %dma_wait3A_164 = tpu.memref_slice %arg2[%dma_wait3A_162, %dma_wait3A_163] : memref<10240x128xf32, #tpu.memory_space<hbm>> -> memref<10240x128xf32, #tpu.memory_space<hbm>>
      tpu.wait_indirect_dma semaphore(%arg11 : memref<!tpu.dma_semaphore, #tpu.memory_space<semaphore_mem>>) src(%dma_wait3A_164 : memref<10240x128xf32, #tpu.memory_space<hbm>>) dst(%dma_wait3A_158 : memref<128x128xf32, #tpu.memory_space<vmem>>)
      %dma_start3A_165 = arith.constant 0 : i32
      %dma_start3A_166 = arith.constant 0 : i32
      %dma_start3A_167 = arith.constant 0 : i32
      %dma_start3A_168 = arith.constant 1 : i32
      %dma_start3A_169 = arith.constant 0 : i32
      %dma_start3A_170 = arith.constant 0 : i32
      %dma_start3A_171 = tpu.memref_slice %arg7[%dma_start3A_165, %dma_start3A_169, %dma_start3A_170] : memref<2x128x128xf32, #tpu.memory_space<vmem>> -> memref<1x128x128xf32, #tpu.memory_space<vmem>>
      %dma_start3A_172 = tpu.memref_squeeze %dma_start3A_171 : memref<1x128x128xf32, #tpu.memory_space<vmem>> -> memref<128x128xf32, #tpu.memory_space<vmem>>
      %dma_start3A_173 = arith.constant 0 : i32
      %dma_start3A_174 = tpu.memref_slice %arg6[%dma_start3A_166, %dma_start3A_167, %dma_start3A_168, %dma_start3A_173] : memref<2x2x2x128xi32, #tpu.memory_space<vmem>> -> memref<1x1x1x128xi32, #tpu.memory_space<vmem>>
      %dma_start3A_175 = tpu.memref_squeeze %dma_start3A_174 : memref<1x1x1x128xi32, #tpu.memory_space<vmem>> -> memref<128xi32, #tpu.memory_space<vmem>>
      %dma_start3A_176 = arith.constant 0 : i32
      %dma_start3A_177 = arith.constant 0 : i32
      %dma_start3A_178 = tpu.memref_slice %arg8[%dma_start3A_176, %dma_start3A_177] : memref<10240x128xf32, #tpu.memory_space<vmem_shared>> -> memref<10240x128xf32, #tpu.memory_space<vmem_shared>>
      tpu.enqueue_indirect_dma source(%dma_start3A_172 : memref<128x128xf32, #tpu.memory_space<vmem>>) target(%dma_start3A_178 : memref<10240x128xf32, #tpu.memory_space<vmem_shared>>) offsets(%dma_start3A_175 : memref<128xi32, #tpu.memory_space<vmem>>) semaphore(%arg13 : memref<!tpu.dma_semaphore, #tpu.memory_space<semaphore_mem>>) {add = true}
      %dma_wait3A_179 = arith.constant 0 : i32
      %dma_wait3A_180 = arith.constant 1 : i32
      %dma_wait3A_181 = arith.constant 0 : i32
      %dma_wait3A_182 = arith.constant 1 : i32
      %dma_wait3A_183 = arith.constant 0 : i32
      %dma_wait3A_184 = arith.constant 0 : i32
      %dma_wait3A_185 = tpu.memref_slice %arg7[%dma_wait3A_182, %dma_wait3A_183, %dma_wait3A_184] : memref<2x128x128xf32, #tpu.memory_space<vmem>> -> memref<1x128x128xf32, #tpu.memory_space<vmem>>
      %dma_wait3A_186 = tpu.memref_squeeze %dma_wait3A_185 : memref<1x128x128xf32, #tpu.memory_space<vmem>> -> memref<128x128xf32, #tpu.memory_space<vmem>>
      %dma_wait3A_187 = arith.constant 0 : i32
      %dma_wait3A_188 = tpu.memref_slice %arg6[%dma_wait3A_179, %dma_wait3A_180, %dma_wait3A_181, %dma_wait3A_187] : memref<2x2x2x128xi32, #tpu.memory_space<vmem>> -> memref<1x1x1x128xi32, #tpu.memory_space<vmem>>
      %dma_wait3A_189 = tpu.memref_squeeze %dma_wait3A_188 : memref<1x1x1x128xi32, #tpu.memory_space<vmem>> -> memref<128xi32, #tpu.memory_space<vmem>>
      %dma_wait3A_190 = arith.constant 0 : i32
      %dma_wait3A_191 = arith.constant 0 : i32
      %dma_wait3A_192 = tpu.memref_slice %arg2[%dma_wait3A_190, %dma_wait3A_191] : memref<10240x128xf32, #tpu.memory_space<hbm>> -> memref<10240x128xf32, #tpu.memory_space<hbm>>
      tpu.wait_indirect_dma semaphore(%arg12 : memref<!tpu.dma_semaphore, #tpu.memory_space<semaphore_mem>>) src(%dma_wait3A_192 : memref<10240x128xf32, #tpu.memory_space<hbm>>) dst(%dma_wait3A_186 : memref<128x128xf32, #tpu.memory_space<vmem>>)
      %dma_start3A_193 = arith.constant 1 : i32
      %dma_start3A_194 = arith.constant 0 : i32
      %dma_start3A_195 = arith.constant 1 : i32
      %dma_start3A_196 = arith.constant 1 : i32
      %dma_start3A_197 = arith.constant 0 : i32
      %dma_start3A_198 = arith.constant 0 : i32
      %dma_start3A_199 = tpu.memref_slice %arg7[%dma_start3A_193, %dma_start3A_197, %dma_start3A_198] : memref<2x128x128xf32, #tpu.memory_space<vmem>> -> memref<1x128x128xf32, #tpu.memory_space<vmem>>
      %dma_start3A_200 = tpu.memref_squeeze %dma_start3A_199 : memref<1x128x128xf32, #tpu.memory_space<vmem>> -> memref<128x128xf32, #tpu.memory_space<vmem>>
      %dma_start3A_201 = arith.constant 0 : i32
      %dma_start3A_202 = tpu.memref_slice %arg6[%dma_start3A_194, %dma_start3A_195, %dma_start3A_196, %dma_start3A_201] : memref<2x2x2x128xi32, #tpu.memory_space<vmem>> -> memref<1x1x1x128xi32, #tpu.memory_space<vmem>>
      %dma_start3A_203 = tpu.memref_squeeze %dma_start3A_202 : memref<1x1x1x128xi32, #tpu.memory_space<vmem>> -> memref<128xi32, #tpu.memory_space<vmem>>
      %dma_start3A_204 = arith.constant 0 : i32
      %dma_start3A_205 = arith.constant 0 : i32
      %dma_start3A_206 = tpu.memref_slice %arg8[%dma_start3A_204, %dma_start3A_205] : memref<10240x128xf32, #tpu.memory_space<vmem_shared>> -> memref<10240x128xf32, #tpu.memory_space<vmem_shared>>
      tpu.enqueue_indirect_dma source(%dma_start3A_200 : memref<128x128xf32, #tpu.memory_space<vmem>>) target(%dma_start3A_206 : memref<10240x128xf32, #tpu.memory_space<vmem_shared>>) offsets(%dma_start3A_203 : memref<128xi32, #tpu.memory_space<vmem>>) semaphore(%arg14 : memref<!tpu.dma_semaphore, #tpu.memory_space<semaphore_mem>>) {add = true}
      %dma_wait3A_207 = arith.constant 0 : i32
      %dma_wait3A_208 = arith.constant 0 : i32
      %dma_wait3A_209 = arith.constant 0 : i32
      %dma_wait3A_210 = arith.constant 1 : i32
      %dma_wait3A_211 = arith.constant 0 : i32
      %dma_wait3A_212 = arith.constant 0 : i32
      %dma_wait3A_213 = tpu.memref_slice %arg7[%dma_wait3A_207, %dma_wait3A_211, %dma_wait3A_212] : memref<2x128x128xf32, #tpu.memory_space<vmem>> -> memref<1x128x128xf32, #tpu.memory_space<vmem>>
      %dma_wait3A_214 = tpu.memref_squeeze %dma_wait3A_213 : memref<1x128x128xf32, #tpu.memory_space<vmem>> -> memref<128x128xf32, #tpu.memory_space<vmem>>
      %dma_wait3A_215 = arith.constant 0 : i32
      %dma_wait3A_216 = tpu.memref_slice %arg6[%dma_wait3A_208, %dma_wait3A_209, %dma_wait3A_210, %dma_wait3A_215] : memref<2x2x2x128xi32, #tpu.memory_space<vmem>> -> memref<1x1x1x128xi32, #tpu.memory_space<vmem>>
      %dma_wait3A_217 = tpu.memref_squeeze %dma_wait3A_216 : memref<1x1x1x128xi32, #tpu.memory_space<vmem>> -> memref<128xi32, #tpu.memory_space<vmem>>
      %dma_wait3A_218 = arith.constant 0 : i32
      %dma_wait3A_219 = arith.constant 0 : i32
      %dma_wait3A_220 = tpu.memref_slice %arg8[%dma_wait3A_218, %dma_wait3A_219] : memref<10240x128xf32, #tpu.memory_space<vmem_shared>> -> memref<10240x128xf32, #tpu.memory_space<vmem_shared>>
      tpu.wait_indirect_dma semaphore(%arg13 : memref<!tpu.dma_semaphore, #tpu.memory_space<semaphore_mem>>) src(%dma_wait3A_214 : memref<128x128xf32, #tpu.memory_space<vmem>>) dst(%dma_wait3A_220 : memref<10240x128xf32, #tpu.memory_space<vmem_shared>>)
      %dma_wait3A_221 = arith.constant 1 : i32
      %dma_wait3A_222 = arith.constant 0 : i32
      %dma_wait3A_223 = arith.constant 1 : i32
      %dma_wait3A_224 = arith.constant 1 : i32
      %dma_wait3A_225 = arith.constant 0 : i32
      %dma_wait3A_226 = arith.constant 0 : i32
      %dma_wait3A_227 = tpu.memref_slice %arg7[%dma_wait3A_221, %dma_wait3A_225, %dma_wait3A_226] : memref<2x128x128xf32, #tpu.memory_space<vmem>> -> memref<1x128x128xf32, #tpu.memory_space<vmem>>
      %dma_wait3A_228 = tpu.memref_squeeze %dma_wait3A_227 : memref<1x128x128xf32, #tpu.memory_space<vmem>> -> memref<128x128xf32, #tpu.memory_space<vmem>>
      %dma_wait3A_229 = arith.constant 0 : i32
      %dma_wait3A_230 = tpu.memref_slice %arg6[%dma_wait3A_222, %dma_wait3A_223, %dma_wait3A_224, %dma_wait3A_229] : memref<2x2x2x128xi32, #tpu.memory_space<vmem>> -> memref<1x1x1x128xi32, #tpu.memory_space<vmem>>
      %dma_wait3A_231 = tpu.memref_squeeze %dma_wait3A_230 : memref<1x1x1x128xi32, #tpu.memory_space<vmem>> -> memref<128xi32, #tpu.memory_space<vmem>>
      %dma_wait3A_232 = arith.constant 0 : i32
      %dma_wait3A_233 = arith.constant 0 : i32
      %dma_wait3A_234 = tpu.memref_slice %arg8[%dma_wait3A_232, %dma_wait3A_233] : memref<10240x128xf32, #tpu.memory_space<vmem_shared>> -> memref<10240x128xf32, #tpu.memory_space<vmem_shared>>
      tpu.wait_indirect_dma semaphore(%arg14 : memref<!tpu.dma_semaphore, #tpu.memory_space<semaphore_mem>>) src(%dma_wait3A_228 : memref<128x128xf32, #tpu.memory_space<vmem>>) dst(%dma_wait3A_234 : memref<10240x128xf32, #tpu.memory_space<vmem_shared>>)
      %mul3A_235 = arith.constant 2 : i32
      %mul3A_236 = arith.muli %mul3A_235, %while3A_76 : i32
      %add3A_237 = arith.constant 1 : i32
      %add3A_238 = arith.addi %mul3A_236, %add3A_237 : i32
      %mul3A_239 = arith.constant 2 : i32
      %mul3A_240 = arith.muli %add3A_238, %mul3A_239 : i32
      %add3A_241 = arith.addi %select_n3A, %mul3A_240 : i32
      %dma_wait3A_242 = arith.constant 1 : i32
      %dma_wait3A_243 = arith.constant 0 : i32
      %dma_wait3A_244 = arith.constant 0 : i32
      %dma_wait3A_245 = arith.constant 0 : i32
      %dma_wait3A_246 = tpu.memref_slice %arg6[%dma_wait3A_242, %dma_wait3A_243, %dma_wait3A_244, %dma_wait3A_245] : memref<2x2x2x128xi32, #tpu.memory_space<vmem>> -> memref<1x2x2x128xi32, #tpu.memory_space<vmem>>
      %dma_wait3A_247 = tpu.memref_squeeze %dma_wait3A_246 : memref<1x2x2x128xi32, #tpu.memory_space<vmem>> -> memref<2x2x128xi32, #tpu.memory_space<vmem>>
      %dma_wait3A_248 = arith.constant 0 : i32
      %dma_wait3A_249 = arith.constant 0 : i32
      %dma_wait3A_250 = tpu.memref_slice %arg3[%add3A_241, %dma_wait3A_248, %dma_wait3A_249] : memref<2562x2x128xi32, #tpu.memory_space<hbm>> -> memref<2x2x128xi32, #tpu.memory_space<hbm>>
      %dma_wait3A_251 = arith.constant 0 : i32
      %dma_wait3A_252 = arith.constant 0 : i32
      %dma_wait3A_253 = arith.constant 0 : i32
      %dma_wait3A_254 = tpu.memref_slice %arg6[%dma_wait3A_242, %dma_wait3A_251, %dma_wait3A_252, %dma_wait3A_253] : memref<2x2x2x128xi32, #tpu.memory_space<vmem>> -> memref<1x2x2x128xi32, #tpu.memory_space<vmem>>
      %dma_wait3A_255 = tpu.memref_squeeze %dma_wait3A_254 : memref<1x2x2x128xi32, #tpu.memory_space<vmem>> -> memref<2x2x128xi32, #tpu.memory_space<vmem>>
      %dma_wait3A_256 = arith.constant 0 : i32
      %dma_wait3A_257 = arith.constant 0 : i32
      %dma_wait3A_258 = tpu.memref_slice %arg3[%add3A_241, %dma_wait3A_256, %dma_wait3A_257] : memref<2562x2x128xi32, #tpu.memory_space<hbm>> -> memref<2x2x128xi32, #tpu.memory_space<hbm>>
      tpu.wait_dma2 semaphore(%arg10 : memref<!tpu.dma_semaphore, #tpu.memory_space<semaphore_mem>>) src(%dma_wait3A_258 : memref<2x2x128xi32, #tpu.memory_space<hbm>>) dst(%dma_wait3A_255 : memref<2x2x128xi32, #tpu.memory_space<vmem>>)
      %add3A_259 = arith.constant 1 : i32
      %add3A_260 = arith.addi %add3A_238, %add3A_259 : i32
      %mul3A_261 = arith.constant 2 : i32
      %mul3A_262 = arith.muli %add3A_260, %mul3A_261 : i32
      %add3A_263 = arith.addi %select_n3A, %mul3A_262 : i32
      %dma_start3A_264 = arith.constant 0 : i32
      %dma_start3A_265 = arith.constant 0 : i32
      %dma_start3A_266 = arith.constant 0 : i32
      %dma_start3A_267 = arith.constant 0 : i32
      %dma_start3A_268 = tpu.memref_slice %arg6[%dma_start3A_264, %dma_start3A_265, %dma_start3A_266, %dma_start3A_267] : memref<2x2x2x128xi32, #tpu.memory_space<vmem>> -> memref<1x2x2x128xi32, #tpu.memory_space<vmem>>
      %dma_start3A_269 = tpu.memref_squeeze %dma_start3A_268 : memref<1x2x2x128xi32, #tpu.memory_space<vmem>> -> memref<2x2x128xi32, #tpu.memory_space<vmem>>
      %dma_start3A_270 = arith.constant 0 : i32
      %dma_start3A_271 = arith.constant 0 : i32
      %dma_start3A_272 = tpu.memref_slice %arg3[%add3A_263, %dma_start3A_270, %dma_start3A_271] : memref<2562x2x128xi32, #tpu.memory_space<hbm>> -> memref<2x2x128xi32, #tpu.memory_space<hbm>>
      %dma_start3A_273 = arith.constant 0 : i32
      %dma_start3A_274 = arith.constant 0 : i32
      %dma_start3A_275 = arith.constant 0 : i32
      %dma_start3A_276 = tpu.memref_slice %arg6[%dma_start3A_264, %dma_start3A_273, %dma_start3A_274, %dma_start3A_275] : memref<2x2x2x128xi32, #tpu.memory_space<vmem>> -> memref<1x2x2x128xi32, #tpu.memory_space<vmem>>
      %dma_start3A_277 = tpu.memref_squeeze %dma_start3A_276 : memref<1x2x2x128xi32, #tpu.memory_space<vmem>> -> memref<2x2x128xi32, #tpu.memory_space<vmem>>
      %dma_start3A_278 = arith.constant 0 : i32
      %dma_start3A_279 = arith.constant 0 : i32
      %dma_start3A_280 = tpu.memref_slice %arg3[%add3A_263, %dma_start3A_278, %dma_start3A_279] : memref<2562x2x128xi32, #tpu.memory_space<hbm>> -> memref<2x2x128xi32, #tpu.memory_space<hbm>>
      tpu.enqueue_dma source(%dma_start3A_280 : memref<2x2x128xi32, #tpu.memory_space<hbm>>) target(%dma_start3A_277 : memref<2x2x128xi32, #tpu.memory_space<vmem>>) target_semaphore(%arg9 : memref<!tpu.dma_semaphore, #tpu.memory_space<semaphore_mem>>)
      %dma_start3A_281 = arith.constant 1 : i32
      %dma_start3A_282 = arith.constant 0 : i32
      %dma_start3A_283 = arith.constant 0 : i32
      %dma_start3A_284 = arith.constant 0 : i32
      %dma_start3A_285 = arith.constant 0 : i32
      %dma_start3A_286 = arith.constant 0 : i32
      %dma_start3A_287 = tpu.memref_slice %arg7[%dma_start3A_284, %dma_start3A_285, %dma_start3A_286] : memref<2x128x128xf32, #tpu.memory_space<vmem>> -> memref<1x128x128xf32, #tpu.memory_space<vmem>>
      %dma_start3A_288 = tpu.memref_squeeze %dma_start3A_287 : memref<1x128x128xf32, #tpu.memory_space<vmem>> -> memref<128x128xf32, #tpu.memory_space<vmem>>
      %dma_start3A_289 = arith.constant 0 : i32
      %dma_start3A_290 = tpu.memref_slice %arg6[%dma_start3A_281, %dma_start3A_282, %dma_start3A_283, %dma_start3A_289] : memref<2x2x2x128xi32, #tpu.memory_space<vmem>> -> memref<1x1x1x128xi32, #tpu.memory_space<vmem>>
      %dma_start3A_291 = tpu.memref_squeeze %dma_start3A_290 : memref<1x1x1x128xi32, #tpu.memory_space<vmem>> -> memref<128xi32, #tpu.memory_space<vmem>>
      %dma_start3A_292 = arith.constant 0 : i32
      %dma_start3A_293 = arith.constant 0 : i32
      %dma_start3A_294 = tpu.memref_slice %arg2[%dma_start3A_292, %dma_start3A_293] : memref<10240x128xf32, #tpu.memory_space<hbm>> -> memref<10240x128xf32, #tpu.memory_space<hbm>>
      tpu.enqueue_indirect_dma source(%dma_start3A_294 : memref<10240x128xf32, #tpu.memory_space<hbm>>) target(%dma_start3A_288 : memref<128x128xf32, #tpu.memory_space<vmem>>) offsets(%dma_start3A_291 : memref<128xi32, #tpu.memory_space<vmem>>) semaphore(%arg11 : memref<!tpu.dma_semaphore, #tpu.memory_space<semaphore_mem>>)
      %dma_start3A_295 = arith.constant 1 : i32
      %dma_start3A_296 = arith.constant 1 : i32
      %dma_start3A_297 = arith.constant 0 : i32
      %dma_start3A_298 = arith.constant 1 : i32
      %dma_start3A_299 = arith.constant 0 : i32
      %dma_start3A_300 = arith.constant 0 : i32
      %dma_start3A_301 = tpu.memref_slice %arg7[%dma_start3A_298, %dma_start3A_299, %dma_start3A_300] : memref<2x128x128xf32, #tpu.memory_space<vmem>> -> memref<1x128x128xf32, #tpu.memory_space<vmem>>
      %dma_start3A_302 = tpu.memref_squeeze %dma_start3A_301 : memref<1x128x128xf32, #tpu.memory_space<vmem>> -> memref<128x128xf32, #tpu.memory_space<vmem>>
      %dma_start3A_303 = arith.constant 0 : i32
      %dma_start3A_304 = tpu.memref_slice %arg6[%dma_start3A_295, %dma_start3A_296, %dma_start3A_297, %dma_start3A_303] : memref<2x2x2x128xi32, #tpu.memory_space<vmem>> -> memref<1x1x1x128xi32, #tpu.memory_space<vmem>>
      %dma_start3A_305 = tpu.memref_squeeze %dma_start3A_304 : memref<1x1x1x128xi32, #tpu.memory_space<vmem>> -> memref<128xi32, #tpu.memory_space<vmem>>
      %dma_start3A_306 = arith.constant 0 : i32
      %dma_start3A_307 = arith.constant 0 : i32
      %dma_start3A_308 = tpu.memref_slice %arg2[%dma_start3A_306, %dma_start3A_307] : memref<10240x128xf32, #tpu.memory_space<hbm>> -> memref<10240x128xf32, #tpu.memory_space<hbm>>
      tpu.enqueue_indirect_dma source(%dma_start3A_308 : memref<10240x128xf32, #tpu.memory_space<hbm>>) target(%dma_start3A_302 : memref<128x128xf32, #tpu.memory_space<vmem>>) offsets(%dma_start3A_305 : memref<128xi32, #tpu.memory_space<vmem>>) semaphore(%arg12 : memref<!tpu.dma_semaphore, #tpu.memory_space<semaphore_mem>>)
      %dma_wait3A_309 = arith.constant 1 : i32
      %dma_wait3A_310 = arith.constant 0 : i32
      %dma_wait3A_311 = arith.constant 0 : i32
      %dma_wait3A_312 = arith.constant 0 : i32
      %dma_wait3A_313 = arith.constant 0 : i32
      %dma_wait3A_314 = arith.constant 0 : i32
      %dma_wait3A_315 = tpu.memref_slice %arg7[%dma_wait3A_312, %dma_wait3A_313, %dma_wait3A_314] : memref<2x128x128xf32, #tpu.memory_space<vmem>> -> memref<1x128x128xf32, #tpu.memory_space<vmem>>
      %dma_wait3A_316 = tpu.memref_squeeze %dma_wait3A_315 : memref<1x128x128xf32, #tpu.memory_space<vmem>> -> memref<128x128xf32, #tpu.memory_space<vmem>>
      %dma_wait3A_317 = arith.constant 0 : i32
      %dma_wait3A_318 = tpu.memref_slice %arg6[%dma_wait3A_309, %dma_wait3A_310, %dma_wait3A_311, %dma_wait3A_317] : memref<2x2x2x128xi32, #tpu.memory_space<vmem>> -> memref<1x1x1x128xi32, #tpu.memory_space<vmem>>
      %dma_wait3A_319 = tpu.memref_squeeze %dma_wait3A_318 : memref<1x1x1x128xi32, #tpu.memory_space<vmem>> -> memref<128xi32, #tpu.memory_space<vmem>>
      %dma_wait3A_320 = arith.constant 0 : i32
      %dma_wait3A_321 = arith.constant 0 : i32
      %dma_wait3A_322 = tpu.memref_slice %arg2[%dma_wait3A_320, %dma_wait3A_321] : memref<10240x128xf32, #tpu.memory_space<hbm>> -> memref<10240x128xf32, #tpu.memory_space<hbm>>
      tpu.wait_indirect_dma semaphore(%arg11 : memref<!tpu.dma_semaphore, #tpu.memory_space<semaphore_mem>>) src(%dma_wait3A_322 : memref<10240x128xf32, #tpu.memory_space<hbm>>) dst(%dma_wait3A_316 : memref<128x128xf32, #tpu.memory_space<vmem>>)
      %dma_start3A_323 = arith.constant 0 : i32
      %dma_start3A_324 = arith.constant 1 : i32
      %dma_start3A_325 = arith.constant 0 : i32
      %dma_start3A_326 = arith.constant 1 : i32
      %dma_start3A_327 = arith.constant 0 : i32
      %dma_start3A_328 = arith.constant 0 : i32
      %dma_start3A_329 = tpu.memref_slice %arg7[%dma_start3A_323, %dma_start3A_327, %dma_start3A_328] : memref<2x128x128xf32, #tpu.memory_space<vmem>> -> memref<1x128x128xf32, #tpu.memory_space<vmem>>
      %dma_start3A_330 = tpu.memref_squeeze %dma_start3A_329 : memref<1x128x128xf32, #tpu.memory_space<vmem>> -> memref<128x128xf32, #tpu.memory_space<vmem>>
      %dma_start3A_331 = arith.constant 0 : i32
      %dma_start3A_332 = tpu.memref_slice %arg6[%dma_start3A_324, %dma_start3A_325, %dma_start3A_326, %dma_start3A_331] : memref<2x2x2x128xi32, #tpu.memory_space<vmem>> -> memref<1x1x1x128xi32, #tpu.memory_space<vmem>>
      %dma_start3A_333 = tpu.memref_squeeze %dma_start3A_332 : memref<1x1x1x128xi32, #tpu.memory_space<vmem>> -> memref<128xi32, #tpu.memory_space<vmem>>
      %dma_start3A_334 = arith.constant 0 : i32
      %dma_start3A_335 = arith.constant 0 : i32
      %dma_start3A_336 = tpu.memref_slice %arg8[%dma_start3A_334, %dma_start3A_335] : memref<10240x128xf32, #tpu.memory_space<vmem_shared>> -> memref<10240x128xf32, #tpu.memory_space<vmem_shared>>
      tpu.enqueue_indirect_dma source(%dma_start3A_330 : memref<128x128xf32, #tpu.memory_space<vmem>>) target(%dma_start3A_336 : memref<10240x128xf32, #tpu.memory_space<vmem_shared>>) offsets(%dma_start3A_333 : memref<128xi32, #tpu.memory_space<vmem>>) semaphore(%arg13 : memref<!tpu.dma_semaphore, #tpu.memory_space<semaphore_mem>>) {add = true}
      %dma_wait3A_337 = arith.constant 1 : i32
      %dma_wait3A_338 = arith.constant 1 : i32
      %dma_wait3A_339 = arith.constant 0 : i32
      %dma_wait3A_340 = arith.constant 1 : i32
      %dma_wait3A_341 = arith.constant 0 : i32
      %dma_wait3A_342 = arith.constant 0 : i32
      %dma_wait3A_343 = tpu.memref_slice %arg7[%dma_wait3A_340, %dma_wait3A_341, %dma_wait3A_342] : memref<2x128x128xf32, #tpu.memory_space<vmem>> -> memref<1x128x128xf32, #tpu.memory_space<vmem>>
      %dma_wait3A_344 = tpu.memref_squeeze %dma_wait3A_343 : memref<1x128x128xf32, #tpu.memory_space<vmem>> -> memref<128x128xf32, #tpu.memory_space<vmem>>
      %dma_wait3A_345 = arith.constant 0 : i32
      %dma_wait3A_346 = tpu.memref_slice %arg6[%dma_wait3A_337, %dma_wait3A_338, %dma_wait3A_339, %dma_wait3A_345] : memref<2x2x2x128xi32, #tpu.memory_space<vmem>> -> memref<1x1x1x128xi32, #tpu.memory_space<vmem>>
      %dma_wait3A_347 = tpu.memref_squeeze %dma_wait3A_346 : memref<1x1x1x128xi32, #tpu.memory_space<vmem>> -> memref<128xi32, #tpu.memory_space<vmem>>
      %dma_wait3A_348 = arith.constant 0 : i32
      %dma_wait3A_349 = arith.constant 0 : i32
      %dma_wait3A_350 = tpu.memref_slice %arg2[%dma_wait3A_348, %dma_wait3A_349] : memref<10240x128xf32, #tpu.memory_space<hbm>> -> memref<10240x128xf32, #tpu.memory_space<hbm>>
      tpu.wait_indirect_dma semaphore(%arg12 : memref<!tpu.dma_semaphore, #tpu.memory_space<semaphore_mem>>) src(%dma_wait3A_350 : memref<10240x128xf32, #tpu.memory_space<hbm>>) dst(%dma_wait3A_344 : memref<128x128xf32, #tpu.memory_space<vmem>>)
      %dma_start3A_351 = arith.constant 1 : i32
      %dma_start3A_352 = arith.constant 1 : i32
      %dma_start3A_353 = arith.constant 1 : i32
      %dma_start3A_354 = arith.constant 1 : i32
      %dma_start3A_355 = arith.constant 0 : i32
      %dma_start3A_356 = arith.constant 0 : i32
      %dma_start3A_357 = tpu.memref_slice %arg7[%dma_start3A_351, %dma_start3A_355, %dma_start3A_356] : memref<2x128x128xf32, #tpu.memory_space<vmem>> -> memref<1x128x128xf32, #tpu.memory_space<vmem>>
      %dma_start3A_358 = tpu.memref_squeeze %dma_start3A_357 : memref<1x128x128xf32, #tpu.memory_space<vmem>> -> memref<128x128xf32, #tpu.memory_space<vmem>>
      %dma_start3A_359 = arith.constant 0 : i32
      %dma_start3A_360 = tpu.memref_slice %arg6[%dma_start3A_352, %dma_start3A_353, %dma_start3A_354, %dma_start3A_359] : memref<2x2x2x128xi32, #tpu.memory_space<vmem>> -> memref<1x1x1x128xi32, #tpu.memory_space<vmem>>
      %dma_start3A_361 = tpu.memref_squeeze %dma_start3A_360 : memref<1x1x1x128xi32, #tpu.memory_space<vmem>> -> memref<128xi32, #tpu.memory_space<vmem>>
      %dma_start3A_362 = arith.constant 0 : i32
      %dma_start3A_363 = arith.constant 0 : i32
      %dma_start3A_364 = tpu.memref_slice %arg8[%dma_start3A_362, %dma_start3A_363] : memref<10240x128xf32, #tpu.memory_space<vmem_shared>> -> memref<10240x128xf32, #tpu.memory_space<vmem_shared>>
      tpu.enqueue_indirect_dma source(%dma_start3A_358 : memref<128x128xf32, #tpu.memory_space<vmem>>) target(%dma_start3A_364 : memref<10240x128xf32, #tpu.memory_space<vmem_shared>>) offsets(%dma_start3A_361 : memref<128xi32, #tpu.memory_space<vmem>>) semaphore(%arg14 : memref<!tpu.dma_semaphore, #tpu.memory_space<semaphore_mem>>) {add = true}
      %dma_wait3A_365 = arith.constant 0 : i32
      %dma_wait3A_366 = arith.constant 1 : i32
      %dma_wait3A_367 = arith.constant 0 : i32
      %dma_wait3A_368 = arith.constant 1 : i32
      %dma_wait3A_369 = arith.constant 0 : i32
      %dma_wait3A_370 = arith.constant 0 : i32
      %dma_wait3A_371 = tpu.memref_slice %arg7[%dma_wait3A_365, %dma_wait3A_369, %dma_wait3A_370] : memref<2x128x128xf32, #tpu.memory_space<vmem>> -> memref<1x128x128xf32, #tpu.memory_space<vmem>>
      %dma_wait3A_372 = tpu.memref_squeeze %dma_wait3A_371 : memref<1x128x128xf32, #tpu.memory_space<vmem>> -> memref<128x128xf32, #tpu.memory_space<vmem>>
      %dma_wait3A_373 = arith.constant 0 : i32
      %dma_wait3A_374 = tpu.memref_slice %arg6[%dma_wait3A_366, %dma_wait3A_367, %dma_wait3A_368, %dma_wait3A_373] : memref<2x2x2x128xi32, #tpu.memory_space<vmem>> -> memref<1x1x1x128xi32, #tpu.memory_space<vmem>>
      %dma_wait3A_375 = tpu.memref_squeeze %dma_wait3A_374 : memref<1x1x1x128xi32, #tpu.memory_space<vmem>> -> memref<128xi32, #tpu.memory_space<vmem>>
      %dma_wait3A_376 = arith.constant 0 : i32
      %dma_wait3A_377 = arith.constant 0 : i32
      %dma_wait3A_378 = tpu.memref_slice %arg8[%dma_wait3A_376, %dma_wait3A_377] : memref<10240x128xf32, #tpu.memory_space<vmem_shared>> -> memref<10240x128xf32, #tpu.memory_space<vmem_shared>>
      tpu.wait_indirect_dma semaphore(%arg13 : memref<!tpu.dma_semaphore, #tpu.memory_space<semaphore_mem>>) src(%dma_wait3A_372 : memref<128x128xf32, #tpu.memory_space<vmem>>) dst(%dma_wait3A_378 : memref<10240x128xf32, #tpu.memory_space<vmem_shared>>)
      %dma_wait3A_379 = arith.constant 1 : i32
      %dma_wait3A_380 = arith.constant 1 : i32
      %dma_wait3A_381 = arith.constant 1 : i32
      %dma_wait3A_382 = arith.constant 1 : i32
      %dma_wait3A_383 = arith.constant 0 : i32
      %dma_wait3A_384 = arith.constant 0 : i32
      %dma_wait3A_385 = tpu.memref_slice %arg7[%dma_wait3A_379, %dma_wait3A_383, %dma_wait3A_384] : memref<2x128x128xf32, #tpu.memory_space<vmem>> -> memref<1x128x128xf32, #tpu.memory_space<vmem>>
      %dma_wait3A_386 = tpu.memref_squeeze %dma_wait3A_385 : memref<1x128x128xf32, #tpu.memory_space<vmem>> -> memref<128x128xf32, #tpu.memory_space<vmem>>
      %dma_wait3A_387 = arith.constant 0 : i32
      %dma_wait3A_388 = tpu.memref_slice %arg6[%dma_wait3A_380, %dma_wait3A_381, %dma_wait3A_382, %dma_wait3A_387] : memref<2x2x2x128xi32, #tpu.memory_space<vmem>> -> memref<1x1x1x128xi32, #tpu.memory_space<vmem>>
      %dma_wait3A_389 = tpu.memref_squeeze %dma_wait3A_388 : memref<1x1x1x128xi32, #tpu.memory_space<vmem>> -> memref<128xi32, #tpu.memory_space<vmem>>
      %dma_wait3A_390 = arith.constant 0 : i32
      %dma_wait3A_391 = arith.constant 0 : i32
      %dma_wait3A_392 = tpu.memref_slice %arg8[%dma_wait3A_390, %dma_wait3A_391] : memref<10240x128xf32, #tpu.memory_space<vmem_shared>> -> memref<10240x128xf32, #tpu.memory_space<vmem_shared>>
      tpu.wait_indirect_dma semaphore(%arg14 : memref<!tpu.dma_semaphore, #tpu.memory_space<semaphore_mem>>) src(%dma_wait3A_386 : memref<128x128xf32, #tpu.memory_space<vmem>>) dst(%dma_wait3A_392 : memref<10240x128xf32, #tpu.memory_space<vmem_shared>>)
    }
    %mul3A_56 = arith.constant 2 : i32
    %mul3A_57 = arith.muli %select_n3A_8, %mul3A_56 : i32
    %add3A_58 = arith.addi %select_n3A, %mul3A_57 : i32
    %dma_wait3A = arith.constant 0 : i32
    %dma_wait3A_59 = arith.constant 0 : i32
    %dma_wait3A_60 = arith.constant 0 : i32
    %dma_wait3A_61 = arith.constant 0 : i32
    %dma_wait3A_62 = tpu.memref_slice %arg6[%dma_wait3A, %dma_wait3A_59, %dma_wait3A_60, %dma_wait3A_61] : memref<2x2x2x128xi32, #tpu.memory_space<vmem>> -> memref<1x2x2x128xi32, #tpu.memory_space<vmem>>
    %dma_wait3A_63 = tpu.memref_squeeze %dma_wait3A_62 : memref<1x2x2x128xi32, #tpu.memory_space<vmem>> -> memref<2x2x128xi32, #tpu.memory_space<vmem>>
    %dma_wait3A_64 = arith.constant 0 : i32
    %dma_wait3A_65 = arith.constant 0 : i32
    %dma_wait3A_66 = tpu.memref_slice %arg3[%add3A_58, %dma_wait3A_64, %dma_wait3A_65] : memref<2562x2x128xi32, #tpu.memory_space<hbm>> -> memref<2x2x128xi32, #tpu.memory_space<hbm>>
    %dma_wait3A_67 = arith.constant 0 : i32
    %dma_wait3A_68 = arith.constant 0 : i32
    %dma_wait3A_69 = arith.constant 0 : i32
    %dma_wait3A_70 = tpu.memref_slice %arg6[%dma_wait3A, %dma_wait3A_67, %dma_wait3A_68, %dma_wait3A_69] : memref<2x2x2x128xi32, #tpu.memory_space<vmem>> -> memref<1x2x2x128xi32, #tpu.memory_space<vmem>>
    %dma_wait3A_71 = tpu.memref_squeeze %dma_wait3A_70 : memref<1x2x2x128xi32, #tpu.memory_space<vmem>> -> memref<2x2x128xi32, #tpu.memory_space<vmem>>
    %dma_wait3A_72 = arith.constant 0 : i32
    %dma_wait3A_73 = arith.constant 0 : i32
    %dma_wait3A_74 = tpu.memref_slice %arg3[%add3A_58, %dma_wait3A_72, %dma_wait3A_73] : memref<2562x2x128xi32, #tpu.memory_space<hbm>> -> memref<2x2x128xi32, #tpu.memory_space<hbm>>
    tpu.wait_dma2 semaphore(%arg9 : memref<!tpu.dma_semaphore, #tpu.memory_space<semaphore_mem>>) src(%dma_wait3A_74 : memref<2x2x128xi32, #tpu.memory_space<hbm>>) dst(%dma_wait3A_71 : memref<2x2x128xi32, #tpu.memory_space<vmem>>)
    %barrier3A_75 = arith.constant 0 : index
    tpu.barrier barrier_id(%barrier3A_75)
    "tpu.region"() ({
      %run_scoped3A = tpu.sem_alloc : memref<!tpu.dma_semaphore, #tpu.memory_space<semaphore_mem>>
      %dma_start3A_76 = arith.constant 0 : i32
      %dma_start3A_77 = arith.constant 0 : i32
      %dma_start3A_78 = tpu.memref_slice %arg5[%arg0, %dma_start3A_76, %dma_start3A_77] : memref<2x10240x128xf32, #tpu.memory_space<hbm>> -> memref<1x10240x128xf32, #tpu.memory_space<hbm>>
      %dma_start3A_79 = tpu.memref_squeeze %dma_start3A_78 : memref<1x10240x128xf32, #tpu.memory_space<hbm>> -> memref<10240x128xf32, #tpu.memory_space<hbm>>
      %dma_start3A_80 = arith.constant 0 : i32
      %dma_start3A_81 = tpu.memref_slice %dma_start3A_79[%mul3A_10, %dma_start3A_80] : memref<10240x128xf32, #tpu.memory_space<hbm>> -> memref<640x128xf32, #tpu.memory_space<hbm>>
      %dma_start3A_82 = arith.constant 0 : i32
      %dma_start3A_83 = tpu.memref_slice %arg8[%mul3A_10, %dma_start3A_82] : memref<10240x128xf32, #tpu.memory_space<vmem_shared>> -> memref<640x128xf32, #tpu.memory_space<vmem_shared>>
      tpu.enqueue_dma source(%dma_start3A_83 : memref<640x128xf32, #tpu.memory_space<vmem_shared>>) target(%dma_start3A_81 : memref<640x128xf32, #tpu.memory_space<hbm>>) target_semaphore(%run_scoped3A : memref<!tpu.dma_semaphore, #tpu.memory_space<semaphore_mem>>)
      %dma_wait3A_84 = arith.constant 0 : i32
      %dma_wait3A_85 = arith.constant 0 : i32
      %dma_wait3A_86 = tpu.memref_slice %arg5[%arg0, %dma_wait3A_84, %dma_wait3A_85] : memref<2x10240x128xf32, #tpu.memory_space<hbm>> -> memref<1x10240x128xf32, #tpu.memory_space<hbm>>
      %dma_wait3A_87 = tpu.memref_squeeze %dma_wait3A_86 : memref<1x10240x128xf32, #tpu.memory_space<hbm>> -> memref<10240x128xf32, #tpu.memory_space<hbm>>
      %dma_wait3A_88 = arith.constant 0 : i32
      %dma_wait3A_89 = tpu.memref_slice %dma_wait3A_87[%mul3A_10, %dma_wait3A_88] : memref<10240x128xf32, #tpu.memory_space<hbm>> -> memref<640x128xf32, #tpu.memory_space<hbm>>
      %dma_wait3A_90 = arith.constant 0 : i32
      %dma_wait3A_91 = tpu.memref_slice %arg8[%mul3A_10, %dma_wait3A_90] : memref<10240x128xf32, #tpu.memory_space<vmem_shared>> -> memref<640x128xf32, #tpu.memory_space<vmem_shared>>
      tpu.wait_dma2 semaphore(%run_scoped3A : memref<!tpu.dma_semaphore, #tpu.memory_space<semaphore_mem>>) src(%dma_wait3A_91 : memref<640x128xf32, #tpu.memory_space<vmem_shared>>) dst(%dma_wait3A_89 : memref<640x128xf32, #tpu.memory_space<hbm>>)
      tpu.yield
    }) : () -> ()
    return
  }
}

#map = affine_map<(d0, d1) -> (0, 0)>
#map1 = affine_map<(d0, d1) -> (0, 0, 0)>
module attributes {stable_mosaic.version = 14 : i64} {
  func.func @_edge_body(%arg0: i32, %arg1: i32, %arg2: memref<10240x128xf32, #tpu.memory_space<hbm>>, %arg3: memref<2562x2x128xi32, #tpu.memory_space<hbm>>, %arg4: memref<640x128xf32, #tpu.memory_space<hbm>>, %arg5: memref<2x10240x128xf32, #tpu.memory_space<hbm>>, %arg6: memref<2x2x2x128xi32, #tpu.memory_space<vmem>>, %arg7: memref<2x128x128xf32, #tpu.memory_space<vmem>>, %arg8: memref<10240x128xf32, #tpu.memory_space<vmem_shared>>, %arg9: memref<!tpu.dma_semaphore, #tpu.memory_space<semaphore_mem>>, %arg10: memref<!tpu.dma_semaphore, #tpu.memory_space<semaphore_mem>>, %arg11: memref<!tpu.dma_semaphore, #tpu.memory_space<semaphore_mem>>, %arg12: memref<!tpu.dma_semaphore, #tpu.memory_space<semaphore_mem>>, %arg13: memref<!tpu.dma_semaphore, #tpu.memory_space<semaphore_mem>>, %arg14: memref<!tpu.dma_semaphore, #tpu.memory_space<semaphore_mem>>) attributes {dimension_semantics = [#tpu.dimension_semantics<core_parallel>, #tpu.dimension_semantics<subcore_parallel>], iteration_bounds = array<i64: 2, 16>, scalar_prefetch = 0 : i64, scratch_operands = 9 : i64, tpu.core_type = #tpu.core_type<sc_vector_subcore>, window_params = [{transform_indices = #map}, {transform_indices = #map1}, {transform_indices = #map}, {transform_indices = #map1}]} {
    %eq3A = arith.constant 0 : i32
    %eq3A_0 = arith.cmpi eq, %arg0, %eq3A : i32
    %mul3A = arith.constant 140 : i32
    %mul3A_1 = arith.muli %arg1, %mul3A : i32
    %mul3A_2 = arith.constant 20 : i32
    %mul3A_3 = arith.muli %arg1, %mul3A_2 : i32
    %add3A = arith.constant 2240 : i32
    %add3A_4 = arith.addi %add3A, %mul3A_3 : i32
    %select_n3A = arith.select %eq3A_0, %mul3A_1, %add3A_4 : i32
    %eq3A_5 = arith.constant 0 : i32
    %eq3A_6 = arith.cmpi eq, %arg0, %eq3A_5 : i32
    %jit3A = arith.constant 70 : i32
    %jit3A_7 = arith.constant 10 : i32
    %select_n3A_8 = arith.select %eq3A_6, %jit3A, %jit3A_7 : i32
    %mul3A_9 = arith.constant 640 : i32
    %mul3A_10 = arith.muli %arg1, %mul3A_9 : i32
    %add3A_11 = arith.constant 0 : i32
    %add3A_12 = arith.addi %select_n3A, %add3A_11 : i32
    %dma_start3A = arith.constant 0 : i32
    %dma_start3A_13 = arith.constant 0 : i32
    %dma_start3A_14 = arith.constant 0 : i32
    %dma_start3A_15 = arith.constant 0 : i32
    %dma_start3A_16 = tpu.memref_slice %arg6[%dma_start3A, %dma_start3A_13, %dma_start3A_14, %dma_start3A_15] : memref<2x2x2x128xi32, #tpu.memory_space<vmem>> -> memref<1x2x2x128xi32, #tpu.memory_space<vmem>>
    %dma_start3A_17 = tpu.memref_squeeze %dma_start3A_16 : memref<1x2x2x128xi32, #tpu.memory_space<vmem>> -> memref<2x2x128xi32, #tpu.memory_space<vmem>>
    %dma_start3A_18 = arith.constant 0 : i32
    %dma_start3A_19 = arith.constant 0 : i32
    %dma_start3A_20 = tpu.memref_slice %arg3[%add3A_12, %dma_start3A_18, %dma_start3A_19] : memref<2562x2x128xi32, #tpu.memory_space<hbm>> -> memref<2x2x128xi32, #tpu.memory_space<hbm>>
    %dma_start3A_21 = arith.constant 0 : i32
    %dma_start3A_22 = arith.constant 0 : i32
    %dma_start3A_23 = arith.constant 0 : i32
    %dma_start3A_24 = tpu.memref_slice %arg6[%dma_start3A, %dma_start3A_21, %dma_start3A_22, %dma_start3A_23] : memref<2x2x2x128xi32, #tpu.memory_space<vmem>> -> memref<1x2x2x128xi32, #tpu.memory_space<vmem>>
    %dma_start3A_25 = tpu.memref_squeeze %dma_start3A_24 : memref<1x2x2x128xi32, #tpu.memory_space<vmem>> -> memref<2x2x128xi32, #tpu.memory_space<vmem>>
    %dma_start3A_26 = arith.constant 0 : i32
    %dma_start3A_27 = arith.constant 0 : i32
    %dma_start3A_28 = tpu.memref_slice %arg3[%add3A_12, %dma_start3A_26, %dma_start3A_27] : memref<2562x2x128xi32, #tpu.memory_space<hbm>> -> memref<2x2x128xi32, #tpu.memory_space<hbm>>
    tpu.enqueue_dma source(%dma_start3A_28 : memref<2x2x128xi32, #tpu.memory_space<hbm>>) target(%dma_start3A_25 : memref<2x2x128xi32, #tpu.memory_space<vmem>>) target_semaphore(%arg9 : memref<!tpu.dma_semaphore, #tpu.memory_space<semaphore_mem>>)
    "tpu.region"() ({
      %run_scoped3A = tpu.sem_alloc : memref<!tpu.dma_semaphore, #tpu.memory_space<semaphore_mem>>
      %dma_start3A_76 = arith.constant 0 : i32
      %dma_start3A_77 = tpu.memref_slice %arg8[%mul3A_10, %dma_start3A_76] : memref<10240x128xf32, #tpu.memory_space<vmem_shared>> -> memref<640x128xf32, #tpu.memory_space<vmem_shared>>
      tpu.enqueue_dma source(%arg4 : memref<640x128xf32, #tpu.memory_space<hbm>>) target(%dma_start3A_77 : memref<640x128xf32, #tpu.memory_space<vmem_shared>>) target_semaphore(%run_scoped3A : memref<!tpu.dma_semaphore, #tpu.memory_space<semaphore_mem>>)
      %dma_wait3A_78 = arith.constant 0 : i32
      %dma_wait3A_79 = tpu.memref_slice %arg8[%mul3A_10, %dma_wait3A_78] : memref<10240x128xf32, #tpu.memory_space<vmem_shared>> -> memref<640x128xf32, #tpu.memory_space<vmem_shared>>
      tpu.wait_dma2 semaphore(%run_scoped3A : memref<!tpu.dma_semaphore, #tpu.memory_space<semaphore_mem>>) src(%arg4 : memref<640x128xf32, #tpu.memory_space<hbm>>) dst(%dma_wait3A_79 : memref<640x128xf32, #tpu.memory_space<vmem_shared>>)
      tpu.yield
    }) : () -> ()
    %barrier3A = arith.constant 0 : index
    tpu.barrier barrier_id(%barrier3A)
    %jit3A_29 = arith.constant 2 : i32
    %div3A = arith.divsi %select_n3A_8, %jit3A_29 : i32
    %sign3A = arith.constant 0 : i32
    %sign3A_30 = arith.cmpi sgt, %select_n3A_8, %sign3A : i32
    %sign3A_31 = arith.extui %sign3A_30 : i1 to i32
    %sign3A_32 = arith.constant 0 : i32
    %sign3A_33 = arith.cmpi slt, %select_n3A_8, %sign3A_32 : i32
    %sign3A_34 = arith.extui %sign3A_33 : i1 to i32
    %sign3A_35 = arith.subi %sign3A_31, %sign3A_34 : i32
    %sign3A_36 = arith.constant 0 : i32
    %sign3A_37 = arith.cmpi sgt, %jit3A_29, %sign3A_36 : i32
    %sign3A_38 = arith.extui %sign3A_37 : i1 to i32
    %sign3A_39 = arith.constant 0 : i32
    %sign3A_40 = arith.cmpi slt, %jit3A_29, %sign3A_39 : i32
    %sign3A_41 = arith.extui %sign3A_40 : i1 to i32
    %sign3A_42 = arith.subi %sign3A_38, %sign3A_41 : i32
    %ne3A = arith.cmpi ne, %sign3A_35, %sign3A_42 : i32
    %rem3A = arith.remsi %select_n3A_8, %jit3A_29 : i32
    %ne3A_43 = arith.constant 0 : i32
    %ne3A_44 = arith.cmpi ne, %rem3A, %ne3A_43 : i32
    %and3A = arith.andi %ne3A, %ne3A_44 : i1
    %sub3A = arith.constant 1 : i32
    %sub3A_45 = arith.subi %div3A, %sub3A : i32
    %select_n3A_46 = arith.select %and3A, %sub3A_45, %div3A : i32
    %while3A = arith.constant 0 : i32
    %while3A_47 = arith.constant 0 : i32
    %while3A_48 = arith.subi %select_n3A_46, %while3A_47 : i32
    %while3A_49 = arith.addi %while3A_47, %while3A_48 : i32
    %while3A_50 = arith.constant 1 : i32
    %while3A_51 = arith.divsi %while3A_48, %while3A_50 : i32
    %while3A_52 = arith.muli %while3A_51, %while3A_50 : i32
    %while3A_53 = arith.addi %while3A_47, %while3A_52 : i32
    %while3A_54 = arith.constant 1 : i32
    scf.for %while3A_76 = %while3A_47 to %while3A_53 step %while3A_54  : i32 {
      %mul3A_77 = arith.constant 2 : i32
      %mul3A_78 = arith.muli %mul3A_77, %while3A_76 : i32
      %add3A_79 = arith.constant 0 : i32
      %add3A_80 = arith.addi %mul3A_78, %add3A_79 : i32
      %mul3A_81 = arith.constant 2 : i32
      %mul3A_82 = arith.muli %add3A_80, %mul3A_81 : i32
      %add3A_83 = arith.addi %select_n3A, %mul3A_82 : i32
      %dma_wait3A_84 = arith.constant 0 : i32
      %dma_wait3A_85 = arith.constant 0 : i32
      %dma_wait3A_86 = arith.constant 0 : i32
      %dma_wait3A_87 = arith.constant 0 : i32
      %dma_wait3A_88 = tpu.memref_slice %arg6[%dma_wait3A_84, %dma_wait3A_85, %dma_wait3A_86, %dma_wait3A_87] : memref<2x2x2x128xi32, #tpu.memory_space<vmem>> -> memref<1x2x2x128xi32, #tpu.memory_space<vmem>>
      %dma_wait3A_89 = tpu.memref_squeeze %dma_wait3A_88 : memref<1x2x2x128xi32, #tpu.memory_space<vmem>> -> memref<2x2x128xi32, #tpu.memory_space<vmem>>
      %dma_wait3A_90 = arith.constant 0 : i32
      %dma_wait3A_91 = arith.constant 0 : i32
      %dma_wait3A_92 = tpu.memref_slice %arg3[%add3A_83, %dma_wait3A_90, %dma_wait3A_91] : memref<2562x2x128xi32, #tpu.memory_space<hbm>> -> memref<2x2x128xi32, #tpu.memory_space<hbm>>
      %dma_wait3A_93 = arith.constant 0 : i32
      %dma_wait3A_94 = arith.constant 0 : i32
      %dma_wait3A_95 = arith.constant 0 : i32
      %dma_wait3A_96 = tpu.memref_slice %arg6[%dma_wait3A_84, %dma_wait3A_93, %dma_wait3A_94, %dma_wait3A_95] : memref<2x2x2x128xi32, #tpu.memory_space<vmem>> -> memref<1x2x2x128xi32, #tpu.memory_space<vmem>>
      %dma_wait3A_97 = tpu.memref_squeeze %dma_wait3A_96 : memref<1x2x2x128xi32, #tpu.memory_space<vmem>> -> memref<2x2x128xi32, #tpu.memory_space<vmem>>
      %dma_wait3A_98 = arith.constant 0 : i32
      %dma_wait3A_99 = arith.constant 0 : i32
      %dma_wait3A_100 = tpu.memref_slice %arg3[%add3A_83, %dma_wait3A_98, %dma_wait3A_99] : memref<2562x2x128xi32, #tpu.memory_space<hbm>> -> memref<2x2x128xi32, #tpu.memory_space<hbm>>
      tpu.wait_dma2 semaphore(%arg9 : memref<!tpu.dma_semaphore, #tpu.memory_space<semaphore_mem>>) src(%dma_wait3A_100 : memref<2x2x128xi32, #tpu.memory_space<hbm>>) dst(%dma_wait3A_97 : memref<2x2x128xi32, #tpu.memory_space<vmem>>)
      %add3A_101 = arith.constant 1 : i32
      %add3A_102 = arith.addi %add3A_80, %add3A_101 : i32
      %mul3A_103 = arith.constant 2 : i32
      %mul3A_104 = arith.muli %add3A_102, %mul3A_103 : i32
      %add3A_105 = arith.addi %select_n3A, %mul3A_104 : i32
      %dma_start3A_106 = arith.constant 1 : i32
      %dma_start3A_107 = arith.constant 0 : i32
      %dma_start3A_108 = arith.constant 0 : i32
      %dma_start3A_109 = arith.constant 0 : i32
      %dma_start3A_110 = tpu.memref_slice %arg6[%dma_start3A_106, %dma_start3A_107, %dma_start3A_108, %dma_start3A_109] : memref<2x2x2x128xi32, #tpu.memory_space<vmem>> -> memref<1x2x2x128xi32, #tpu.memory_space<vmem>>
      %dma_start3A_111 = tpu.memref_squeeze %dma_start3A_110 : memref<1x2x2x128xi32, #tpu.memory_space<vmem>> -> memref<2x2x128xi32, #tpu.memory_space<vmem>>
      %dma_start3A_112 = arith.constant 0 : i32
      %dma_start3A_113 = arith.constant 0 : i32
      %dma_start3A_114 = tpu.memref_slice %arg3[%add3A_105, %dma_start3A_112, %dma_start3A_113] : memref<2562x2x128xi32, #tpu.memory_space<hbm>> -> memref<2x2x128xi32, #tpu.memory_space<hbm>>
      %dma_start3A_115 = arith.constant 0 : i32
      %dma_start3A_116 = arith.constant 0 : i32
      %dma_start3A_117 = arith.constant 0 : i32
      %dma_start3A_118 = tpu.memref_slice %arg6[%dma_start3A_106, %dma_start3A_115, %dma_start3A_116, %dma_start3A_117] : memref<2x2x2x128xi32, #tpu.memory_space<vmem>> -> memref<1x2x2x128xi32, #tpu.memory_space<vmem>>
      %dma_start3A_119 = tpu.memref_squeeze %dma_start3A_118 : memref<1x2x2x128xi32, #tpu.memory_space<vmem>> -> memref<2x2x128xi32, #tpu.memory_space<vmem>>
      %dma_start3A_120 = arith.constant 0 : i32
      %dma_start3A_121 = arith.constant 0 : i32
      %dma_start3A_122 = tpu.memref_slice %arg3[%add3A_105, %dma_start3A_120, %dma_start3A_121] : memref<2562x2x128xi32, #tpu.memory_space<hbm>> -> memref<2x2x128xi32, #tpu.memory_space<hbm>>
      tpu.enqueue_dma source(%dma_start3A_122 : memref<2x2x128xi32, #tpu.memory_space<hbm>>) target(%dma_start3A_119 : memref<2x2x128xi32, #tpu.memory_space<vmem>>) target_semaphore(%arg10 : memref<!tpu.dma_semaphore, #tpu.memory_space<semaphore_mem>>)
      %dma_start3A_123 = arith.constant 0 : i32
      %dma_start3A_124 = arith.constant 0 : i32
      %dma_start3A_125 = arith.constant 0 : i32
      %dma_start3A_126 = arith.constant 0 : i32
      %dma_start3A_127 = arith.constant 0 : i32
      %dma_start3A_128 = arith.constant 0 : i32
      %dma_start3A_129 = tpu.memref_slice %arg7[%dma_start3A_126, %dma_start3A_127, %dma_start3A_128] : memref<2x128x128xf32, #tpu.memory_space<vmem>> -> memref<1x128x128xf32, #tpu.memory_space<vmem>>
      %dma_start3A_130 = tpu.memref_squeeze %dma_start3A_129 : memref<1x128x128xf32, #tpu.memory_space<vmem>> -> memref<128x128xf32, #tpu.memory_space<vmem>>
      %dma_start3A_131 = arith.constant 0 : i32
      %dma_start3A_132 = tpu.memref_slice %arg6[%dma_start3A_123, %dma_start3A_124, %dma_start3A_125, %dma_start3A_131] : memref<2x2x2x128xi32, #tpu.memory_space<vmem>> -> memref<1x1x1x128xi32, #tpu.memory_space<vmem>>
      %dma_start3A_133 = tpu.memref_squeeze %dma_start3A_132 : memref<1x1x1x128xi32, #tpu.memory_space<vmem>> -> memref<128xi32, #tpu.memory_space<vmem>>
      %dma_start3A_134 = arith.constant 0 : i32
      %dma_start3A_135 = arith.constant 0 : i32
      %dma_start3A_136 = tpu.memref_slice %arg2[%dma_start3A_134, %dma_start3A_135] : memref<10240x128xf32, #tpu.memory_space<hbm>> -> memref<10240x128xf32, #tpu.memory_space<hbm>>
      tpu.enqueue_indirect_dma source(%dma_start3A_136 : memref<10240x128xf32, #tpu.memory_space<hbm>>) target(%dma_start3A_130 : memref<128x128xf32, #tpu.memory_space<vmem>>) offsets(%dma_start3A_133 : memref<128xi32, #tpu.memory_space<vmem>>) semaphore(%arg11 : memref<!tpu.dma_semaphore, #tpu.memory_space<semaphore_mem>>)
      %dma_start3A_137 = arith.constant 0 : i32
      %dma_start3A_138 = arith.constant 1 : i32
      %dma_start3A_139 = arith.constant 0 : i32
      %dma_start3A_140 = arith.constant 1 : i32
      %dma_start3A_141 = arith.constant 0 : i32
      %dma_start3A_142 = arith.constant 0 : i32
      %dma_start3A_143 = tpu.memref_slice %arg7[%dma_start3A_140, %dma_start3A_141, %dma_start3A_142] : memref<2x128x128xf32, #tpu.memory_space<vmem>> -> memref<1x128x128xf32, #tpu.memory_space<vmem>>
      %dma_start3A_144 = tpu.memref_squeeze %dma_start3A_143 : memref<1x128x128xf32, #tpu.memory_space<vmem>> -> memref<128x128xf32, #tpu.memory_space<vmem>>
      %dma_start3A_145 = arith.constant 0 : i32
      %dma_start3A_146 = tpu.memref_slice %arg6[%dma_start3A_137, %dma_start3A_138, %dma_start3A_139, %dma_start3A_145] : memref<2x2x2x128xi32, #tpu.memory_space<vmem>> -> memref<1x1x1x128xi32, #tpu.memory_space<vmem>>
      %dma_start3A_147 = tpu.memref_squeeze %dma_start3A_146 : memref<1x1x1x128xi32, #tpu.memory_space<vmem>> -> memref<128xi32, #tpu.memory_space<vmem>>
      %dma_start3A_148 = arith.constant 0 : i32
      %dma_start3A_149 = arith.constant 0 : i32
      %dma_start3A_150 = tpu.memref_slice %arg2[%dma_start3A_148, %dma_start3A_149] : memref<10240x128xf32, #tpu.memory_space<hbm>> -> memref<10240x128xf32, #tpu.memory_space<hbm>>
      tpu.enqueue_indirect_dma source(%dma_start3A_150 : memref<10240x128xf32, #tpu.memory_space<hbm>>) target(%dma_start3A_144 : memref<128x128xf32, #tpu.memory_space<vmem>>) offsets(%dma_start3A_147 : memref<128xi32, #tpu.memory_space<vmem>>) semaphore(%arg12 : memref<!tpu.dma_semaphore, #tpu.memory_space<semaphore_mem>>)
      %dma_wait3A_151 = arith.constant 0 : i32
      %dma_wait3A_152 = arith.constant 0 : i32
      %dma_wait3A_153 = arith.constant 0 : i32
      %dma_wait3A_154 = arith.constant 0 : i32
      %dma_wait3A_155 = arith.constant 0 : i32
      %dma_wait3A_156 = arith.constant 0 : i32
      %dma_wait3A_157 = tpu.memref_slice %arg7[%dma_wait3A_154, %dma_wait3A_155, %dma_wait3A_156] : memref<2x128x128xf32, #tpu.memory_space<vmem>> -> memref<1x128x128xf32, #tpu.memory_space<vmem>>
      %dma_wait3A_158 = tpu.memref_squeeze %dma_wait3A_157 : memref<1x128x128xf32, #tpu.memory_space<vmem>> -> memref<128x128xf32, #tpu.memory_space<vmem>>
      %dma_wait3A_159 = arith.constant 0 : i32
      %dma_wait3A_160 = tpu.memref_slice %arg6[%dma_wait3A_151, %dma_wait3A_152, %dma_wait3A_153, %dma_wait3A_159] : memref<2x2x2x128xi32, #tpu.memory_space<vmem>> -> memref<1x1x1x128xi32, #tpu.memory_space<vmem>>
      %dma_wait3A_161 = tpu.memref_squeeze %dma_wait3A_160 : memref<1x1x1x128xi32, #tpu.memory_space<vmem>> -> memref<128xi32, #tpu.memory_space<vmem>>
      %dma_wait3A_162 = arith.constant 0 : i32
      %dma_wait3A_163 = arith.constant 0 : i32
      %dma_wait3A_164 = tpu.memref_slice %arg2[%dma_wait3A_162, %dma_wait3A_163] : memref<10240x128xf32, #tpu.memory_space<hbm>> -> memref<10240x128xf32, #tpu.memory_space<hbm>>
      tpu.wait_indirect_dma semaphore(%arg11 : memref<!tpu.dma_semaphore, #tpu.memory_space<semaphore_mem>>) src(%dma_wait3A_164 : memref<10240x128xf32, #tpu.memory_space<hbm>>) dst(%dma_wait3A_158 : memref<128x128xf32, #tpu.memory_space<vmem>>)
      %dma_start3A_165 = arith.constant 0 : i32
      %dma_start3A_166 = arith.constant 0 : i32
      %dma_start3A_167 = arith.constant 0 : i32
      %dma_start3A_168 = arith.constant 1 : i32
      %dma_start3A_169 = arith.constant 0 : i32
      %dma_start3A_170 = arith.constant 0 : i32
      %dma_start3A_171 = tpu.memref_slice %arg7[%dma_start3A_165, %dma_start3A_169, %dma_start3A_170] : memref<2x128x128xf32, #tpu.memory_space<vmem>> -> memref<1x128x128xf32, #tpu.memory_space<vmem>>
      %dma_start3A_172 = tpu.memref_squeeze %dma_start3A_171 : memref<1x128x128xf32, #tpu.memory_space<vmem>> -> memref<128x128xf32, #tpu.memory_space<vmem>>
      %dma_start3A_173 = arith.constant 0 : i32
      %dma_start3A_174 = tpu.memref_slice %arg6[%dma_start3A_166, %dma_start3A_167, %dma_start3A_168, %dma_start3A_173] : memref<2x2x2x128xi32, #tpu.memory_space<vmem>> -> memref<1x1x1x128xi32, #tpu.memory_space<vmem>>
      %dma_start3A_175 = tpu.memref_squeeze %dma_start3A_174 : memref<1x1x1x128xi32, #tpu.memory_space<vmem>> -> memref<128xi32, #tpu.memory_space<vmem>>
      %dma_start3A_176 = arith.constant 0 : i32
      %dma_start3A_177 = arith.constant 0 : i32
      %dma_start3A_178 = tpu.memref_slice %arg8[%dma_start3A_176, %dma_start3A_177] : memref<10240x128xf32, #tpu.memory_space<vmem_shared>> -> memref<10240x128xf32, #tpu.memory_space<vmem_shared>>
      tpu.enqueue_indirect_dma source(%dma_start3A_172 : memref<128x128xf32, #tpu.memory_space<vmem>>) target(%dma_start3A_178 : memref<10240x128xf32, #tpu.memory_space<vmem_shared>>) offsets(%dma_start3A_175 : memref<128xi32, #tpu.memory_space<vmem>>) semaphore(%arg13 : memref<!tpu.dma_semaphore, #tpu.memory_space<semaphore_mem>>) {add = true}
      %dma_wait3A_179 = arith.constant 0 : i32
      %dma_wait3A_180 = arith.constant 1 : i32
      %dma_wait3A_181 = arith.constant 0 : i32
      %dma_wait3A_182 = arith.constant 1 : i32
      %dma_wait3A_183 = arith.constant 0 : i32
      %dma_wait3A_184 = arith.constant 0 : i32
      %dma_wait3A_185 = tpu.memref_slice %arg7[%dma_wait3A_182, %dma_wait3A_183, %dma_wait3A_184] : memref<2x128x128xf32, #tpu.memory_space<vmem>> -> memref<1x128x128xf32, #tpu.memory_space<vmem>>
      %dma_wait3A_186 = tpu.memref_squeeze %dma_wait3A_185 : memref<1x128x128xf32, #tpu.memory_space<vmem>> -> memref<128x128xf32, #tpu.memory_space<vmem>>
      %dma_wait3A_187 = arith.constant 0 : i32
      %dma_wait3A_188 = tpu.memref_slice %arg6[%dma_wait3A_179, %dma_wait3A_180, %dma_wait3A_181, %dma_wait3A_187] : memref<2x2x2x128xi32, #tpu.memory_space<vmem>> -> memref<1x1x1x128xi32, #tpu.memory_space<vmem>>
      %dma_wait3A_189 = tpu.memref_squeeze %dma_wait3A_188 : memref<1x1x1x128xi32, #tpu.memory_space<vmem>> -> memref<128xi32, #tpu.memory_space<vmem>>
      %dma_wait3A_190 = arith.constant 0 : i32
      %dma_wait3A_191 = arith.constant 0 : i32
      %dma_wait3A_192 = tpu.memref_slice %arg2[%dma_wait3A_190, %dma_wait3A_191] : memref<10240x128xf32, #tpu.memory_space<hbm>> -> memref<10240x128xf32, #tpu.memory_space<hbm>>
      tpu.wait_indirect_dma semaphore(%arg12 : memref<!tpu.dma_semaphore, #tpu.memory_space<semaphore_mem>>) src(%dma_wait3A_192 : memref<10240x128xf32, #tpu.memory_space<hbm>>) dst(%dma_wait3A_186 : memref<128x128xf32, #tpu.memory_space<vmem>>)
      %dma_start3A_193 = arith.constant 1 : i32
      %dma_start3A_194 = arith.constant 0 : i32
      %dma_start3A_195 = arith.constant 1 : i32
      %dma_start3A_196 = arith.constant 1 : i32
      %dma_start3A_197 = arith.constant 0 : i32
      %dma_start3A_198 = arith.constant 0 : i32
      %dma_start3A_199 = tpu.memref_slice %arg7[%dma_start3A_193, %dma_start3A_197, %dma_start3A_198] : memref<2x128x128xf32, #tpu.memory_space<vmem>> -> memref<1x128x128xf32, #tpu.memory_space<vmem>>
      %dma_start3A_200 = tpu.memref_squeeze %dma_start3A_199 : memref<1x128x128xf32, #tpu.memory_space<vmem>> -> memref<128x128xf32, #tpu.memory_space<vmem>>
      %dma_start3A_201 = arith.constant 0 : i32
      %dma_start3A_202 = tpu.memref_slice %arg6[%dma_start3A_194, %dma_start3A_195, %dma_start3A_196, %dma_start3A_201] : memref<2x2x2x128xi32, #tpu.memory_space<vmem>> -> memref<1x1x1x128xi32, #tpu.memory_space<vmem>>
      %dma_start3A_203 = tpu.memref_squeeze %dma_start3A_202 : memref<1x1x1x128xi32, #tpu.memory_space<vmem>> -> memref<128xi32, #tpu.memory_space<vmem>>
      %dma_start3A_204 = arith.constant 0 : i32
      %dma_start3A_205 = arith.constant 0 : i32
      %dma_start3A_206 = tpu.memref_slice %arg8[%dma_start3A_204, %dma_start3A_205] : memref<10240x128xf32, #tpu.memory_space<vmem_shared>> -> memref<10240x128xf32, #tpu.memory_space<vmem_shared>>
      tpu.enqueue_indirect_dma source(%dma_start3A_200 : memref<128x128xf32, #tpu.memory_space<vmem>>) target(%dma_start3A_206 : memref<10240x128xf32, #tpu.memory_space<vmem_shared>>) offsets(%dma_start3A_203 : memref<128xi32, #tpu.memory_space<vmem>>) semaphore(%arg14 : memref<!tpu.dma_semaphore, #tpu.memory_space<semaphore_mem>>) {add = true}
      %dma_wait3A_207 = arith.constant 0 : i32
      %dma_wait3A_208 = arith.constant 0 : i32
      %dma_wait3A_209 = arith.constant 0 : i32
      %dma_wait3A_210 = arith.constant 1 : i32
      %dma_wait3A_211 = arith.constant 0 : i32
      %dma_wait3A_212 = arith.constant 0 : i32
      %dma_wait3A_213 = tpu.memref_slice %arg7[%dma_wait3A_207, %dma_wait3A_211, %dma_wait3A_212] : memref<2x128x128xf32, #tpu.memory_space<vmem>> -> memref<1x128x128xf32, #tpu.memory_space<vmem>>
      %dma_wait3A_214 = tpu.memref_squeeze %dma_wait3A_213 : memref<1x128x128xf32, #tpu.memory_space<vmem>> -> memref<128x128xf32, #tpu.memory_space<vmem>>
      %dma_wait3A_215 = arith.constant 0 : i32
      %dma_wait3A_216 = tpu.memref_slice %arg6[%dma_wait3A_208, %dma_wait3A_209, %dma_wait3A_210, %dma_wait3A_215] : memref<2x2x2x128xi32, #tpu.memory_space<vmem>> -> memref<1x1x1x128xi32, #tpu.memory_space<vmem>>
      %dma_wait3A_217 = tpu.memref_squeeze %dma_wait3A_216 : memref<1x1x1x128xi32, #tpu.memory_space<vmem>> -> memref<128xi32, #tpu.memory_space<vmem>>
      %dma_wait3A_218 = arith.constant 0 : i32
      %dma_wait3A_219 = arith.constant 0 : i32
      %dma_wait3A_220 = tpu.memref_slice %arg8[%dma_wait3A_218, %dma_wait3A_219] : memref<10240x128xf32, #tpu.memory_space<vmem_shared>> -> memref<10240x128xf32, #tpu.memory_space<vmem_shared>>
      tpu.wait_indirect_dma semaphore(%arg13 : memref<!tpu.dma_semaphore, #tpu.memory_space<semaphore_mem>>) src(%dma_wait3A_214 : memref<128x128xf32, #tpu.memory_space<vmem>>) dst(%dma_wait3A_220 : memref<10240x128xf32, #tpu.memory_space<vmem_shared>>)
      %dma_wait3A_221 = arith.constant 1 : i32
      %dma_wait3A_222 = arith.constant 0 : i32
      %dma_wait3A_223 = arith.constant 1 : i32
      %dma_wait3A_224 = arith.constant 1 : i32
      %dma_wait3A_225 = arith.constant 0 : i32
      %dma_wait3A_226 = arith.constant 0 : i32
      %dma_wait3A_227 = tpu.memref_slice %arg7[%dma_wait3A_221, %dma_wait3A_225, %dma_wait3A_226] : memref<2x128x128xf32, #tpu.memory_space<vmem>> -> memref<1x128x128xf32, #tpu.memory_space<vmem>>
      %dma_wait3A_228 = tpu.memref_squeeze %dma_wait3A_227 : memref<1x128x128xf32, #tpu.memory_space<vmem>> -> memref<128x128xf32, #tpu.memory_space<vmem>>
      %dma_wait3A_229 = arith.constant 0 : i32
      %dma_wait3A_230 = tpu.memref_slice %arg6[%dma_wait3A_222, %dma_wait3A_223, %dma_wait3A_224, %dma_wait3A_229] : memref<2x2x2x128xi32, #tpu.memory_space<vmem>> -> memref<1x1x1x128xi32, #tpu.memory_space<vmem>>
      %dma_wait3A_231 = tpu.memref_squeeze %dma_wait3A_230 : memref<1x1x1x128xi32, #tpu.memory_space<vmem>> -> memref<128xi32, #tpu.memory_space<vmem>>
      %dma_wait3A_232 = arith.constant 0 : i32
      %dma_wait3A_233 = arith.constant 0 : i32
      %dma_wait3A_234 = tpu.memref_slice %arg8[%dma_wait3A_232, %dma_wait3A_233] : memref<10240x128xf32, #tpu.memory_space<vmem_shared>> -> memref<10240x128xf32, #tpu.memory_space<vmem_shared>>
      tpu.wait_indirect_dma semaphore(%arg14 : memref<!tpu.dma_semaphore, #tpu.memory_space<semaphore_mem>>) src(%dma_wait3A_228 : memref<128x128xf32, #tpu.memory_space<vmem>>) dst(%dma_wait3A_234 : memref<10240x128xf32, #tpu.memory_space<vmem_shared>>)
      %mul3A_235 = arith.constant 2 : i32
      %mul3A_236 = arith.muli %mul3A_235, %while3A_76 : i32
      %add3A_237 = arith.constant 1 : i32
      %add3A_238 = arith.addi %mul3A_236, %add3A_237 : i32
      %mul3A_239 = arith.constant 2 : i32
      %mul3A_240 = arith.muli %add3A_238, %mul3A_239 : i32
      %add3A_241 = arith.addi %select_n3A, %mul3A_240 : i32
      %dma_wait3A_242 = arith.constant 1 : i32
      %dma_wait3A_243 = arith.constant 0 : i32
      %dma_wait3A_244 = arith.constant 0 : i32
      %dma_wait3A_245 = arith.constant 0 : i32
      %dma_wait3A_246 = tpu.memref_slice %arg6[%dma_wait3A_242, %dma_wait3A_243, %dma_wait3A_244, %dma_wait3A_245] : memref<2x2x2x128xi32, #tpu.memory_space<vmem>> -> memref<1x2x2x128xi32, #tpu.memory_space<vmem>>
      %dma_wait3A_247 = tpu.memref_squeeze %dma_wait3A_246 : memref<1x2x2x128xi32, #tpu.memory_space<vmem>> -> memref<2x2x128xi32, #tpu.memory_space<vmem>>
      %dma_wait3A_248 = arith.constant 0 : i32
      %dma_wait3A_249 = arith.constant 0 : i32
      %dma_wait3A_250 = tpu.memref_slice %arg3[%add3A_241, %dma_wait3A_248, %dma_wait3A_249] : memref<2562x2x128xi32, #tpu.memory_space<hbm>> -> memref<2x2x128xi32, #tpu.memory_space<hbm>>
      %dma_wait3A_251 = arith.constant 0 : i32
      %dma_wait3A_252 = arith.constant 0 : i32
      %dma_wait3A_253 = arith.constant 0 : i32
      %dma_wait3A_254 = tpu.memref_slice %arg6[%dma_wait3A_242, %dma_wait3A_251, %dma_wait3A_252, %dma_wait3A_253] : memref<2x2x2x128xi32, #tpu.memory_space<vmem>> -> memref<1x2x2x128xi32, #tpu.memory_space<vmem>>
      %dma_wait3A_255 = tpu.memref_squeeze %dma_wait3A_254 : memref<1x2x2x128xi32, #tpu.memory_space<vmem>> -> memref<2x2x128xi32, #tpu.memory_space<vmem>>
      %dma_wait3A_256 = arith.constant 0 : i32
      %dma_wait3A_257 = arith.constant 0 : i32
      %dma_wait3A_258 = tpu.memref_slice %arg3[%add3A_241, %dma_wait3A_256, %dma_wait3A_257] : memref<2562x2x128xi32, #tpu.memory_space<hbm>> -> memref<2x2x128xi32, #tpu.memory_space<hbm>>
      tpu.wait_dma2 semaphore(%arg10 : memref<!tpu.dma_semaphore, #tpu.memory_space<semaphore_mem>>) src(%dma_wait3A_258 : memref<2x2x128xi32, #tpu.memory_space<hbm>>) dst(%dma_wait3A_255 : memref<2x2x128xi32, #tpu.memory_space<vmem>>)
      %add3A_259 = arith.constant 1 : i32
      %add3A_260 = arith.addi %add3A_238, %add3A_259 : i32
      %mul3A_261 = arith.constant 2 : i32
      %mul3A_262 = arith.muli %add3A_260, %mul3A_261 : i32
      %add3A_263 = arith.addi %select_n3A, %mul3A_262 : i32
      %dma_start3A_264 = arith.constant 0 : i32
      %dma_start3A_265 = arith.constant 0 : i32
      %dma_start3A_266 = arith.constant 0 : i32
      %dma_start3A_267 = arith.constant 0 : i32
      %dma_start3A_268 = tpu.memref_slice %arg6[%dma_start3A_264, %dma_start3A_265, %dma_start3A_266, %dma_start3A_267] : memref<2x2x2x128xi32, #tpu.memory_space<vmem>> -> memref<1x2x2x128xi32, #tpu.memory_space<vmem>>
      %dma_start3A_269 = tpu.memref_squeeze %dma_start3A_268 : memref<1x2x2x128xi32, #tpu.memory_space<vmem>> -> memref<2x2x128xi32, #tpu.memory_space<vmem>>
      %dma_start3A_270 = arith.constant 0 : i32
      %dma_start3A_271 = arith.constant 0 : i32
      %dma_start3A_272 = tpu.memref_slice %arg3[%add3A_263, %dma_start3A_270, %dma_start3A_271] : memref<2562x2x128xi32, #tpu.memory_space<hbm>> -> memref<2x2x128xi32, #tpu.memory_space<hbm>>
      %dma_start3A_273 = arith.constant 0 : i32
      %dma_start3A_274 = arith.constant 0 : i32
      %dma_start3A_275 = arith.constant 0 : i32
      %dma_start3A_276 = tpu.memref_slice %arg6[%dma_start3A_264, %dma_start3A_273, %dma_start3A_274, %dma_start3A_275] : memref<2x2x2x128xi32, #tpu.memory_space<vmem>> -> memref<1x2x2x128xi32, #tpu.memory_space<vmem>>
      %dma_start3A_277 = tpu.memref_squeeze %dma_start3A_276 : memref<1x2x2x128xi32, #tpu.memory_space<vmem>> -> memref<2x2x128xi32, #tpu.memory_space<vmem>>
      %dma_start3A_278 = arith.constant 0 : i32
      %dma_start3A_279 = arith.constant 0 : i32
      %dma_start3A_280 = tpu.memref_slice %arg3[%add3A_263, %dma_start3A_278, %dma_start3A_279] : memref<2562x2x128xi32, #tpu.memory_space<hbm>> -> memref<2x2x128xi32, #tpu.memory_space<hbm>>
      tpu.enqueue_dma source(%dma_start3A_280 : memref<2x2x128xi32, #tpu.memory_space<hbm>>) target(%dma_start3A_277 : memref<2x2x128xi32, #tpu.memory_space<vmem>>) target_semaphore(%arg9 : memref<!tpu.dma_semaphore, #tpu.memory_space<semaphore_mem>>)
      %dma_start3A_281 = arith.constant 1 : i32
      %dma_start3A_282 = arith.constant 0 : i32
      %dma_start3A_283 = arith.constant 0 : i32
      %dma_start3A_284 = arith.constant 0 : i32
      %dma_start3A_285 = arith.constant 0 : i32
      %dma_start3A_286 = arith.constant 0 : i32
      %dma_start3A_287 = tpu.memref_slice %arg7[%dma_start3A_284, %dma_start3A_285, %dma_start3A_286] : memref<2x128x128xf32, #tpu.memory_space<vmem>> -> memref<1x128x128xf32, #tpu.memory_space<vmem>>
      %dma_start3A_288 = tpu.memref_squeeze %dma_start3A_287 : memref<1x128x128xf32, #tpu.memory_space<vmem>> -> memref<128x128xf32, #tpu.memory_space<vmem>>
      %dma_start3A_289 = arith.constant 0 : i32
      %dma_start3A_290 = tpu.memref_slice %arg6[%dma_start3A_281, %dma_start3A_282, %dma_start3A_283, %dma_start3A_289] : memref<2x2x2x128xi32, #tpu.memory_space<vmem>> -> memref<1x1x1x128xi32, #tpu.memory_space<vmem>>
      %dma_start3A_291 = tpu.memref_squeeze %dma_start3A_290 : memref<1x1x1x128xi32, #tpu.memory_space<vmem>> -> memref<128xi32, #tpu.memory_space<vmem>>
      %dma_start3A_292 = arith.constant 0 : i32
      %dma_start3A_293 = arith.constant 0 : i32
      %dma_start3A_294 = tpu.memref_slice %arg2[%dma_start3A_292, %dma_start3A_293] : memref<10240x128xf32, #tpu.memory_space<hbm>> -> memref<10240x128xf32, #tpu.memory_space<hbm>>
      tpu.enqueue_indirect_dma source(%dma_start3A_294 : memref<10240x128xf32, #tpu.memory_space<hbm>>) target(%dma_start3A_288 : memref<128x128xf32, #tpu.memory_space<vmem>>) offsets(%dma_start3A_291 : memref<128xi32, #tpu.memory_space<vmem>>) semaphore(%arg11 : memref<!tpu.dma_semaphore, #tpu.memory_space<semaphore_mem>>)
      %dma_start3A_295 = arith.constant 1 : i32
      %dma_start3A_296 = arith.constant 1 : i32
      %dma_start3A_297 = arith.constant 0 : i32
      %dma_start3A_298 = arith.constant 1 : i32
      %dma_start3A_299 = arith.constant 0 : i32
      %dma_start3A_300 = arith.constant 0 : i32
      %dma_start3A_301 = tpu.memref_slice %arg7[%dma_start3A_298, %dma_start3A_299, %dma_start3A_300] : memref<2x128x128xf32, #tpu.memory_space<vmem>> -> memref<1x128x128xf32, #tpu.memory_space<vmem>>
      %dma_start3A_302 = tpu.memref_squeeze %dma_start3A_301 : memref<1x128x128xf32, #tpu.memory_space<vmem>> -> memref<128x128xf32, #tpu.memory_space<vmem>>
      %dma_start3A_303 = arith.constant 0 : i32
      %dma_start3A_304 = tpu.memref_slice %arg6[%dma_start3A_295, %dma_start3A_296, %dma_start3A_297, %dma_start3A_303] : memref<2x2x2x128xi32, #tpu.memory_space<vmem>> -> memref<1x1x1x128xi32, #tpu.memory_space<vmem>>
      %dma_start3A_305 = tpu.memref_squeeze %dma_start3A_304 : memref<1x1x1x128xi32, #tpu.memory_space<vmem>> -> memref<128xi32, #tpu.memory_space<vmem>>
      %dma_start3A_306 = arith.constant 0 : i32
      %dma_start3A_307 = arith.constant 0 : i32
      %dma_start3A_308 = tpu.memref_slice %arg2[%dma_start3A_306, %dma_start3A_307] : memref<10240x128xf32, #tpu.memory_space<hbm>> -> memref<10240x128xf32, #tpu.memory_space<hbm>>
      tpu.enqueue_indirect_dma source(%dma_start3A_308 : memref<10240x128xf32, #tpu.memory_space<hbm>>) target(%dma_start3A_302 : memref<128x128xf32, #tpu.memory_space<vmem>>) offsets(%dma_start3A_305 : memref<128xi32, #tpu.memory_space<vmem>>) semaphore(%arg12 : memref<!tpu.dma_semaphore, #tpu.memory_space<semaphore_mem>>)
      %dma_wait3A_309 = arith.constant 1 : i32
      %dma_wait3A_310 = arith.constant 0 : i32
      %dma_wait3A_311 = arith.constant 0 : i32
      %dma_wait3A_312 = arith.constant 0 : i32
      %dma_wait3A_313 = arith.constant 0 : i32
      %dma_wait3A_314 = arith.constant 0 : i32
      %dma_wait3A_315 = tpu.memref_slice %arg7[%dma_wait3A_312, %dma_wait3A_313, %dma_wait3A_314] : memref<2x128x128xf32, #tpu.memory_space<vmem>> -> memref<1x128x128xf32, #tpu.memory_space<vmem>>
      %dma_wait3A_316 = tpu.memref_squeeze %dma_wait3A_315 : memref<1x128x128xf32, #tpu.memory_space<vmem>> -> memref<128x128xf32, #tpu.memory_space<vmem>>
      %dma_wait3A_317 = arith.constant 0 : i32
      %dma_wait3A_318 = tpu.memref_slice %arg6[%dma_wait3A_309, %dma_wait3A_310, %dma_wait3A_311, %dma_wait3A_317] : memref<2x2x2x128xi32, #tpu.memory_space<vmem>> -> memref<1x1x1x128xi32, #tpu.memory_space<vmem>>
      %dma_wait3A_319 = tpu.memref_squeeze %dma_wait3A_318 : memref<1x1x1x128xi32, #tpu.memory_space<vmem>> -> memref<128xi32, #tpu.memory_space<vmem>>
      %dma_wait3A_320 = arith.constant 0 : i32
      %dma_wait3A_321 = arith.constant 0 : i32
      %dma_wait3A_322 = tpu.memref_slice %arg2[%dma_wait3A_320, %dma_wait3A_321] : memref<10240x128xf32, #tpu.memory_space<hbm>> -> memref<10240x128xf32, #tpu.memory_space<hbm>>
      tpu.wait_indirect_dma semaphore(%arg11 : memref<!tpu.dma_semaphore, #tpu.memory_space<semaphore_mem>>) src(%dma_wait3A_322 : memref<10240x128xf32, #tpu.memory_space<hbm>>) dst(%dma_wait3A_316 : memref<128x128xf32, #tpu.memory_space<vmem>>)
      %dma_start3A_323 = arith.constant 0 : i32
      %dma_start3A_324 = arith.constant 1 : i32
      %dma_start3A_325 = arith.constant 0 : i32
      %dma_start3A_326 = arith.constant 1 : i32
      %dma_start3A_327 = arith.constant 0 : i32
      %dma_start3A_328 = arith.constant 0 : i32
      %dma_start3A_329 = tpu.memref_slice %arg7[%dma_start3A_323, %dma_start3A_327, %dma_start3A_328] : memref<2x128x128xf32, #tpu.memory_space<vmem>> -> memref<1x128x128xf32, #tpu.memory_space<vmem>>
      %dma_start3A_330 = tpu.memref_squeeze %dma_start3A_329 : memref<1x128x128xf32, #tpu.memory_space<vmem>> -> memref<128x128xf32, #tpu.memory_space<vmem>>
      %dma_start3A_331 = arith.constant 0 : i32
      %dma_start3A_332 = tpu.memref_slice %arg6[%dma_start3A_324, %dma_start3A_325, %dma_start3A_326, %dma_start3A_331] : memref<2x2x2x128xi32, #tpu.memory_space<vmem>> -> memref<1x1x1x128xi32, #tpu.memory_space<vmem>>
      %dma_start3A_333 = tpu.memref_squeeze %dma_start3A_332 : memref<1x1x1x128xi32, #tpu.memory_space<vmem>> -> memref<128xi32, #tpu.memory_space<vmem>>
      %dma_start3A_334 = arith.constant 0 : i32
      %dma_start3A_335 = arith.constant 0 : i32
      %dma_start3A_336 = tpu.memref_slice %arg8[%dma_start3A_334, %dma_start3A_335] : memref<10240x128xf32, #tpu.memory_space<vmem_shared>> -> memref<10240x128xf32, #tpu.memory_space<vmem_shared>>
      tpu.enqueue_indirect_dma source(%dma_start3A_330 : memref<128x128xf32, #tpu.memory_space<vmem>>) target(%dma_start3A_336 : memref<10240x128xf32, #tpu.memory_space<vmem_shared>>) offsets(%dma_start3A_333 : memref<128xi32, #tpu.memory_space<vmem>>) semaphore(%arg13 : memref<!tpu.dma_semaphore, #tpu.memory_space<semaphore_mem>>) {add = true}
      %dma_wait3A_337 = arith.constant 1 : i32
      %dma_wait3A_338 = arith.constant 1 : i32
      %dma_wait3A_339 = arith.constant 0 : i32
      %dma_wait3A_340 = arith.constant 1 : i32
      %dma_wait3A_341 = arith.constant 0 : i32
      %dma_wait3A_342 = arith.constant 0 : i32
      %dma_wait3A_343 = tpu.memref_slice %arg7[%dma_wait3A_340, %dma_wait3A_341, %dma_wait3A_342] : memref<2x128x128xf32, #tpu.memory_space<vmem>> -> memref<1x128x128xf32, #tpu.memory_space<vmem>>
      %dma_wait3A_344 = tpu.memref_squeeze %dma_wait3A_343 : memref<1x128x128xf32, #tpu.memory_space<vmem>> -> memref<128x128xf32, #tpu.memory_space<vmem>>
      %dma_wait3A_345 = arith.constant 0 : i32
      %dma_wait3A_346 = tpu.memref_slice %arg6[%dma_wait3A_337, %dma_wait3A_338, %dma_wait3A_339, %dma_wait3A_345] : memref<2x2x2x128xi32, #tpu.memory_space<vmem>> -> memref<1x1x1x128xi32, #tpu.memory_space<vmem>>
      %dma_wait3A_347 = tpu.memref_squeeze %dma_wait3A_346 : memref<1x1x1x128xi32, #tpu.memory_space<vmem>> -> memref<128xi32, #tpu.memory_space<vmem>>
      %dma_wait3A_348 = arith.constant 0 : i32
      %dma_wait3A_349 = arith.constant 0 : i32
      %dma_wait3A_350 = tpu.memref_slice %arg2[%dma_wait3A_348, %dma_wait3A_349] : memref<10240x128xf32, #tpu.memory_space<hbm>> -> memref<10240x128xf32, #tpu.memory_space<hbm>>
      tpu.wait_indirect_dma semaphore(%arg12 : memref<!tpu.dma_semaphore, #tpu.memory_space<semaphore_mem>>) src(%dma_wait3A_350 : memref<10240x128xf32, #tpu.memory_space<hbm>>) dst(%dma_wait3A_344 : memref<128x128xf32, #tpu.memory_space<vmem>>)
      %dma_start3A_351 = arith.constant 1 : i32
      %dma_start3A_352 = arith.constant 1 : i32
      %dma_start3A_353 = arith.constant 1 : i32
      %dma_start3A_354 = arith.constant 1 : i32
      %dma_start3A_355 = arith.constant 0 : i32
      %dma_start3A_356 = arith.constant 0 : i32
      %dma_start3A_357 = tpu.memref_slice %arg7[%dma_start3A_351, %dma_start3A_355, %dma_start3A_356] : memref<2x128x128xf32, #tpu.memory_space<vmem>> -> memref<1x128x128xf32, #tpu.memory_space<vmem>>
      %dma_start3A_358 = tpu.memref_squeeze %dma_start3A_357 : memref<1x128x128xf32, #tpu.memory_space<vmem>> -> memref<128x128xf32, #tpu.memory_space<vmem>>
      %dma_start3A_359 = arith.constant 0 : i32
      %dma_start3A_360 = tpu.memref_slice %arg6[%dma_start3A_352, %dma_start3A_353, %dma_start3A_354, %dma_start3A_359] : memref<2x2x2x128xi32, #tpu.memory_space<vmem>> -> memref<1x1x1x128xi32, #tpu.memory_space<vmem>>
      %dma_start3A_361 = tpu.memref_squeeze %dma_start3A_360 : memref<1x1x1x128xi32, #tpu.memory_space<vmem>> -> memref<128xi32, #tpu.memory_space<vmem>>
      %dma_start3A_362 = arith.constant 0 : i32
      %dma_start3A_363 = arith.constant 0 : i32
      %dma_start3A_364 = tpu.memref_slice %arg8[%dma_start3A_362, %dma_start3A_363] : memref<10240x128xf32, #tpu.memory_space<vmem_shared>> -> memref<10240x128xf32, #tpu.memory_space<vmem_shared>>
      tpu.enqueue_indirect_dma source(%dma_start3A_358 : memref<128x128xf32, #tpu.memory_space<vmem>>) target(%dma_start3A_364 : memref<10240x128xf32, #tpu.memory_space<vmem_shared>>) offsets(%dma_start3A_361 : memref<128xi32, #tpu.memory_space<vmem>>) semaphore(%arg14 : memref<!tpu.dma_semaphore, #tpu.memory_space<semaphore_mem>>) {add = true}
      %dma_wait3A_365 = arith.constant 0 : i32
      %dma_wait3A_366 = arith.constant 1 : i32
      %dma_wait3A_367 = arith.constant 0 : i32
      %dma_wait3A_368 = arith.constant 1 : i32
      %dma_wait3A_369 = arith.constant 0 : i32
      %dma_wait3A_370 = arith.constant 0 : i32
      %dma_wait3A_371 = tpu.memref_slice %arg7[%dma_wait3A_365, %dma_wait3A_369, %dma_wait3A_370] : memref<2x128x128xf32, #tpu.memory_space<vmem>> -> memref<1x128x128xf32, #tpu.memory_space<vmem>>
      %dma_wait3A_372 = tpu.memref_squeeze %dma_wait3A_371 : memref<1x128x128xf32, #tpu.memory_space<vmem>> -> memref<128x128xf32, #tpu.memory_space<vmem>>
      %dma_wait3A_373 = arith.constant 0 : i32
      %dma_wait3A_374 = tpu.memref_slice %arg6[%dma_wait3A_366, %dma_wait3A_367, %dma_wait3A_368, %dma_wait3A_373] : memref<2x2x2x128xi32, #tpu.memory_space<vmem>> -> memref<1x1x1x128xi32, #tpu.memory_space<vmem>>
      %dma_wait3A_375 = tpu.memref_squeeze %dma_wait3A_374 : memref<1x1x1x128xi32, #tpu.memory_space<vmem>> -> memref<128xi32, #tpu.memory_space<vmem>>
      %dma_wait3A_376 = arith.constant 0 : i32
      %dma_wait3A_377 = arith.constant 0 : i32
      %dma_wait3A_378 = tpu.memref_slice %arg8[%dma_wait3A_376, %dma_wait3A_377] : memref<10240x128xf32, #tpu.memory_space<vmem_shared>> -> memref<10240x128xf32, #tpu.memory_space<vmem_shared>>
      tpu.wait_indirect_dma semaphore(%arg13 : memref<!tpu.dma_semaphore, #tpu.memory_space<semaphore_mem>>) src(%dma_wait3A_372 : memref<128x128xf32, #tpu.memory_space<vmem>>) dst(%dma_wait3A_378 : memref<10240x128xf32, #tpu.memory_space<vmem_shared>>)
      %dma_wait3A_379 = arith.constant 1 : i32
      %dma_wait3A_380 = arith.constant 1 : i32
      %dma_wait3A_381 = arith.constant 1 : i32
      %dma_wait3A_382 = arith.constant 1 : i32
      %dma_wait3A_383 = arith.constant 0 : i32
      %dma_wait3A_384 = arith.constant 0 : i32
      %dma_wait3A_385 = tpu.memref_slice %arg7[%dma_wait3A_379, %dma_wait3A_383, %dma_wait3A_384] : memref<2x128x128xf32, #tpu.memory_space<vmem>> -> memref<1x128x128xf32, #tpu.memory_space<vmem>>
      %dma_wait3A_386 = tpu.memref_squeeze %dma_wait3A_385 : memref<1x128x128xf32, #tpu.memory_space<vmem>> -> memref<128x128xf32, #tpu.memory_space<vmem>>
      %dma_wait3A_387 = arith.constant 0 : i32
      %dma_wait3A_388 = tpu.memref_slice %arg6[%dma_wait3A_380, %dma_wait3A_381, %dma_wait3A_382, %dma_wait3A_387] : memref<2x2x2x128xi32, #tpu.memory_space<vmem>> -> memref<1x1x1x128xi32, #tpu.memory_space<vmem>>
      %dma_wait3A_389 = tpu.memref_squeeze %dma_wait3A_388 : memref<1x1x1x128xi32, #tpu.memory_space<vmem>> -> memref<128xi32, #tpu.memory_space<vmem>>
      %dma_wait3A_390 = arith.constant 0 : i32
      %dma_wait3A_391 = arith.constant 0 : i32
      %dma_wait3A_392 = tpu.memref_slice %arg8[%dma_wait3A_390, %dma_wait3A_391] : memref<10240x128xf32, #tpu.memory_space<vmem_shared>> -> memref<10240x128xf32, #tpu.memory_space<vmem_shared>>
      tpu.wait_indirect_dma semaphore(%arg14 : memref<!tpu.dma_semaphore, #tpu.memory_space<semaphore_mem>>) src(%dma_wait3A_386 : memref<128x128xf32, #tpu.memory_space<vmem>>) dst(%dma_wait3A_392 : memref<10240x128xf32, #tpu.memory_space<vmem_shared>>)
    }
    %while3A_55 = arith.constant 1 : i32
    scf.for %while3A_76 = %while3A_53 to %while3A_49 step %while3A_55  : i32 {
      %mul3A_77 = arith.constant 2 : i32
      %mul3A_78 = arith.muli %mul3A_77, %while3A_76 : i32
      %add3A_79 = arith.constant 0 : i32
      %add3A_80 = arith.addi %mul3A_78, %add3A_79 : i32
      %mul3A_81 = arith.constant 2 : i32
      %mul3A_82 = arith.muli %add3A_80, %mul3A_81 : i32
      %add3A_83 = arith.addi %select_n3A, %mul3A_82 : i32
      %dma_wait3A_84 = arith.constant 0 : i32
      %dma_wait3A_85 = arith.constant 0 : i32
      %dma_wait3A_86 = arith.constant 0 : i32
      %dma_wait3A_87 = arith.constant 0 : i32
      %dma_wait3A_88 = tpu.memref_slice %arg6[%dma_wait3A_84, %dma_wait3A_85, %dma_wait3A_86, %dma_wait3A_87] : memref<2x2x2x128xi32, #tpu.memory_space<vmem>> -> memref<1x2x2x128xi32, #tpu.memory_space<vmem>>
      %dma_wait3A_89 = tpu.memref_squeeze %dma_wait3A_88 : memref<1x2x2x128xi32, #tpu.memory_space<vmem>> -> memref<2x2x128xi32, #tpu.memory_space<vmem>>
      %dma_wait3A_90 = arith.constant 0 : i32
      %dma_wait3A_91 = arith.constant 0 : i32
      %dma_wait3A_92 = tpu.memref_slice %arg3[%add3A_83, %dma_wait3A_90, %dma_wait3A_91] : memref<2562x2x128xi32, #tpu.memory_space<hbm>> -> memref<2x2x128xi32, #tpu.memory_space<hbm>>
      %dma_wait3A_93 = arith.constant 0 : i32
      %dma_wait3A_94 = arith.constant 0 : i32
      %dma_wait3A_95 = arith.constant 0 : i32
      %dma_wait3A_96 = tpu.memref_slice %arg6[%dma_wait3A_84, %dma_wait3A_93, %dma_wait3A_94, %dma_wait3A_95] : memref<2x2x2x128xi32, #tpu.memory_space<vmem>> -> memref<1x2x2x128xi32, #tpu.memory_space<vmem>>
      %dma_wait3A_97 = tpu.memref_squeeze %dma_wait3A_96 : memref<1x2x2x128xi32, #tpu.memory_space<vmem>> -> memref<2x2x128xi32, #tpu.memory_space<vmem>>
      %dma_wait3A_98 = arith.constant 0 : i32
      %dma_wait3A_99 = arith.constant 0 : i32
      %dma_wait3A_100 = tpu.memref_slice %arg3[%add3A_83, %dma_wait3A_98, %dma_wait3A_99] : memref<2562x2x128xi32, #tpu.memory_space<hbm>> -> memref<2x2x128xi32, #tpu.memory_space<hbm>>
      tpu.wait_dma2 semaphore(%arg9 : memref<!tpu.dma_semaphore, #tpu.memory_space<semaphore_mem>>) src(%dma_wait3A_100 : memref<2x2x128xi32, #tpu.memory_space<hbm>>) dst(%dma_wait3A_97 : memref<2x2x128xi32, #tpu.memory_space<vmem>>)
      %add3A_101 = arith.constant 1 : i32
      %add3A_102 = arith.addi %add3A_80, %add3A_101 : i32
      %mul3A_103 = arith.constant 2 : i32
      %mul3A_104 = arith.muli %add3A_102, %mul3A_103 : i32
      %add3A_105 = arith.addi %select_n3A, %mul3A_104 : i32
      %dma_start3A_106 = arith.constant 1 : i32
      %dma_start3A_107 = arith.constant 0 : i32
      %dma_start3A_108 = arith.constant 0 : i32
      %dma_start3A_109 = arith.constant 0 : i32
      %dma_start3A_110 = tpu.memref_slice %arg6[%dma_start3A_106, %dma_start3A_107, %dma_start3A_108, %dma_start3A_109] : memref<2x2x2x128xi32, #tpu.memory_space<vmem>> -> memref<1x2x2x128xi32, #tpu.memory_space<vmem>>
      %dma_start3A_111 = tpu.memref_squeeze %dma_start3A_110 : memref<1x2x2x128xi32, #tpu.memory_space<vmem>> -> memref<2x2x128xi32, #tpu.memory_space<vmem>>
      %dma_start3A_112 = arith.constant 0 : i32
      %dma_start3A_113 = arith.constant 0 : i32
      %dma_start3A_114 = tpu.memref_slice %arg3[%add3A_105, %dma_start3A_112, %dma_start3A_113] : memref<2562x2x128xi32, #tpu.memory_space<hbm>> -> memref<2x2x128xi32, #tpu.memory_space<hbm>>
      %dma_start3A_115 = arith.constant 0 : i32
      %dma_start3A_116 = arith.constant 0 : i32
      %dma_start3A_117 = arith.constant 0 : i32
      %dma_start3A_118 = tpu.memref_slice %arg6[%dma_start3A_106, %dma_start3A_115, %dma_start3A_116, %dma_start3A_117] : memref<2x2x2x128xi32, #tpu.memory_space<vmem>> -> memref<1x2x2x128xi32, #tpu.memory_space<vmem>>
      %dma_start3A_119 = tpu.memref_squeeze %dma_start3A_118 : memref<1x2x2x128xi32, #tpu.memory_space<vmem>> -> memref<2x2x128xi32, #tpu.memory_space<vmem>>
      %dma_start3A_120 = arith.constant 0 : i32
      %dma_start3A_121 = arith.constant 0 : i32
      %dma_start3A_122 = tpu.memref_slice %arg3[%add3A_105, %dma_start3A_120, %dma_start3A_121] : memref<2562x2x128xi32, #tpu.memory_space<hbm>> -> memref<2x2x128xi32, #tpu.memory_space<hbm>>
      tpu.enqueue_dma source(%dma_start3A_122 : memref<2x2x128xi32, #tpu.memory_space<hbm>>) target(%dma_start3A_119 : memref<2x2x128xi32, #tpu.memory_space<vmem>>) target_semaphore(%arg10 : memref<!tpu.dma_semaphore, #tpu.memory_space<semaphore_mem>>)
      %dma_start3A_123 = arith.constant 0 : i32
      %dma_start3A_124 = arith.constant 0 : i32
      %dma_start3A_125 = arith.constant 0 : i32
      %dma_start3A_126 = arith.constant 0 : i32
      %dma_start3A_127 = arith.constant 0 : i32
      %dma_start3A_128 = arith.constant 0 : i32
      %dma_start3A_129 = tpu.memref_slice %arg7[%dma_start3A_126, %dma_start3A_127, %dma_start3A_128] : memref<2x128x128xf32, #tpu.memory_space<vmem>> -> memref<1x128x128xf32, #tpu.memory_space<vmem>>
      %dma_start3A_130 = tpu.memref_squeeze %dma_start3A_129 : memref<1x128x128xf32, #tpu.memory_space<vmem>> -> memref<128x128xf32, #tpu.memory_space<vmem>>
      %dma_start3A_131 = arith.constant 0 : i32
      %dma_start3A_132 = tpu.memref_slice %arg6[%dma_start3A_123, %dma_start3A_124, %dma_start3A_125, %dma_start3A_131] : memref<2x2x2x128xi32, #tpu.memory_space<vmem>> -> memref<1x1x1x128xi32, #tpu.memory_space<vmem>>
      %dma_start3A_133 = tpu.memref_squeeze %dma_start3A_132 : memref<1x1x1x128xi32, #tpu.memory_space<vmem>> -> memref<128xi32, #tpu.memory_space<vmem>>
      %dma_start3A_134 = arith.constant 0 : i32
      %dma_start3A_135 = arith.constant 0 : i32
      %dma_start3A_136 = tpu.memref_slice %arg2[%dma_start3A_134, %dma_start3A_135] : memref<10240x128xf32, #tpu.memory_space<hbm>> -> memref<10240x128xf32, #tpu.memory_space<hbm>>
      tpu.enqueue_indirect_dma source(%dma_start3A_136 : memref<10240x128xf32, #tpu.memory_space<hbm>>) target(%dma_start3A_130 : memref<128x128xf32, #tpu.memory_space<vmem>>) offsets(%dma_start3A_133 : memref<128xi32, #tpu.memory_space<vmem>>) semaphore(%arg11 : memref<!tpu.dma_semaphore, #tpu.memory_space<semaphore_mem>>)
      %dma_start3A_137 = arith.constant 0 : i32
      %dma_start3A_138 = arith.constant 1 : i32
      %dma_start3A_139 = arith.constant 0 : i32
      %dma_start3A_140 = arith.constant 1 : i32
      %dma_start3A_141 = arith.constant 0 : i32
      %dma_start3A_142 = arith.constant 0 : i32
      %dma_start3A_143 = tpu.memref_slice %arg7[%dma_start3A_140, %dma_start3A_141, %dma_start3A_142] : memref<2x128x128xf32, #tpu.memory_space<vmem>> -> memref<1x128x128xf32, #tpu.memory_space<vmem>>
      %dma_start3A_144 = tpu.memref_squeeze %dma_start3A_143 : memref<1x128x128xf32, #tpu.memory_space<vmem>> -> memref<128x128xf32, #tpu.memory_space<vmem>>
      %dma_start3A_145 = arith.constant 0 : i32
      %dma_start3A_146 = tpu.memref_slice %arg6[%dma_start3A_137, %dma_start3A_138, %dma_start3A_139, %dma_start3A_145] : memref<2x2x2x128xi32, #tpu.memory_space<vmem>> -> memref<1x1x1x128xi32, #tpu.memory_space<vmem>>
      %dma_start3A_147 = tpu.memref_squeeze %dma_start3A_146 : memref<1x1x1x128xi32, #tpu.memory_space<vmem>> -> memref<128xi32, #tpu.memory_space<vmem>>
      %dma_start3A_148 = arith.constant 0 : i32
      %dma_start3A_149 = arith.constant 0 : i32
      %dma_start3A_150 = tpu.memref_slice %arg2[%dma_start3A_148, %dma_start3A_149] : memref<10240x128xf32, #tpu.memory_space<hbm>> -> memref<10240x128xf32, #tpu.memory_space<hbm>>
      tpu.enqueue_indirect_dma source(%dma_start3A_150 : memref<10240x128xf32, #tpu.memory_space<hbm>>) target(%dma_start3A_144 : memref<128x128xf32, #tpu.memory_space<vmem>>) offsets(%dma_start3A_147 : memref<128xi32, #tpu.memory_space<vmem>>) semaphore(%arg12 : memref<!tpu.dma_semaphore, #tpu.memory_space<semaphore_mem>>)
      %dma_wait3A_151 = arith.constant 0 : i32
      %dma_wait3A_152 = arith.constant 0 : i32
      %dma_wait3A_153 = arith.constant 0 : i32
      %dma_wait3A_154 = arith.constant 0 : i32
      %dma_wait3A_155 = arith.constant 0 : i32
      %dma_wait3A_156 = arith.constant 0 : i32
      %dma_wait3A_157 = tpu.memref_slice %arg7[%dma_wait3A_154, %dma_wait3A_155, %dma_wait3A_156] : memref<2x128x128xf32, #tpu.memory_space<vmem>> -> memref<1x128x128xf32, #tpu.memory_space<vmem>>
      %dma_wait3A_158 = tpu.memref_squeeze %dma_wait3A_157 : memref<1x128x128xf32, #tpu.memory_space<vmem>> -> memref<128x128xf32, #tpu.memory_space<vmem>>
      %dma_wait3A_159 = arith.constant 0 : i32
      %dma_wait3A_160 = tpu.memref_slice %arg6[%dma_wait3A_151, %dma_wait3A_152, %dma_wait3A_153, %dma_wait3A_159] : memref<2x2x2x128xi32, #tpu.memory_space<vmem>> -> memref<1x1x1x128xi32, #tpu.memory_space<vmem>>
      %dma_wait3A_161 = tpu.memref_squeeze %dma_wait3A_160 : memref<1x1x1x128xi32, #tpu.memory_space<vmem>> -> memref<128xi32, #tpu.memory_space<vmem>>
      %dma_wait3A_162 = arith.constant 0 : i32
      %dma_wait3A_163 = arith.constant 0 : i32
      %dma_wait3A_164 = tpu.memref_slice %arg2[%dma_wait3A_162, %dma_wait3A_163] : memref<10240x128xf32, #tpu.memory_space<hbm>> -> memref<10240x128xf32, #tpu.memory_space<hbm>>
      tpu.wait_indirect_dma semaphore(%arg11 : memref<!tpu.dma_semaphore, #tpu.memory_space<semaphore_mem>>) src(%dma_wait3A_164 : memref<10240x128xf32, #tpu.memory_space<hbm>>) dst(%dma_wait3A_158 : memref<128x128xf32, #tpu.memory_space<vmem>>)
      %dma_start3A_165 = arith.constant 0 : i32
      %dma_start3A_166 = arith.constant 0 : i32
      %dma_start3A_167 = arith.constant 0 : i32
      %dma_start3A_168 = arith.constant 1 : i32
      %dma_start3A_169 = arith.constant 0 : i32
      %dma_start3A_170 = arith.constant 0 : i32
      %dma_start3A_171 = tpu.memref_slice %arg7[%dma_start3A_165, %dma_start3A_169, %dma_start3A_170] : memref<2x128x128xf32, #tpu.memory_space<vmem>> -> memref<1x128x128xf32, #tpu.memory_space<vmem>>
      %dma_start3A_172 = tpu.memref_squeeze %dma_start3A_171 : memref<1x128x128xf32, #tpu.memory_space<vmem>> -> memref<128x128xf32, #tpu.memory_space<vmem>>
      %dma_start3A_173 = arith.constant 0 : i32
      %dma_start3A_174 = tpu.memref_slice %arg6[%dma_start3A_166, %dma_start3A_167, %dma_start3A_168, %dma_start3A_173] : memref<2x2x2x128xi32, #tpu.memory_space<vmem>> -> memref<1x1x1x128xi32, #tpu.memory_space<vmem>>
      %dma_start3A_175 = tpu.memref_squeeze %dma_start3A_174 : memref<1x1x1x128xi32, #tpu.memory_space<vmem>> -> memref<128xi32, #tpu.memory_space<vmem>>
      %dma_start3A_176 = arith.constant 0 : i32
      %dma_start3A_177 = arith.constant 0 : i32
      %dma_start3A_178 = tpu.memref_slice %arg8[%dma_start3A_176, %dma_start3A_177] : memref<10240x128xf32, #tpu.memory_space<vmem_shared>> -> memref<10240x128xf32, #tpu.memory_space<vmem_shared>>
      tpu.enqueue_indirect_dma source(%dma_start3A_172 : memref<128x128xf32, #tpu.memory_space<vmem>>) target(%dma_start3A_178 : memref<10240x128xf32, #tpu.memory_space<vmem_shared>>) offsets(%dma_start3A_175 : memref<128xi32, #tpu.memory_space<vmem>>) semaphore(%arg13 : memref<!tpu.dma_semaphore, #tpu.memory_space<semaphore_mem>>) {add = true}
      %dma_wait3A_179 = arith.constant 0 : i32
      %dma_wait3A_180 = arith.constant 1 : i32
      %dma_wait3A_181 = arith.constant 0 : i32
      %dma_wait3A_182 = arith.constant 1 : i32
      %dma_wait3A_183 = arith.constant 0 : i32
      %dma_wait3A_184 = arith.constant 0 : i32
      %dma_wait3A_185 = tpu.memref_slice %arg7[%dma_wait3A_182, %dma_wait3A_183, %dma_wait3A_184] : memref<2x128x128xf32, #tpu.memory_space<vmem>> -> memref<1x128x128xf32, #tpu.memory_space<vmem>>
      %dma_wait3A_186 = tpu.memref_squeeze %dma_wait3A_185 : memref<1x128x128xf32, #tpu.memory_space<vmem>> -> memref<128x128xf32, #tpu.memory_space<vmem>>
      %dma_wait3A_187 = arith.constant 0 : i32
      %dma_wait3A_188 = tpu.memref_slice %arg6[%dma_wait3A_179, %dma_wait3A_180, %dma_wait3A_181, %dma_wait3A_187] : memref<2x2x2x128xi32, #tpu.memory_space<vmem>> -> memref<1x1x1x128xi32, #tpu.memory_space<vmem>>
      %dma_wait3A_189 = tpu.memref_squeeze %dma_wait3A_188 : memref<1x1x1x128xi32, #tpu.memory_space<vmem>> -> memref<128xi32, #tpu.memory_space<vmem>>
      %dma_wait3A_190 = arith.constant 0 : i32
      %dma_wait3A_191 = arith.constant 0 : i32
      %dma_wait3A_192 = tpu.memref_slice %arg2[%dma_wait3A_190, %dma_wait3A_191] : memref<10240x128xf32, #tpu.memory_space<hbm>> -> memref<10240x128xf32, #tpu.memory_space<hbm>>
      tpu.wait_indirect_dma semaphore(%arg12 : memref<!tpu.dma_semaphore, #tpu.memory_space<semaphore_mem>>) src(%dma_wait3A_192 : memref<10240x128xf32, #tpu.memory_space<hbm>>) dst(%dma_wait3A_186 : memref<128x128xf32, #tpu.memory_space<vmem>>)
      %dma_start3A_193 = arith.constant 1 : i32
      %dma_start3A_194 = arith.constant 0 : i32
      %dma_start3A_195 = arith.constant 1 : i32
      %dma_start3A_196 = arith.constant 1 : i32
      %dma_start3A_197 = arith.constant 0 : i32
      %dma_start3A_198 = arith.constant 0 : i32
      %dma_start3A_199 = tpu.memref_slice %arg7[%dma_start3A_193, %dma_start3A_197, %dma_start3A_198] : memref<2x128x128xf32, #tpu.memory_space<vmem>> -> memref<1x128x128xf32, #tpu.memory_space<vmem>>
      %dma_start3A_200 = tpu.memref_squeeze %dma_start3A_199 : memref<1x128x128xf32, #tpu.memory_space<vmem>> -> memref<128x128xf32, #tpu.memory_space<vmem>>
      %dma_start3A_201 = arith.constant 0 : i32
      %dma_start3A_202 = tpu.memref_slice %arg6[%dma_start3A_194, %dma_start3A_195, %dma_start3A_196, %dma_start3A_201] : memref<2x2x2x128xi32, #tpu.memory_space<vmem>> -> memref<1x1x1x128xi32, #tpu.memory_space<vmem>>
      %dma_start3A_203 = tpu.memref_squeeze %dma_start3A_202 : memref<1x1x1x128xi32, #tpu.memory_space<vmem>> -> memref<128xi32, #tpu.memory_space<vmem>>
      %dma_start3A_204 = arith.constant 0 : i32
      %dma_start3A_205 = arith.constant 0 : i32
      %dma_start3A_206 = tpu.memref_slice %arg8[%dma_start3A_204, %dma_start3A_205] : memref<10240x128xf32, #tpu.memory_space<vmem_shared>> -> memref<10240x128xf32, #tpu.memory_space<vmem_shared>>
      tpu.enqueue_indirect_dma source(%dma_start3A_200 : memref<128x128xf32, #tpu.memory_space<vmem>>) target(%dma_start3A_206 : memref<10240x128xf32, #tpu.memory_space<vmem_shared>>) offsets(%dma_start3A_203 : memref<128xi32, #tpu.memory_space<vmem>>) semaphore(%arg14 : memref<!tpu.dma_semaphore, #tpu.memory_space<semaphore_mem>>) {add = true}
      %dma_wait3A_207 = arith.constant 0 : i32
      %dma_wait3A_208 = arith.constant 0 : i32
      %dma_wait3A_209 = arith.constant 0 : i32
      %dma_wait3A_210 = arith.constant 1 : i32
      %dma_wait3A_211 = arith.constant 0 : i32
      %dma_wait3A_212 = arith.constant 0 : i32
      %dma_wait3A_213 = tpu.memref_slice %arg7[%dma_wait3A_207, %dma_wait3A_211, %dma_wait3A_212] : memref<2x128x128xf32, #tpu.memory_space<vmem>> -> memref<1x128x128xf32, #tpu.memory_space<vmem>>
      %dma_wait3A_214 = tpu.memref_squeeze %dma_wait3A_213 : memref<1x128x128xf32, #tpu.memory_space<vmem>> -> memref<128x128xf32, #tpu.memory_space<vmem>>
      %dma_wait3A_215 = arith.constant 0 : i32
      %dma_wait3A_216 = tpu.memref_slice %arg6[%dma_wait3A_208, %dma_wait3A_209, %dma_wait3A_210, %dma_wait3A_215] : memref<2x2x2x128xi32, #tpu.memory_space<vmem>> -> memref<1x1x1x128xi32, #tpu.memory_space<vmem>>
      %dma_wait3A_217 = tpu.memref_squeeze %dma_wait3A_216 : memref<1x1x1x128xi32, #tpu.memory_space<vmem>> -> memref<128xi32, #tpu.memory_space<vmem>>
      %dma_wait3A_218 = arith.constant 0 : i32
      %dma_wait3A_219 = arith.constant 0 : i32
      %dma_wait3A_220 = tpu.memref_slice %arg8[%dma_wait3A_218, %dma_wait3A_219] : memref<10240x128xf32, #tpu.memory_space<vmem_shared>> -> memref<10240x128xf32, #tpu.memory_space<vmem_shared>>
      tpu.wait_indirect_dma semaphore(%arg13 : memref<!tpu.dma_semaphore, #tpu.memory_space<semaphore_mem>>) src(%dma_wait3A_214 : memref<128x128xf32, #tpu.memory_space<vmem>>) dst(%dma_wait3A_220 : memref<10240x128xf32, #tpu.memory_space<vmem_shared>>)
      %dma_wait3A_221 = arith.constant 1 : i32
      %dma_wait3A_222 = arith.constant 0 : i32
      %dma_wait3A_223 = arith.constant 1 : i32
      %dma_wait3A_224 = arith.constant 1 : i32
      %dma_wait3A_225 = arith.constant 0 : i32
      %dma_wait3A_226 = arith.constant 0 : i32
      %dma_wait3A_227 = tpu.memref_slice %arg7[%dma_wait3A_221, %dma_wait3A_225, %dma_wait3A_226] : memref<2x128x128xf32, #tpu.memory_space<vmem>> -> memref<1x128x128xf32, #tpu.memory_space<vmem>>
      %dma_wait3A_228 = tpu.memref_squeeze %dma_wait3A_227 : memref<1x128x128xf32, #tpu.memory_space<vmem>> -> memref<128x128xf32, #tpu.memory_space<vmem>>
      %dma_wait3A_229 = arith.constant 0 : i32
      %dma_wait3A_230 = tpu.memref_slice %arg6[%dma_wait3A_222, %dma_wait3A_223, %dma_wait3A_224, %dma_wait3A_229] : memref<2x2x2x128xi32, #tpu.memory_space<vmem>> -> memref<1x1x1x128xi32, #tpu.memory_space<vmem>>
      %dma_wait3A_231 = tpu.memref_squeeze %dma_wait3A_230 : memref<1x1x1x128xi32, #tpu.memory_space<vmem>> -> memref<128xi32, #tpu.memory_space<vmem>>
      %dma_wait3A_232 = arith.constant 0 : i32
      %dma_wait3A_233 = arith.constant 0 : i32
      %dma_wait3A_234 = tpu.memref_slice %arg8[%dma_wait3A_232, %dma_wait3A_233] : memref<10240x128xf32, #tpu.memory_space<vmem_shared>> -> memref<10240x128xf32, #tpu.memory_space<vmem_shared>>
      tpu.wait_indirect_dma semaphore(%arg14 : memref<!tpu.dma_semaphore, #tpu.memory_space<semaphore_mem>>) src(%dma_wait3A_228 : memref<128x128xf32, #tpu.memory_space<vmem>>) dst(%dma_wait3A_234 : memref<10240x128xf32, #tpu.memory_space<vmem_shared>>)
      %mul3A_235 = arith.constant 2 : i32
      %mul3A_236 = arith.muli %mul3A_235, %while3A_76 : i32
      %add3A_237 = arith.constant 1 : i32
      %add3A_238 = arith.addi %mul3A_236, %add3A_237 : i32
      %mul3A_239 = arith.constant 2 : i32
      %mul3A_240 = arith.muli %add3A_238, %mul3A_239 : i32
      %add3A_241 = arith.addi %select_n3A, %mul3A_240 : i32
      %dma_wait3A_242 = arith.constant 1 : i32
      %dma_wait3A_243 = arith.constant 0 : i32
      %dma_wait3A_244 = arith.constant 0 : i32
      %dma_wait3A_245 = arith.constant 0 : i32
      %dma_wait3A_246 = tpu.memref_slice %arg6[%dma_wait3A_242, %dma_wait3A_243, %dma_wait3A_244, %dma_wait3A_245] : memref<2x2x2x128xi32, #tpu.memory_space<vmem>> -> memref<1x2x2x128xi32, #tpu.memory_space<vmem>>
      %dma_wait3A_247 = tpu.memref_squeeze %dma_wait3A_246 : memref<1x2x2x128xi32, #tpu.memory_space<vmem>> -> memref<2x2x128xi32, #tpu.memory_space<vmem>>
      %dma_wait3A_248 = arith.constant 0 : i32
      %dma_wait3A_249 = arith.constant 0 : i32
      %dma_wait3A_250 = tpu.memref_slice %arg3[%add3A_241, %dma_wait3A_248, %dma_wait3A_249] : memref<2562x2x128xi32, #tpu.memory_space<hbm>> -> memref<2x2x128xi32, #tpu.memory_space<hbm>>
      %dma_wait3A_251 = arith.constant 0 : i32
      %dma_wait3A_252 = arith.constant 0 : i32
      %dma_wait3A_253 = arith.constant 0 : i32
      %dma_wait3A_254 = tpu.memref_slice %arg6[%dma_wait3A_242, %dma_wait3A_251, %dma_wait3A_252, %dma_wait3A_253] : memref<2x2x2x128xi32, #tpu.memory_space<vmem>> -> memref<1x2x2x128xi32, #tpu.memory_space<vmem>>
      %dma_wait3A_255 = tpu.memref_squeeze %dma_wait3A_254 : memref<1x2x2x128xi32, #tpu.memory_space<vmem>> -> memref<2x2x128xi32, #tpu.memory_space<vmem>>
      %dma_wait3A_256 = arith.constant 0 : i32
      %dma_wait3A_257 = arith.constant 0 : i32
      %dma_wait3A_258 = tpu.memref_slice %arg3[%add3A_241, %dma_wait3A_256, %dma_wait3A_257] : memref<2562x2x128xi32, #tpu.memory_space<hbm>> -> memref<2x2x128xi32, #tpu.memory_space<hbm>>
      tpu.wait_dma2 semaphore(%arg10 : memref<!tpu.dma_semaphore, #tpu.memory_space<semaphore_mem>>) src(%dma_wait3A_258 : memref<2x2x128xi32, #tpu.memory_space<hbm>>) dst(%dma_wait3A_255 : memref<2x2x128xi32, #tpu.memory_space<vmem>>)
      %add3A_259 = arith.constant 1 : i32
      %add3A_260 = arith.addi %add3A_238, %add3A_259 : i32
      %mul3A_261 = arith.constant 2 : i32
      %mul3A_262 = arith.muli %add3A_260, %mul3A_261 : i32
      %add3A_263 = arith.addi %select_n3A, %mul3A_262 : i32
      %dma_start3A_264 = arith.constant 0 : i32
      %dma_start3A_265 = arith.constant 0 : i32
      %dma_start3A_266 = arith.constant 0 : i32
      %dma_start3A_267 = arith.constant 0 : i32
      %dma_start3A_268 = tpu.memref_slice %arg6[%dma_start3A_264, %dma_start3A_265, %dma_start3A_266, %dma_start3A_267] : memref<2x2x2x128xi32, #tpu.memory_space<vmem>> -> memref<1x2x2x128xi32, #tpu.memory_space<vmem>>
      %dma_start3A_269 = tpu.memref_squeeze %dma_start3A_268 : memref<1x2x2x128xi32, #tpu.memory_space<vmem>> -> memref<2x2x128xi32, #tpu.memory_space<vmem>>
      %dma_start3A_270 = arith.constant 0 : i32
      %dma_start3A_271 = arith.constant 0 : i32
      %dma_start3A_272 = tpu.memref_slice %arg3[%add3A_263, %dma_start3A_270, %dma_start3A_271] : memref<2562x2x128xi32, #tpu.memory_space<hbm>> -> memref<2x2x128xi32, #tpu.memory_space<hbm>>
      %dma_start3A_273 = arith.constant 0 : i32
      %dma_start3A_274 = arith.constant 0 : i32
      %dma_start3A_275 = arith.constant 0 : i32
      %dma_start3A_276 = tpu.memref_slice %arg6[%dma_start3A_264, %dma_start3A_273, %dma_start3A_274, %dma_start3A_275] : memref<2x2x2x128xi32, #tpu.memory_space<vmem>> -> memref<1x2x2x128xi32, #tpu.memory_space<vmem>>
      %dma_start3A_277 = tpu.memref_squeeze %dma_start3A_276 : memref<1x2x2x128xi32, #tpu.memory_space<vmem>> -> memref<2x2x128xi32, #tpu.memory_space<vmem>>
      %dma_start3A_278 = arith.constant 0 : i32
      %dma_start3A_279 = arith.constant 0 : i32
      %dma_start3A_280 = tpu.memref_slice %arg3[%add3A_263, %dma_start3A_278, %dma_start3A_279] : memref<2562x2x128xi32, #tpu.memory_space<hbm>> -> memref<2x2x128xi32, #tpu.memory_space<hbm>>
      tpu.enqueue_dma source(%dma_start3A_280 : memref<2x2x128xi32, #tpu.memory_space<hbm>>) target(%dma_start3A_277 : memref<2x2x128xi32, #tpu.memory_space<vmem>>) target_semaphore(%arg9 : memref<!tpu.dma_semaphore, #tpu.memory_space<semaphore_mem>>)
      %dma_start3A_281 = arith.constant 1 : i32
      %dma_start3A_282 = arith.constant 0 : i32
      %dma_start3A_283 = arith.constant 0 : i32
      %dma_start3A_284 = arith.constant 0 : i32
      %dma_start3A_285 = arith.constant 0 : i32
      %dma_start3A_286 = arith.constant 0 : i32
      %dma_start3A_287 = tpu.memref_slice %arg7[%dma_start3A_284, %dma_start3A_285, %dma_start3A_286] : memref<2x128x128xf32, #tpu.memory_space<vmem>> -> memref<1x128x128xf32, #tpu.memory_space<vmem>>
      %dma_start3A_288 = tpu.memref_squeeze %dma_start3A_287 : memref<1x128x128xf32, #tpu.memory_space<vmem>> -> memref<128x128xf32, #tpu.memory_space<vmem>>
      %dma_start3A_289 = arith.constant 0 : i32
      %dma_start3A_290 = tpu.memref_slice %arg6[%dma_start3A_281, %dma_start3A_282, %dma_start3A_283, %dma_start3A_289] : memref<2x2x2x128xi32, #tpu.memory_space<vmem>> -> memref<1x1x1x128xi32, #tpu.memory_space<vmem>>
      %dma_start3A_291 = tpu.memref_squeeze %dma_start3A_290 : memref<1x1x1x128xi32, #tpu.memory_space<vmem>> -> memref<128xi32, #tpu.memory_space<vmem>>
      %dma_start3A_292 = arith.constant 0 : i32
      %dma_start3A_293 = arith.constant 0 : i32
      %dma_start3A_294 = tpu.memref_slice %arg2[%dma_start3A_292, %dma_start3A_293] : memref<10240x128xf32, #tpu.memory_space<hbm>> -> memref<10240x128xf32, #tpu.memory_space<hbm>>
      tpu.enqueue_indirect_dma source(%dma_start3A_294 : memref<10240x128xf32, #tpu.memory_space<hbm>>) target(%dma_start3A_288 : memref<128x128xf32, #tpu.memory_space<vmem>>) offsets(%dma_start3A_291 : memref<128xi32, #tpu.memory_space<vmem>>) semaphore(%arg11 : memref<!tpu.dma_semaphore, #tpu.memory_space<semaphore_mem>>)
      %dma_start3A_295 = arith.constant 1 : i32
      %dma_start3A_296 = arith.constant 1 : i32
      %dma_start3A_297 = arith.constant 0 : i32
      %dma_start3A_298 = arith.constant 1 : i32
      %dma_start3A_299 = arith.constant 0 : i32
      %dma_start3A_300 = arith.constant 0 : i32
      %dma_start3A_301 = tpu.memref_slice %arg7[%dma_start3A_298, %dma_start3A_299, %dma_start3A_300] : memref<2x128x128xf32, #tpu.memory_space<vmem>> -> memref<1x128x128xf32, #tpu.memory_space<vmem>>
      %dma_start3A_302 = tpu.memref_squeeze %dma_start3A_301 : memref<1x128x128xf32, #tpu.memory_space<vmem>> -> memref<128x128xf32, #tpu.memory_space<vmem>>
      %dma_start3A_303 = arith.constant 0 : i32
      %dma_start3A_304 = tpu.memref_slice %arg6[%dma_start3A_295, %dma_start3A_296, %dma_start3A_297, %dma_start3A_303] : memref<2x2x2x128xi32, #tpu.memory_space<vmem>> -> memref<1x1x1x128xi32, #tpu.memory_space<vmem>>
      %dma_start3A_305 = tpu.memref_squeeze %dma_start3A_304 : memref<1x1x1x128xi32, #tpu.memory_space<vmem>> -> memref<128xi32, #tpu.memory_space<vmem>>
      %dma_start3A_306 = arith.constant 0 : i32
      %dma_start3A_307 = arith.constant 0 : i32
      %dma_start3A_308 = tpu.memref_slice %arg2[%dma_start3A_306, %dma_start3A_307] : memref<10240x128xf32, #tpu.memory_space<hbm>> -> memref<10240x128xf32, #tpu.memory_space<hbm>>
      tpu.enqueue_indirect_dma source(%dma_start3A_308 : memref<10240x128xf32, #tpu.memory_space<hbm>>) target(%dma_start3A_302 : memref<128x128xf32, #tpu.memory_space<vmem>>) offsets(%dma_start3A_305 : memref<128xi32, #tpu.memory_space<vmem>>) semaphore(%arg12 : memref<!tpu.dma_semaphore, #tpu.memory_space<semaphore_mem>>)
      %dma_wait3A_309 = arith.constant 1 : i32
      %dma_wait3A_310 = arith.constant 0 : i32
      %dma_wait3A_311 = arith.constant 0 : i32
      %dma_wait3A_312 = arith.constant 0 : i32
      %dma_wait3A_313 = arith.constant 0 : i32
      %dma_wait3A_314 = arith.constant 0 : i32
      %dma_wait3A_315 = tpu.memref_slice %arg7[%dma_wait3A_312, %dma_wait3A_313, %dma_wait3A_314] : memref<2x128x128xf32, #tpu.memory_space<vmem>> -> memref<1x128x128xf32, #tpu.memory_space<vmem>>
      %dma_wait3A_316 = tpu.memref_squeeze %dma_wait3A_315 : memref<1x128x128xf32, #tpu.memory_space<vmem>> -> memref<128x128xf32, #tpu.memory_space<vmem>>
      %dma_wait3A_317 = arith.constant 0 : i32
      %dma_wait3A_318 = tpu.memref_slice %arg6[%dma_wait3A_309, %dma_wait3A_310, %dma_wait3A_311, %dma_wait3A_317] : memref<2x2x2x128xi32, #tpu.memory_space<vmem>> -> memref<1x1x1x128xi32, #tpu.memory_space<vmem>>
      %dma_wait3A_319 = tpu.memref_squeeze %dma_wait3A_318 : memref<1x1x1x128xi32, #tpu.memory_space<vmem>> -> memref<128xi32, #tpu.memory_space<vmem>>
      %dma_wait3A_320 = arith.constant 0 : i32
      %dma_wait3A_321 = arith.constant 0 : i32
      %dma_wait3A_322 = tpu.memref_slice %arg2[%dma_wait3A_320, %dma_wait3A_321] : memref<10240x128xf32, #tpu.memory_space<hbm>> -> memref<10240x128xf32, #tpu.memory_space<hbm>>
      tpu.wait_indirect_dma semaphore(%arg11 : memref<!tpu.dma_semaphore, #tpu.memory_space<semaphore_mem>>) src(%dma_wait3A_322 : memref<10240x128xf32, #tpu.memory_space<hbm>>) dst(%dma_wait3A_316 : memref<128x128xf32, #tpu.memory_space<vmem>>)
      %dma_start3A_323 = arith.constant 0 : i32
      %dma_start3A_324 = arith.constant 1 : i32
      %dma_start3A_325 = arith.constant 0 : i32
      %dma_start3A_326 = arith.constant 1 : i32
      %dma_start3A_327 = arith.constant 0 : i32
      %dma_start3A_328 = arith.constant 0 : i32
      %dma_start3A_329 = tpu.memref_slice %arg7[%dma_start3A_323, %dma_start3A_327, %dma_start3A_328] : memref<2x128x128xf32, #tpu.memory_space<vmem>> -> memref<1x128x128xf32, #tpu.memory_space<vmem>>
      %dma_start3A_330 = tpu.memref_squeeze %dma_start3A_329 : memref<1x128x128xf32, #tpu.memory_space<vmem>> -> memref<128x128xf32, #tpu.memory_space<vmem>>
      %dma_start3A_331 = arith.constant 0 : i32
      %dma_start3A_332 = tpu.memref_slice %arg6[%dma_start3A_324, %dma_start3A_325, %dma_start3A_326, %dma_start3A_331] : memref<2x2x2x128xi32, #tpu.memory_space<vmem>> -> memref<1x1x1x128xi32, #tpu.memory_space<vmem>>
      %dma_start3A_333 = tpu.memref_squeeze %dma_start3A_332 : memref<1x1x1x128xi32, #tpu.memory_space<vmem>> -> memref<128xi32, #tpu.memory_space<vmem>>
      %dma_start3A_334 = arith.constant 0 : i32
      %dma_start3A_335 = arith.constant 0 : i32
      %dma_start3A_336 = tpu.memref_slice %arg8[%dma_start3A_334, %dma_start3A_335] : memref<10240x128xf32, #tpu.memory_space<vmem_shared>> -> memref<10240x128xf32, #tpu.memory_space<vmem_shared>>
      tpu.enqueue_indirect_dma source(%dma_start3A_330 : memref<128x128xf32, #tpu.memory_space<vmem>>) target(%dma_start3A_336 : memref<10240x128xf32, #tpu.memory_space<vmem_shared>>) offsets(%dma_start3A_333 : memref<128xi32, #tpu.memory_space<vmem>>) semaphore(%arg13 : memref<!tpu.dma_semaphore, #tpu.memory_space<semaphore_mem>>) {add = true}
      %dma_wait3A_337 = arith.constant 1 : i32
      %dma_wait3A_338 = arith.constant 1 : i32
      %dma_wait3A_339 = arith.constant 0 : i32
      %dma_wait3A_340 = arith.constant 1 : i32
      %dma_wait3A_341 = arith.constant 0 : i32
      %dma_wait3A_342 = arith.constant 0 : i32
      %dma_wait3A_343 = tpu.memref_slice %arg7[%dma_wait3A_340, %dma_wait3A_341, %dma_wait3A_342] : memref<2x128x128xf32, #tpu.memory_space<vmem>> -> memref<1x128x128xf32, #tpu.memory_space<vmem>>
      %dma_wait3A_344 = tpu.memref_squeeze %dma_wait3A_343 : memref<1x128x128xf32, #tpu.memory_space<vmem>> -> memref<128x128xf32, #tpu.memory_space<vmem>>
      %dma_wait3A_345 = arith.constant 0 : i32
      %dma_wait3A_346 = tpu.memref_slice %arg6[%dma_wait3A_337, %dma_wait3A_338, %dma_wait3A_339, %dma_wait3A_345] : memref<2x2x2x128xi32, #tpu.memory_space<vmem>> -> memref<1x1x1x128xi32, #tpu.memory_space<vmem>>
      %dma_wait3A_347 = tpu.memref_squeeze %dma_wait3A_346 : memref<1x1x1x128xi32, #tpu.memory_space<vmem>> -> memref<128xi32, #tpu.memory_space<vmem>>
      %dma_wait3A_348 = arith.constant 0 : i32
      %dma_wait3A_349 = arith.constant 0 : i32
      %dma_wait3A_350 = tpu.memref_slice %arg2[%dma_wait3A_348, %dma_wait3A_349] : memref<10240x128xf32, #tpu.memory_space<hbm>> -> memref<10240x128xf32, #tpu.memory_space<hbm>>
      tpu.wait_indirect_dma semaphore(%arg12 : memref<!tpu.dma_semaphore, #tpu.memory_space<semaphore_mem>>) src(%dma_wait3A_350 : memref<10240x128xf32, #tpu.memory_space<hbm>>) dst(%dma_wait3A_344 : memref<128x128xf32, #tpu.memory_space<vmem>>)
      %dma_start3A_351 = arith.constant 1 : i32
      %dma_start3A_352 = arith.constant 1 : i32
      %dma_start3A_353 = arith.constant 1 : i32
      %dma_start3A_354 = arith.constant 1 : i32
      %dma_start3A_355 = arith.constant 0 : i32
      %dma_start3A_356 = arith.constant 0 : i32
      %dma_start3A_357 = tpu.memref_slice %arg7[%dma_start3A_351, %dma_start3A_355, %dma_start3A_356] : memref<2x128x128xf32, #tpu.memory_space<vmem>> -> memref<1x128x128xf32, #tpu.memory_space<vmem>>
      %dma_start3A_358 = tpu.memref_squeeze %dma_start3A_357 : memref<1x128x128xf32, #tpu.memory_space<vmem>> -> memref<128x128xf32, #tpu.memory_space<vmem>>
      %dma_start3A_359 = arith.constant 0 : i32
      %dma_start3A_360 = tpu.memref_slice %arg6[%dma_start3A_352, %dma_start3A_353, %dma_start3A_354, %dma_start3A_359] : memref<2x2x2x128xi32, #tpu.memory_space<vmem>> -> memref<1x1x1x128xi32, #tpu.memory_space<vmem>>
      %dma_start3A_361 = tpu.memref_squeeze %dma_start3A_360 : memref<1x1x1x128xi32, #tpu.memory_space<vmem>> -> memref<128xi32, #tpu.memory_space<vmem>>
      %dma_start3A_362 = arith.constant 0 : i32
      %dma_start3A_363 = arith.constant 0 : i32
      %dma_start3A_364 = tpu.memref_slice %arg8[%dma_start3A_362, %dma_start3A_363] : memref<10240x128xf32, #tpu.memory_space<vmem_shared>> -> memref<10240x128xf32, #tpu.memory_space<vmem_shared>>
      tpu.enqueue_indirect_dma source(%dma_start3A_358 : memref<128x128xf32, #tpu.memory_space<vmem>>) target(%dma_start3A_364 : memref<10240x128xf32, #tpu.memory_space<vmem_shared>>) offsets(%dma_start3A_361 : memref<128xi32, #tpu.memory_space<vmem>>) semaphore(%arg14 : memref<!tpu.dma_semaphore, #tpu.memory_space<semaphore_mem>>) {add = true}
      %dma_wait3A_365 = arith.constant 0 : i32
      %dma_wait3A_366 = arith.constant 1 : i32
      %dma_wait3A_367 = arith.constant 0 : i32
      %dma_wait3A_368 = arith.constant 1 : i32
      %dma_wait3A_369 = arith.constant 0 : i32
      %dma_wait3A_370 = arith.constant 0 : i32
      %dma_wait3A_371 = tpu.memref_slice %arg7[%dma_wait3A_365, %dma_wait3A_369, %dma_wait3A_370] : memref<2x128x128xf32, #tpu.memory_space<vmem>> -> memref<1x128x128xf32, #tpu.memory_space<vmem>>
      %dma_wait3A_372 = tpu.memref_squeeze %dma_wait3A_371 : memref<1x128x128xf32, #tpu.memory_space<vmem>> -> memref<128x128xf32, #tpu.memory_space<vmem>>
      %dma_wait3A_373 = arith.constant 0 : i32
      %dma_wait3A_374 = tpu.memref_slice %arg6[%dma_wait3A_366, %dma_wait3A_367, %dma_wait3A_368, %dma_wait3A_373] : memref<2x2x2x128xi32, #tpu.memory_space<vmem>> -> memref<1x1x1x128xi32, #tpu.memory_space<vmem>>
      %dma_wait3A_375 = tpu.memref_squeeze %dma_wait3A_374 : memref<1x1x1x128xi32, #tpu.memory_space<vmem>> -> memref<128xi32, #tpu.memory_space<vmem>>
      %dma_wait3A_376 = arith.constant 0 : i32
      %dma_wait3A_377 = arith.constant 0 : i32
      %dma_wait3A_378 = tpu.memref_slice %arg8[%dma_wait3A_376, %dma_wait3A_377] : memref<10240x128xf32, #tpu.memory_space<vmem_shared>> -> memref<10240x128xf32, #tpu.memory_space<vmem_shared>>
      tpu.wait_indirect_dma semaphore(%arg13 : memref<!tpu.dma_semaphore, #tpu.memory_space<semaphore_mem>>) src(%dma_wait3A_372 : memref<128x128xf32, #tpu.memory_space<vmem>>) dst(%dma_wait3A_378 : memref<10240x128xf32, #tpu.memory_space<vmem_shared>>)
      %dma_wait3A_379 = arith.constant 1 : i32
      %dma_wait3A_380 = arith.constant 1 : i32
      %dma_wait3A_381 = arith.constant 1 : i32
      %dma_wait3A_382 = arith.constant 1 : i32
      %dma_wait3A_383 = arith.constant 0 : i32
      %dma_wait3A_384 = arith.constant 0 : i32
      %dma_wait3A_385 = tpu.memref_slice %arg7[%dma_wait3A_379, %dma_wait3A_383, %dma_wait3A_384] : memref<2x128x128xf32, #tpu.memory_space<vmem>> -> memref<1x128x128xf32, #tpu.memory_space<vmem>>
      %dma_wait3A_386 = tpu.memref_squeeze %dma_wait3A_385 : memref<1x128x128xf32, #tpu.memory_space<vmem>> -> memref<128x128xf32, #tpu.memory_space<vmem>>
      %dma_wait3A_387 = arith.constant 0 : i32
      %dma_wait3A_388 = tpu.memref_slice %arg6[%dma_wait3A_380, %dma_wait3A_381, %dma_wait3A_382, %dma_wait3A_387] : memref<2x2x2x128xi32, #tpu.memory_space<vmem>> -> memref<1x1x1x128xi32, #tpu.memory_space<vmem>>
      %dma_wait3A_389 = tpu.memref_squeeze %dma_wait3A_388 : memref<1x1x1x128xi32, #tpu.memory_space<vmem>> -> memref<128xi32, #tpu.memory_space<vmem>>
      %dma_wait3A_390 = arith.constant 0 : i32
      %dma_wait3A_391 = arith.constant 0 : i32
      %dma_wait3A_392 = tpu.memref_slice %arg8[%dma_wait3A_390, %dma_wait3A_391] : memref<10240x128xf32, #tpu.memory_space<vmem_shared>> -> memref<10240x128xf32, #tpu.memory_space<vmem_shared>>
      tpu.wait_indirect_dma semaphore(%arg14 : memref<!tpu.dma_semaphore, #tpu.memory_space<semaphore_mem>>) src(%dma_wait3A_386 : memref<128x128xf32, #tpu.memory_space<vmem>>) dst(%dma_wait3A_392 : memref<10240x128xf32, #tpu.memory_space<vmem_shared>>)
    }
    %mul3A_56 = arith.constant 2 : i32
    %mul3A_57 = arith.muli %select_n3A_8, %mul3A_56 : i32
    %add3A_58 = arith.addi %select_n3A, %mul3A_57 : i32
    %dma_wait3A = arith.constant 0 : i32
    %dma_wait3A_59 = arith.constant 0 : i32
    %dma_wait3A_60 = arith.constant 0 : i32
    %dma_wait3A_61 = arith.constant 0 : i32
    %dma_wait3A_62 = tpu.memref_slice %arg6[%dma_wait3A, %dma_wait3A_59, %dma_wait3A_60, %dma_wait3A_61] : memref<2x2x2x128xi32, #tpu.memory_space<vmem>> -> memref<1x2x2x128xi32, #tpu.memory_space<vmem>>
    %dma_wait3A_63 = tpu.memref_squeeze %dma_wait3A_62 : memref<1x2x2x128xi32, #tpu.memory_space<vmem>> -> memref<2x2x128xi32, #tpu.memory_space<vmem>>
    %dma_wait3A_64 = arith.constant 0 : i32
    %dma_wait3A_65 = arith.constant 0 : i32
    %dma_wait3A_66 = tpu.memref_slice %arg3[%add3A_58, %dma_wait3A_64, %dma_wait3A_65] : memref<2562x2x128xi32, #tpu.memory_space<hbm>> -> memref<2x2x128xi32, #tpu.memory_space<hbm>>
    %dma_wait3A_67 = arith.constant 0 : i32
    %dma_wait3A_68 = arith.constant 0 : i32
    %dma_wait3A_69 = arith.constant 0 : i32
    %dma_wait3A_70 = tpu.memref_slice %arg6[%dma_wait3A, %dma_wait3A_67, %dma_wait3A_68, %dma_wait3A_69] : memref<2x2x2x128xi32, #tpu.memory_space<vmem>> -> memref<1x2x2x128xi32, #tpu.memory_space<vmem>>
    %dma_wait3A_71 = tpu.memref_squeeze %dma_wait3A_70 : memref<1x2x2x128xi32, #tpu.memory_space<vmem>> -> memref<2x2x128xi32, #tpu.memory_space<vmem>>
    %dma_wait3A_72 = arith.constant 0 : i32
    %dma_wait3A_73 = arith.constant 0 : i32
    %dma_wait3A_74 = tpu.memref_slice %arg3[%add3A_58, %dma_wait3A_72, %dma_wait3A_73] : memref<2562x2x128xi32, #tpu.memory_space<hbm>> -> memref<2x2x128xi32, #tpu.memory_space<hbm>>
    tpu.wait_dma2 semaphore(%arg9 : memref<!tpu.dma_semaphore, #tpu.memory_space<semaphore_mem>>) src(%dma_wait3A_74 : memref<2x2x128xi32, #tpu.memory_space<hbm>>) dst(%dma_wait3A_71 : memref<2x2x128xi32, #tpu.memory_space<vmem>>)
    %barrier3A_75 = arith.constant 0 : index
    tpu.barrier barrier_id(%barrier3A_75)
    "tpu.region"() ({
      %run_scoped3A = tpu.sem_alloc : memref<!tpu.dma_semaphore, #tpu.memory_space<semaphore_mem>>
      %dma_start3A_76 = arith.constant 0 : i32
      %dma_start3A_77 = arith.constant 0 : i32
      %dma_start3A_78 = tpu.memref_slice %arg5[%arg0, %dma_start3A_76, %dma_start3A_77] : memref<2x10240x128xf32, #tpu.memory_space<hbm>> -> memref<1x10240x128xf32, #tpu.memory_space<hbm>>
      %dma_start3A_79 = tpu.memref_squeeze %dma_start3A_78 : memref<1x10240x128xf32, #tpu.memory_space<hbm>> -> memref<10240x128xf32, #tpu.memory_space<hbm>>
      %dma_start3A_80 = arith.constant 0 : i32
      %dma_start3A_81 = tpu.memref_slice %dma_start3A_79[%mul3A_10, %dma_start3A_80] : memref<10240x128xf32, #tpu.memory_space<hbm>> -> memref<640x128xf32, #tpu.memory_space<hbm>>
      %dma_start3A_82 = arith.constant 0 : i32
      %dma_start3A_83 = tpu.memref_slice %arg8[%mul3A_10, %dma_start3A_82] : memref<10240x128xf32, #tpu.memory_space<vmem_shared>> -> memref<640x128xf32, #tpu.memory_space<vmem_shared>>
      tpu.enqueue_dma source(%dma_start3A_83 : memref<640x128xf32, #tpu.memory_space<vmem_shared>>) target(%dma_start3A_81 : memref<640x128xf32, #tpu.memory_space<hbm>>) target_semaphore(%run_scoped3A : memref<!tpu.dma_semaphore, #tpu.memory_space<semaphore_mem>>)
      %dma_wait3A_84 = arith.constant 0 : i32
      %dma_wait3A_85 = arith.constant 0 : i32
      %dma_wait3A_86 = tpu.memref_slice %arg5[%arg0, %dma_wait3A_84, %dma_wait3A_85] : memref<2x10240x128xf32, #tpu.memory_space<hbm>> -> memref<1x10240x128xf32, #tpu.memory_space<hbm>>
      %dma_wait3A_87 = tpu.memref_squeeze %dma_wait3A_86 : memref<1x10240x128xf32, #tpu.memory_space<hbm>> -> memref<10240x128xf32, #tpu.memory_space<hbm>>
      %dma_wait3A_88 = arith.constant 0 : i32
      %dma_wait3A_89 = tpu.memref_slice %dma_wait3A_87[%mul3A_10, %dma_wait3A_88] : memref<10240x128xf32, #tpu.memory_space<hbm>> -> memref<640x128xf32, #tpu.memory_space<hbm>>
      %dma_wait3A_90 = arith.constant 0 : i32
      %dma_wait3A_91 = tpu.memref_slice %arg8[%mul3A_10, %dma_wait3A_90] : memref<10240x128xf32, #tpu.memory_space<vmem_shared>> -> memref<640x128xf32, #tpu.memory_space<vmem_shared>>
      tpu.wait_dma2 semaphore(%run_scoped3A : memref<!tpu.dma_semaphore, #tpu.memory_space<semaphore_mem>>) src(%dma_wait3A_91 : memref<640x128xf32, #tpu.memory_space<vmem_shared>>) dst(%dma_wait3A_89 : memref<640x128xf32, #tpu.memory_space<hbm>>)
      tpu.yield
    }) : () -> ()
    return
  }
}

#map = affine_map<(d0, d1) -> (0, 0, 0, 0)>
#map1 = affine_map<(d0, d1) -> (0, 0)>
#map2 = affine_map<(d0, d1) -> (0, 0, 0)>
module attributes {stable_mosaic.version = 14 : i64} {
  func.func @_deg_body(%arg0: i32, %arg1: i32, %arg2: memref<2x16x160x128xi32, #tpu.memory_space<hbm>>, %arg3: memref<128x128xf32, #tpu.memory_space<hbm>>, %arg4: memref<640x128xf32, #tpu.memory_space<hbm>>, %arg5: memref<2x10240x128xf32, #tpu.memory_space<hbm>>, %arg6: memref<160x128xi32, #tpu.memory_space<vmem>>, %arg7: memref<128x128xf32, #tpu.memory_space<vmem>>, %arg8: memref<10240x128xf32, #tpu.memory_space<vmem_shared>>, %arg9: memref<!tpu.dma_semaphore, #tpu.memory_space<semaphore_mem>>, %arg10: memref<!tpu.dma_semaphore, #tpu.memory_space<semaphore_mem>>, %arg11: memref<!tpu.dma_semaphore, #tpu.memory_space<semaphore_mem>>, %arg12: memref<!tpu.dma_semaphore, #tpu.memory_space<semaphore_mem>>, %arg13: memref<!tpu.dma_semaphore, #tpu.memory_space<semaphore_mem>>, %arg14: memref<!tpu.dma_semaphore, #tpu.memory_space<semaphore_mem>>, %arg15: memref<!tpu.dma_semaphore, #tpu.memory_space<semaphore_mem>>, %arg16: memref<!tpu.dma_semaphore, #tpu.memory_space<semaphore_mem>>) attributes {dimension_semantics = [#tpu.dimension_semantics<core_parallel>, #tpu.dimension_semantics<subcore_parallel>], iteration_bounds = array<i64: 2, 16>, scalar_prefetch = 0 : i64, scratch_operands = 11 : i64, tpu.core_type = #tpu.core_type<sc_vector_subcore>, window_params = [{transform_indices = #map}, {transform_indices = #map1}, {transform_indices = #map1}, {transform_indices = #map2}]} {
    %mul3A = arith.constant 640 : i32
    %mul3A_0 = arith.muli %arg1, %mul3A : i32
    "tpu.region"() ({
      %run_scoped3A = tpu.sem_alloc : memref<!tpu.dma_semaphore, #tpu.memory_space<semaphore_mem>>
      tpu.enqueue_dma source(%arg3 : memref<128x128xf32, #tpu.memory_space<hbm>>) target(%arg7 : memref<128x128xf32, #tpu.memory_space<vmem>>) target_semaphore(%run_scoped3A : memref<!tpu.dma_semaphore, #tpu.memory_space<semaphore_mem>>)
      tpu.wait_dma2 semaphore(%run_scoped3A : memref<!tpu.dma_semaphore, #tpu.memory_space<semaphore_mem>>) src(%arg3 : memref<128x128xf32, #tpu.memory_space<hbm>>) dst(%arg7 : memref<128x128xf32, #tpu.memory_space<vmem>>)
      tpu.yield
    }) : () -> ()
    "tpu.region"() ({
      %run_scoped3A = tpu.sem_alloc : memref<!tpu.dma_semaphore, #tpu.memory_space<semaphore_mem>>
      %dma_start3A = arith.constant 0 : i32
      %dma_start3A_7 = arith.constant 0 : i32
      %dma_start3A_8 = tpu.memref_slice %arg2[%arg0, %arg1, %dma_start3A, %dma_start3A_7] : memref<2x16x160x128xi32, #tpu.memory_space<hbm>> -> memref<1x1x160x128xi32, #tpu.memory_space<hbm>>
      %dma_start3A_9 = tpu.memref_squeeze %dma_start3A_8 : memref<1x1x160x128xi32, #tpu.memory_space<hbm>> -> memref<160x128xi32, #tpu.memory_space<hbm>>
      %dma_start3A_10 = arith.constant 0 : i32
      %dma_start3A_11 = arith.constant 0 : i32
      %dma_start3A_12 = tpu.memref_slice %arg2[%arg0, %arg1, %dma_start3A_10, %dma_start3A_11] : memref<2x16x160x128xi32, #tpu.memory_space<hbm>> -> memref<1x1x160x128xi32, #tpu.memory_space<hbm>>
      %dma_start3A_13 = tpu.memref_squeeze %dma_start3A_12 : memref<1x1x160x128xi32, #tpu.memory_space<hbm>> -> memref<160x128xi32, #tpu.memory_space<hbm>>
      tpu.enqueue_dma source(%dma_start3A_13 : memref<160x128xi32, #tpu.memory_space<hbm>>) target(%arg6 : memref<160x128xi32, #tpu.memory_space<vmem>>) target_semaphore(%run_scoped3A : memref<!tpu.dma_semaphore, #tpu.memory_space<semaphore_mem>>)
      %dma_wait3A = arith.constant 0 : i32
      %dma_wait3A_14 = arith.constant 0 : i32
      %dma_wait3A_15 = tpu.memref_slice %arg2[%arg0, %arg1, %dma_wait3A, %dma_wait3A_14] : memref<2x16x160x128xi32, #tpu.memory_space<hbm>> -> memref<1x1x160x128xi32, #tpu.memory_space<hbm>>
      %dma_wait3A_16 = tpu.memref_squeeze %dma_wait3A_15 : memref<1x1x160x128xi32, #tpu.memory_space<hbm>> -> memref<160x128xi32, #tpu.memory_space<hbm>>
      %dma_wait3A_17 = arith.constant 0 : i32
      %dma_wait3A_18 = arith.constant 0 : i32
      %dma_wait3A_19 = tpu.memref_slice %arg2[%arg0, %arg1, %dma_wait3A_17, %dma_wait3A_18] : memref<2x16x160x128xi32, #tpu.memory_space<hbm>> -> memref<1x1x160x128xi32, #tpu.memory_space<hbm>>
      %dma_wait3A_20 = tpu.memref_squeeze %dma_wait3A_19 : memref<1x1x160x128xi32, #tpu.memory_space<hbm>> -> memref<160x128xi32, #tpu.memory_space<hbm>>
      tpu.wait_dma2 semaphore(%run_scoped3A : memref<!tpu.dma_semaphore, #tpu.memory_space<semaphore_mem>>) src(%dma_wait3A_20 : memref<160x128xi32, #tpu.memory_space<hbm>>) dst(%arg6 : memref<160x128xi32, #tpu.memory_space<vmem>>)
      tpu.yield
    }) : () -> ()
    "tpu.region"() ({
      %run_scoped3A = tpu.sem_alloc : memref<!tpu.dma_semaphore, #tpu.memory_space<semaphore_mem>>
      %dma_start3A = arith.constant 0 : i32
      %dma_start3A_7 = tpu.memref_slice %arg8[%mul3A_0, %dma_start3A] : memref<10240x128xf32, #tpu.memory_space<vmem_shared>> -> memref<640x128xf32, #tpu.memory_space<vmem_shared>>
      tpu.enqueue_dma source(%arg4 : memref<640x128xf32, #tpu.memory_space<hbm>>) target(%dma_start3A_7 : memref<640x128xf32, #tpu.memory_space<vmem_shared>>) target_semaphore(%run_scoped3A : memref<!tpu.dma_semaphore, #tpu.memory_space<semaphore_mem>>)
      %dma_wait3A = arith.constant 0 : i32
      %dma_wait3A_8 = tpu.memref_slice %arg8[%mul3A_0, %dma_wait3A] : memref<10240x128xf32, #tpu.memory_space<vmem_shared>> -> memref<640x128xf32, #tpu.memory_space<vmem_shared>>
      tpu.wait_dma2 semaphore(%run_scoped3A : memref<!tpu.dma_semaphore, #tpu.memory_space<semaphore_mem>>) src(%arg4 : memref<640x128xf32, #tpu.memory_space<hbm>>) dst(%dma_wait3A_8 : memref<640x128xf32, #tpu.memory_space<vmem_shared>>)
      tpu.yield
    }) : () -> ()
    %barrier3A = arith.constant 0 : index
    tpu.barrier barrier_id(%barrier3A)
    %scan3A = arith.constant 0 : i32
    %scan3A_1 = arith.constant 0 : i32
    %scan3A_2 = arith.constant 20 : i32
    %scan3A_3 = arith.addi %scan3A_1, %scan3A_2 : i32
    %scan3A_4 = arith.constant 1 : i32
    scf.for %scan3A_7 = %scan3A_1 to %scan3A_3 step %scan3A_4  : i32 {
      %mul3A_8 = arith.constant 8 : i32
      %mul3A_9 = arith.muli %scan3A_7, %mul3A_8 : i32
      %add3A = arith.constant 0 : i32
      %add3A_10 = arith.addi %mul3A_9, %add3A : i32
      %dma_start3A = arith.constant 0 : i32
      %dma_start3A_11 = tpu.memref_slice %arg6[%add3A_10, %dma_start3A] : memref<160x128xi32, #tpu.memory_space<vmem>> -> memref<1x128xi32, #tpu.memory_space<vmem>>
      %dma_start3A_12 = tpu.memref_squeeze %dma_start3A_11 : memref<1x128xi32, #tpu.memory_space<vmem>> -> memref<128xi32, #tpu.memory_space<vmem>>
      %dma_start3A_13 = arith.constant 0 : i32
      %dma_start3A_14 = arith.constant 0 : i32
      %dma_start3A_15 = tpu.memref_slice %arg8[%dma_start3A_13, %dma_start3A_14] : memref<10240x128xf32, #tpu.memory_space<vmem_shared>> -> memref<10240x128xf32, #tpu.memory_space<vmem_shared>>
      tpu.enqueue_indirect_dma source(%arg7 : memref<128x128xf32, #tpu.memory_space<vmem>>) target(%dma_start3A_15 : memref<10240x128xf32, #tpu.memory_space<vmem_shared>>) offsets(%dma_start3A_12 : memref<128xi32, #tpu.memory_space<vmem>>) semaphore(%arg9 : memref<!tpu.dma_semaphore, #tpu.memory_space<semaphore_mem>>) {add = true}
      %mul3A_16 = arith.constant 8 : i32
      %mul3A_17 = arith.muli %scan3A_7, %mul3A_16 : i32
      %add3A_18 = arith.constant 1 : i32
      %add3A_19 = arith.addi %mul3A_17, %add3A_18 : i32
      %dma_start3A_20 = arith.constant 0 : i32
      %dma_start3A_21 = tpu.memref_slice %arg6[%add3A_19, %dma_start3A_20] : memref<160x128xi32, #tpu.memory_space<vmem>> -> memref<1x128xi32, #tpu.memory_space<vmem>>
      %dma_start3A_22 = tpu.memref_squeeze %dma_start3A_21 : memref<1x128xi32, #tpu.memory_space<vmem>> -> memref<128xi32, #tpu.memory_space<vmem>>
      %dma_start3A_23 = arith.constant 0 : i32
      %dma_start3A_24 = arith.constant 0 : i32
      %dma_start3A_25 = tpu.memref_slice %arg8[%dma_start3A_23, %dma_start3A_24] : memref<10240x128xf32, #tpu.memory_space<vmem_shared>> -> memref<10240x128xf32, #tpu.memory_space<vmem_shared>>
      tpu.enqueue_indirect_dma source(%arg7 : memref<128x128xf32, #tpu.memory_space<vmem>>) target(%dma_start3A_25 : memref<10240x128xf32, #tpu.memory_space<vmem_shared>>) offsets(%dma_start3A_22 : memref<128xi32, #tpu.memory_space<vmem>>) semaphore(%arg10 : memref<!tpu.dma_semaphore, #tpu.memory_space<semaphore_mem>>) {add = true}
      %mul3A_26 = arith.constant 8 : i32
      %mul3A_27 = arith.muli %scan3A_7, %mul3A_26 : i32
      %add3A_28 = arith.constant 2 : i32
      %add3A_29 = arith.addi %mul3A_27, %add3A_28 : i32
      %dma_start3A_30 = arith.constant 0 : i32
      %dma_start3A_31 = tpu.memref_slice %arg6[%add3A_29, %dma_start3A_30] : memref<160x128xi32, #tpu.memory_space<vmem>> -> memref<1x128xi32, #tpu.memory_space<vmem>>
      %dma_start3A_32 = tpu.memref_squeeze %dma_start3A_31 : memref<1x128xi32, #tpu.memory_space<vmem>> -> memref<128xi32, #tpu.memory_space<vmem>>
      %dma_start3A_33 = arith.constant 0 : i32
      %dma_start3A_34 = arith.constant 0 : i32
      %dma_start3A_35 = tpu.memref_slice %arg8[%dma_start3A_33, %dma_start3A_34] : memref<10240x128xf32, #tpu.memory_space<vmem_shared>> -> memref<10240x128xf32, #tpu.memory_space<vmem_shared>>
      tpu.enqueue_indirect_dma source(%arg7 : memref<128x128xf32, #tpu.memory_space<vmem>>) target(%dma_start3A_35 : memref<10240x128xf32, #tpu.memory_space<vmem_shared>>) offsets(%dma_start3A_32 : memref<128xi32, #tpu.memory_space<vmem>>) semaphore(%arg11 : memref<!tpu.dma_semaphore, #tpu.memory_space<semaphore_mem>>) {add = true}
      %mul3A_36 = arith.constant 8 : i32
      %mul3A_37 = arith.muli %scan3A_7, %mul3A_36 : i32
      %add3A_38 = arith.constant 3 : i32
      %add3A_39 = arith.addi %mul3A_37, %add3A_38 : i32
      %dma_start3A_40 = arith.constant 0 : i32
      %dma_start3A_41 = tpu.memref_slice %arg6[%add3A_39, %dma_start3A_40] : memref<160x128xi32, #tpu.memory_space<vmem>> -> memref<1x128xi32, #tpu.memory_space<vmem>>
      %dma_start3A_42 = tpu.memref_squeeze %dma_start3A_41 : memref<1x128xi32, #tpu.memory_space<vmem>> -> memref<128xi32, #tpu.memory_space<vmem>>
      %dma_start3A_43 = arith.constant 0 : i32
      %dma_start3A_44 = arith.constant 0 : i32
      %dma_start3A_45 = tpu.memref_slice %arg8[%dma_start3A_43, %dma_start3A_44] : memref<10240x128xf32, #tpu.memory_space<vmem_shared>> -> memref<10240x128xf32, #tpu.memory_space<vmem_shared>>
      tpu.enqueue_indirect_dma source(%arg7 : memref<128x128xf32, #tpu.memory_space<vmem>>) target(%dma_start3A_45 : memref<10240x128xf32, #tpu.memory_space<vmem_shared>>) offsets(%dma_start3A_42 : memref<128xi32, #tpu.memory_space<vmem>>) semaphore(%arg12 : memref<!tpu.dma_semaphore, #tpu.memory_space<semaphore_mem>>) {add = true}
      %mul3A_46 = arith.constant 8 : i32
      %mul3A_47 = arith.muli %scan3A_7, %mul3A_46 : i32
      %add3A_48 = arith.constant 4 : i32
      %add3A_49 = arith.addi %mul3A_47, %add3A_48 : i32
      %dma_start3A_50 = arith.constant 0 : i32
      %dma_start3A_51 = tpu.memref_slice %arg6[%add3A_49, %dma_start3A_50] : memref<160x128xi32, #tpu.memory_space<vmem>> -> memref<1x128xi32, #tpu.memory_space<vmem>>
      %dma_start3A_52 = tpu.memref_squeeze %dma_start3A_51 : memref<1x128xi32, #tpu.memory_space<vmem>> -> memref<128xi32, #tpu.memory_space<vmem>>
      %dma_start3A_53 = arith.constant 0 : i32
      %dma_start3A_54 = arith.constant 0 : i32
      %dma_start3A_55 = tpu.memref_slice %arg8[%dma_start3A_53, %dma_start3A_54] : memref<10240x128xf32, #tpu.memory_space<vmem_shared>> -> memref<10240x128xf32, #tpu.memory_space<vmem_shared>>
      tpu.enqueue_indirect_dma source(%arg7 : memref<128x128xf32, #tpu.memory_space<vmem>>) target(%dma_start3A_55 : memref<10240x128xf32, #tpu.memory_space<vmem_shared>>) offsets(%dma_start3A_52 : memref<128xi32, #tpu.memory_space<vmem>>) semaphore(%arg13 : memref<!tpu.dma_semaphore, #tpu.memory_space<semaphore_mem>>) {add = true}
      %mul3A_56 = arith.constant 8 : i32
      %mul3A_57 = arith.muli %scan3A_7, %mul3A_56 : i32
      %add3A_58 = arith.constant 5 : i32
      %add3A_59 = arith.addi %mul3A_57, %add3A_58 : i32
      %dma_start3A_60 = arith.constant 0 : i32
      %dma_start3A_61 = tpu.memref_slice %arg6[%add3A_59, %dma_start3A_60] : memref<160x128xi32, #tpu.memory_space<vmem>> -> memref<1x128xi32, #tpu.memory_space<vmem>>
      %dma_start3A_62 = tpu.memref_squeeze %dma_start3A_61 : memref<1x128xi32, #tpu.memory_space<vmem>> -> memref<128xi32, #tpu.memory_space<vmem>>
      %dma_start3A_63 = arith.constant 0 : i32
      %dma_start3A_64 = arith.constant 0 : i32
      %dma_start3A_65 = tpu.memref_slice %arg8[%dma_start3A_63, %dma_start3A_64] : memref<10240x128xf32, #tpu.memory_space<vmem_shared>> -> memref<10240x128xf32, #tpu.memory_space<vmem_shared>>
      tpu.enqueue_indirect_dma source(%arg7 : memref<128x128xf32, #tpu.memory_space<vmem>>) target(%dma_start3A_65 : memref<10240x128xf32, #tpu.memory_space<vmem_shared>>) offsets(%dma_start3A_62 : memref<128xi32, #tpu.memory_space<vmem>>) semaphore(%arg14 : memref<!tpu.dma_semaphore, #tpu.memory_space<semaphore_mem>>) {add = true}
      %mul3A_66 = arith.constant 8 : i32
      %mul3A_67 = arith.muli %scan3A_7, %mul3A_66 : i32
      %add3A_68 = arith.constant 6 : i32
      %add3A_69 = arith.addi %mul3A_67, %add3A_68 : i32
      %dma_start3A_70 = arith.constant 0 : i32
      %dma_start3A_71 = tpu.memref_slice %arg6[%add3A_69, %dma_start3A_70] : memref<160x128xi32, #tpu.memory_space<vmem>> -> memref<1x128xi32, #tpu.memory_space<vmem>>
      %dma_start3A_72 = tpu.memref_squeeze %dma_start3A_71 : memref<1x128xi32, #tpu.memory_space<vmem>> -> memref<128xi32, #tpu.memory_space<vmem>>
      %dma_start3A_73 = arith.constant 0 : i32
      %dma_start3A_74 = arith.constant 0 : i32
      %dma_start3A_75 = tpu.memref_slice %arg8[%dma_start3A_73, %dma_start3A_74] : memref<10240x128xf32, #tpu.memory_space<vmem_shared>> -> memref<10240x128xf32, #tpu.memory_space<vmem_shared>>
      tpu.enqueue_indirect_dma source(%arg7 : memref<128x128xf32, #tpu.memory_space<vmem>>) target(%dma_start3A_75 : memref<10240x128xf32, #tpu.memory_space<vmem_shared>>) offsets(%dma_start3A_72 : memref<128xi32, #tpu.memory_space<vmem>>) semaphore(%arg15 : memref<!tpu.dma_semaphore, #tpu.memory_space<semaphore_mem>>) {add = true}
      %mul3A_76 = arith.constant 8 : i32
      %mul3A_77 = arith.muli %scan3A_7, %mul3A_76 : i32
      %add3A_78 = arith.constant 7 : i32
      %add3A_79 = arith.addi %mul3A_77, %add3A_78 : i32
      %dma_start3A_80 = arith.constant 0 : i32
      %dma_start3A_81 = tpu.memref_slice %arg6[%add3A_79, %dma_start3A_80] : memref<160x128xi32, #tpu.memory_space<vmem>> -> memref<1x128xi32, #tpu.memory_space<vmem>>
      %dma_start3A_82 = tpu.memref_squeeze %dma_start3A_81 : memref<1x128xi32, #tpu.memory_space<vmem>> -> memref<128xi32, #tpu.memory_space<vmem>>
      %dma_start3A_83 = arith.constant 0 : i32
      %dma_start3A_84 = arith.constant 0 : i32
      %dma_start3A_85 = tpu.memref_slice %arg8[%dma_start3A_83, %dma_start3A_84] : memref<10240x128xf32, #tpu.memory_space<vmem_shared>> -> memref<10240x128xf32, #tpu.memory_space<vmem_shared>>
      tpu.enqueue_indirect_dma source(%arg7 : memref<128x128xf32, #tpu.memory_space<vmem>>) target(%dma_start3A_85 : memref<10240x128xf32, #tpu.memory_space<vmem_shared>>) offsets(%dma_start3A_82 : memref<128xi32, #tpu.memory_space<vmem>>) semaphore(%arg16 : memref<!tpu.dma_semaphore, #tpu.memory_space<semaphore_mem>>) {add = true}
      %dma_wait3A = arith.constant 0 : i32
      %dma_wait3A_86 = tpu.memref_slice %arg6[%add3A_10, %dma_wait3A] : memref<160x128xi32, #tpu.memory_space<vmem>> -> memref<1x128xi32, #tpu.memory_space<vmem>>
      %dma_wait3A_87 = tpu.memref_squeeze %dma_wait3A_86 : memref<1x128xi32, #tpu.memory_space<vmem>> -> memref<128xi32, #tpu.memory_space<vmem>>
      %dma_wait3A_88 = arith.constant 0 : i32
      %dma_wait3A_89 = arith.constant 0 : i32
      %dma_wait3A_90 = tpu.memref_slice %arg8[%dma_wait3A_88, %dma_wait3A_89] : memref<10240x128xf32, #tpu.memory_space<vmem_shared>> -> memref<10240x128xf32, #tpu.memory_space<vmem_shared>>
      tpu.wait_indirect_dma semaphore(%arg9 : memref<!tpu.dma_semaphore, #tpu.memory_space<semaphore_mem>>) src(%arg7 : memref<128x128xf32, #tpu.memory_space<vmem>>) dst(%dma_wait3A_90 : memref<10240x128xf32, #tpu.memory_space<vmem_shared>>)
      %dma_wait3A_91 = arith.constant 0 : i32
      %dma_wait3A_92 = tpu.memref_slice %arg6[%add3A_19, %dma_wait3A_91] : memref<160x128xi32, #tpu.memory_space<vmem>> -> memref<1x128xi32, #tpu.memory_space<vmem>>
      %dma_wait3A_93 = tpu.memref_squeeze %dma_wait3A_92 : memref<1x128xi32, #tpu.memory_space<vmem>> -> memref<128xi32, #tpu.memory_space<vmem>>
      %dma_wait3A_94 = arith.constant 0 : i32
      %dma_wait3A_95 = arith.constant 0 : i32
      %dma_wait3A_96 = tpu.memref_slice %arg8[%dma_wait3A_94, %dma_wait3A_95] : memref<10240x128xf32, #tpu.memory_space<vmem_shared>> -> memref<10240x128xf32, #tpu.memory_space<vmem_shared>>
      tpu.wait_indirect_dma semaphore(%arg10 : memref<!tpu.dma_semaphore, #tpu.memory_space<semaphore_mem>>) src(%arg7 : memref<128x128xf32, #tpu.memory_space<vmem>>) dst(%dma_wait3A_96 : memref<10240x128xf32, #tpu.memory_space<vmem_shared>>)
      %dma_wait3A_97 = arith.constant 0 : i32
      %dma_wait3A_98 = tpu.memref_slice %arg6[%add3A_29, %dma_wait3A_97] : memref<160x128xi32, #tpu.memory_space<vmem>> -> memref<1x128xi32, #tpu.memory_space<vmem>>
      %dma_wait3A_99 = tpu.memref_squeeze %dma_wait3A_98 : memref<1x128xi32, #tpu.memory_space<vmem>> -> memref<128xi32, #tpu.memory_space<vmem>>
      %dma_wait3A_100 = arith.constant 0 : i32
      %dma_wait3A_101 = arith.constant 0 : i32
      %dma_wait3A_102 = tpu.memref_slice %arg8[%dma_wait3A_100, %dma_wait3A_101] : memref<10240x128xf32, #tpu.memory_space<vmem_shared>> -> memref<10240x128xf32, #tpu.memory_space<vmem_shared>>
      tpu.wait_indirect_dma semaphore(%arg11 : memref<!tpu.dma_semaphore, #tpu.memory_space<semaphore_mem>>) src(%arg7 : memref<128x128xf32, #tpu.memory_space<vmem>>) dst(%dma_wait3A_102 : memref<10240x128xf32, #tpu.memory_space<vmem_shared>>)
      %dma_wait3A_103 = arith.constant 0 : i32
      %dma_wait3A_104 = tpu.memref_slice %arg6[%add3A_39, %dma_wait3A_103] : memref<160x128xi32, #tpu.memory_space<vmem>> -> memref<1x128xi32, #tpu.memory_space<vmem>>
      %dma_wait3A_105 = tpu.memref_squeeze %dma_wait3A_104 : memref<1x128xi32, #tpu.memory_space<vmem>> -> memref<128xi32, #tpu.memory_space<vmem>>
      %dma_wait3A_106 = arith.constant 0 : i32
      %dma_wait3A_107 = arith.constant 0 : i32
      %dma_wait3A_108 = tpu.memref_slice %arg8[%dma_wait3A_106, %dma_wait3A_107] : memref<10240x128xf32, #tpu.memory_space<vmem_shared>> -> memref<10240x128xf32, #tpu.memory_space<vmem_shared>>
      tpu.wait_indirect_dma semaphore(%arg12 : memref<!tpu.dma_semaphore, #tpu.memory_space<semaphore_mem>>) src(%arg7 : memref<128x128xf32, #tpu.memory_space<vmem>>) dst(%dma_wait3A_108 : memref<10240x128xf32, #tpu.memory_space<vmem_shared>>)
      %dma_wait3A_109 = arith.constant 0 : i32
      %dma_wait3A_110 = tpu.memref_slice %arg6[%add3A_49, %dma_wait3A_109] : memref<160x128xi32, #tpu.memory_space<vmem>> -> memref<1x128xi32, #tpu.memory_space<vmem>>
      %dma_wait3A_111 = tpu.memref_squeeze %dma_wait3A_110 : memref<1x128xi32, #tpu.memory_space<vmem>> -> memref<128xi32, #tpu.memory_space<vmem>>
      %dma_wait3A_112 = arith.constant 0 : i32
      %dma_wait3A_113 = arith.constant 0 : i32
      %dma_wait3A_114 = tpu.memref_slice %arg8[%dma_wait3A_112, %dma_wait3A_113] : memref<10240x128xf32, #tpu.memory_space<vmem_shared>> -> memref<10240x128xf32, #tpu.memory_space<vmem_shared>>
      tpu.wait_indirect_dma semaphore(%arg13 : memref<!tpu.dma_semaphore, #tpu.memory_space<semaphore_mem>>) src(%arg7 : memref<128x128xf32, #tpu.memory_space<vmem>>) dst(%dma_wait3A_114 : memref<10240x128xf32, #tpu.memory_space<vmem_shared>>)
      %dma_wait3A_115 = arith.constant 0 : i32
      %dma_wait3A_116 = tpu.memref_slice %arg6[%add3A_59, %dma_wait3A_115] : memref<160x128xi32, #tpu.memory_space<vmem>> -> memref<1x128xi32, #tpu.memory_space<vmem>>
      %dma_wait3A_117 = tpu.memref_squeeze %dma_wait3A_116 : memref<1x128xi32, #tpu.memory_space<vmem>> -> memref<128xi32, #tpu.memory_space<vmem>>
      %dma_wait3A_118 = arith.constant 0 : i32
      %dma_wait3A_119 = arith.constant 0 : i32
      %dma_wait3A_120 = tpu.memref_slice %arg8[%dma_wait3A_118, %dma_wait3A_119] : memref<10240x128xf32, #tpu.memory_space<vmem_shared>> -> memref<10240x128xf32, #tpu.memory_space<vmem_shared>>
      tpu.wait_indirect_dma semaphore(%arg14 : memref<!tpu.dma_semaphore, #tpu.memory_space<semaphore_mem>>) src(%arg7 : memref<128x128xf32, #tpu.memory_space<vmem>>) dst(%dma_wait3A_120 : memref<10240x128xf32, #tpu.memory_space<vmem_shared>>)
      %dma_wait3A_121 = arith.constant 0 : i32
      %dma_wait3A_122 = tpu.memref_slice %arg6[%add3A_69, %dma_wait3A_121] : memref<160x128xi32, #tpu.memory_space<vmem>> -> memref<1x128xi32, #tpu.memory_space<vmem>>
      %dma_wait3A_123 = tpu.memref_squeeze %dma_wait3A_122 : memref<1x128xi32, #tpu.memory_space<vmem>> -> memref<128xi32, #tpu.memory_space<vmem>>
      %dma_wait3A_124 = arith.constant 0 : i32
      %dma_wait3A_125 = arith.constant 0 : i32
      %dma_wait3A_126 = tpu.memref_slice %arg8[%dma_wait3A_124, %dma_wait3A_125] : memref<10240x128xf32, #tpu.memory_space<vmem_shared>> -> memref<10240x128xf32, #tpu.memory_space<vmem_shared>>
      tpu.wait_indirect_dma semaphore(%arg15 : memref<!tpu.dma_semaphore, #tpu.memory_space<semaphore_mem>>) src(%arg7 : memref<128x128xf32, #tpu.memory_space<vmem>>) dst(%dma_wait3A_126 : memref<10240x128xf32, #tpu.memory_space<vmem_shared>>)
      %dma_wait3A_127 = arith.constant 0 : i32
      %dma_wait3A_128 = tpu.memref_slice %arg6[%add3A_79, %dma_wait3A_127] : memref<160x128xi32, #tpu.memory_space<vmem>> -> memref<1x128xi32, #tpu.memory_space<vmem>>
      %dma_wait3A_129 = tpu.memref_squeeze %dma_wait3A_128 : memref<1x128xi32, #tpu.memory_space<vmem>> -> memref<128xi32, #tpu.memory_space<vmem>>
      %dma_wait3A_130 = arith.constant 0 : i32
      %dma_wait3A_131 = arith.constant 0 : i32
      %dma_wait3A_132 = tpu.memref_slice %arg8[%dma_wait3A_130, %dma_wait3A_131] : memref<10240x128xf32, #tpu.memory_space<vmem_shared>> -> memref<10240x128xf32, #tpu.memory_space<vmem_shared>>
      tpu.wait_indirect_dma semaphore(%arg16 : memref<!tpu.dma_semaphore, #tpu.memory_space<semaphore_mem>>) src(%arg7 : memref<128x128xf32, #tpu.memory_space<vmem>>) dst(%dma_wait3A_132 : memref<10240x128xf32, #tpu.memory_space<vmem_shared>>)
    }
    %scan3A_5 = arith.constant 20 : i32
    %barrier3A_6 = arith.constant 0 : index
    tpu.barrier barrier_id(%barrier3A_6)
    "tpu.region"() ({
      %run_scoped3A = tpu.sem_alloc : memref<!tpu.dma_semaphore, #tpu.memory_space<semaphore_mem>>
      %dma_start3A = arith.constant 0 : i32
      %dma_start3A_7 = arith.constant 0 : i32
      %dma_start3A_8 = tpu.memref_slice %arg5[%arg0, %dma_start3A, %dma_start3A_7] : memref<2x10240x128xf32, #tpu.memory_space<hbm>> -> memref<1x10240x128xf32, #tpu.memory_space<hbm>>
      %dma_start3A_9 = tpu.memref_squeeze %dma_start3A_8 : memref<1x10240x128xf32, #tpu.memory_space<hbm>> -> memref<10240x128xf32, #tpu.memory_space<hbm>>
      %dma_start3A_10 = arith.constant 0 : i32
      %dma_start3A_11 = tpu.memref_slice %dma_start3A_9[%mul3A_0, %dma_start3A_10] : memref<10240x128xf32, #tpu.memory_space<hbm>> -> memref<640x128xf32, #tpu.memory_space<hbm>>
      %dma_start3A_12 = arith.constant 0 : i32
      %dma_start3A_13 = tpu.memref_slice %arg8[%mul3A_0, %dma_start3A_12] : memref<10240x128xf32, #tpu.memory_space<vmem_shared>> -> memref<640x128xf32, #tpu.memory_space<vmem_shared>>
      tpu.enqueue_dma source(%dma_start3A_13 : memref<640x128xf32, #tpu.memory_space<vmem_shared>>) target(%dma_start3A_11 : memref<640x128xf32, #tpu.memory_space<hbm>>) target_semaphore(%run_scoped3A : memref<!tpu.dma_semaphore, #tpu.memory_space<semaphore_mem>>)
      %dma_wait3A = arith.constant 0 : i32
      %dma_wait3A_14 = arith.constant 0 : i32
      %dma_wait3A_15 = tpu.memref_slice %arg5[%arg0, %dma_wait3A, %dma_wait3A_14] : memref<2x10240x128xf32, #tpu.memory_space<hbm>> -> memref<1x10240x128xf32, #tpu.memory_space<hbm>>
      %dma_wait3A_16 = tpu.memref_squeeze %dma_wait3A_15 : memref<1x10240x128xf32, #tpu.memory_space<hbm>> -> memref<10240x128xf32, #tpu.memory_space<hbm>>
      %dma_wait3A_17 = arith.constant 0 : i32
      %dma_wait3A_18 = tpu.memref_slice %dma_wait3A_16[%mul3A_0, %dma_wait3A_17] : memref<10240x128xf32, #tpu.memory_space<hbm>> -> memref<640x128xf32, #tpu.memory_space<hbm>>
      %dma_wait3A_19 = arith.constant 0 : i32
      %dma_wait3A_20 = tpu.memref_slice %arg8[%mul3A_0, %dma_wait3A_19] : memref<10240x128xf32, #tpu.memory_space<vmem_shared>> -> memref<640x128xf32, #tpu.memory_space<vmem_shared>>
      tpu.wait_dma2 semaphore(%run_scoped3A : memref<!tpu.dma_semaphore, #tpu.memory_space<semaphore_mem>>) src(%dma_wait3A_20 : memref<640x128xf32, #tpu.memory_space<vmem_shared>>) dst(%dma_wait3A_18 : memref<640x128xf32, #tpu.memory_space<hbm>>)
      tpu.yield
    }) : () -> ()
    return
  }
}

module attributes {stable_mosaic.version = 14 : i64} {
  func.func @_linear_body(%arg0: i32, %arg1: memref<1024x128xf32, #tpu.memory_space<vmem>>, %arg2: memref<128x128xf32, #tpu.memory_space<vmem>>, %arg3: memref<1x128xf32, #tpu.memory_space<vmem>>, %arg4: memref<1024x128xf32, #tpu.memory_space<vmem>>, %arg5: memref<1024x128xf32, #tpu.memory_space<vmem>>, %arg6: memref<1024x128xf32, #tpu.memory_space<vmem>>, %arg7: memref<1024x128xf32, #tpu.memory_space<vmem>>, %arg8: memref<1024x16xf32, #tpu.memory_space<vmem>>, %arg9: memref<1024x16xf32, #tpu.memory_space<vmem>>) attributes {dimension_semantics = [#tpu.dimension_semantics<arbitrary>], iteration_bounds = array<i64: 10>, scalar_prefetch = 0 : i64, scratch_operands = 0 : i64, tpu.core_type = #tpu.core_type<tc>, window_params = [{transform_indices = @transform_0, window_bounds = array<i64: 1024, 128>}, {pipeline_mode = #tpu.pipeline_mode<synchronous>, transform_indices = @transform_1, window_bounds = array<i64: 128, 128>}, {pipeline_mode = #tpu.pipeline_mode<synchronous>, transform_indices = @transform_2, window_bounds = array<i64: 1, 128>}, {transform_indices = @transform_3, window_bounds = array<i64: 1024, 128>}, {transform_indices = @transform_4, window_bounds = array<i64: 1024, 128>}, {transform_indices = @transform_5, window_bounds = array<i64: 1024, 128>}, {transform_indices = @transform_6, window_bounds = array<i64: 1024, 128>}, {transform_indices = @transform_7, window_bounds = array<i64: 1024, 16>}, {transform_indices = @transform_8, window_bounds = array<i64: 1024, 16>}]} {
    %get3A = arith.constant 0 : index
    %get3A_0 = arith.constant 0 : index
    %get3A_1 = vector.load %arg1[%get3A, %get3A_0] : memref<1024x128xf32, #tpu.memory_space<vmem>>, vector<1024x128xf32>
    %get3A_2 = arith.constant 0 : index
    %get3A_3 = arith.constant 0 : index
    %get3A_4 = vector.load %arg2[%get3A_2, %get3A_3] : memref<128x128xf32, #tpu.memory_space<vmem>>, vector<128x128xf32>
    %dot_general3A = arith.constant dense<0.000000e+00> : vector<1024x128xf32>
    %dot_general3A_5 = tpu.matmul %get3A_1, %get3A_4, %dot_general3A {dimension_numbers = #tpu.dot_dimension_numbers<[1], [1], [0], [0], [0, 0, 1, 0], [], []>, transpose_lhs_hint = false} : vector<1024x128xf32>, vector<128x128xf32>, vector<1024x128xf32> -> vector<1024x128xf32>
    %get3A_6 = arith.constant 0 : index
    %get3A_7 = arith.constant 0 : index
    %get3A_8 = vector.load %arg3[%get3A_6, %get3A_7] : memref<1x128xf32, #tpu.memory_space<vmem>>, vector<1x128xf32>
    %add3A = vector.broadcast %get3A_8 : vector<1x128xf32> to vector<1024x128xf32>
    %add3A_9 = arith.addf %dot_general3A_5, %add3A : vector<1024x128xf32>
    %get3A_10 = arith.constant 0 : index
    %get3A_11 = arith.constant 0 : index
    %get3A_12 = vector.load %arg4[%get3A_10, %get3A_11] : memref<1024x128xf32, #tpu.memory_space<vmem>>, vector<1024x1xf32>
    %jit3A = arith.constant 1.000000e+00 : f32
    %max3A = vector.broadcast %jit3A : f32 to vector<1024x1xf32>
    %max3A_13 = arith.maximumf %max3A, %get3A_12 : vector<1024x1xf32>
    %rsqrt3A = math.rsqrt %max3A_13 : vector<1024x1xf32>
    %get3A_14 = arith.constant 0 : index
    %get3A_15 = arith.constant 0 : index
    %get3A_16 = vector.load %arg5[%get3A_14, %get3A_15] : memref<1024x128xf32, #tpu.memory_space<vmem>>, vector<1024x1xf32>
    %jit3A_17 = arith.constant 1.000000e+00 : f32
    %max3A_18 = vector.broadcast %jit3A_17 : f32 to vector<1024x1xf32>
    %max3A_19 = arith.maximumf %max3A_18, %get3A_16 : vector<1024x1xf32>
    %rsqrt3A_20 = math.rsqrt %max3A_19 : vector<1024x1xf32>
    %swap3A = arith.constant 0 : index
    %swap3A_21 = arith.constant 0 : index
    %swap3A_22 = vector.load %arg6[%swap3A, %swap3A_21] : memref<1024x128xf32, #tpu.memory_space<vmem>>, vector<1024x128xf32>
    tpu.vector_store %arg6[%swap3A, %swap3A_21], %add3A_9 {strides = array<i32>} : memref<1024x128xf32, #tpu.memory_space<vmem>>, vector<1024x128xf32>,
    %mul3A = vector.broadcast %rsqrt3A : vector<1024x1xf32> to vector<1024x128xf32>
    %mul3A_23 = arith.mulf %add3A_9, %mul3A : vector<1024x128xf32>
    %swap3A_24 = arith.constant 0 : index
    %swap3A_25 = arith.constant 0 : index
    %swap3A_26 = vector.load %arg7[%swap3A_24, %swap3A_25] : memref<1024x128xf32, #tpu.memory_space<vmem>>, vector<1024x128xf32>
    tpu.vector_store %arg7[%swap3A_24, %swap3A_25], %mul3A_23 {strides = array<i32>} : memref<1024x128xf32, #tpu.memory_space<vmem>>, vector<1024x128xf32>,
    %broadcast_in_dim3A = vector.shape_cast %rsqrt3A : vector<1024x1xf32> to vector<1024x1xf32>
    %broadcast_in_dim3A_27 = vector.broadcast %broadcast_in_dim3A : vector<1024x1xf32> to vector<1024x16xf32>
    %swap3A_28 = arith.constant 0 : index
    %swap3A_29 = arith.constant 0 : index
    %swap3A_30 = vector.load %arg8[%swap3A_28, %swap3A_29] : memref<1024x16xf32, #tpu.memory_space<vmem>>, vector<1024x16xf32>
    tpu.vector_store %arg8[%swap3A_28, %swap3A_29], %broadcast_in_dim3A_27 {strides = array<i32>} : memref<1024x16xf32, #tpu.memory_space<vmem>>, vector<1024x16xf32>,
    %broadcast_in_dim3A_31 = vector.shape_cast %rsqrt3A_20 : vector<1024x1xf32> to vector<1024x1xf32>
    %broadcast_in_dim3A_32 = vector.broadcast %broadcast_in_dim3A_31 : vector<1024x1xf32> to vector<1024x16xf32>
    %swap3A_33 = arith.constant 0 : index
    %swap3A_34 = arith.constant 0 : index
    %swap3A_35 = vector.load %arg9[%swap3A_33, %swap3A_34] : memref<1024x16xf32, #tpu.memory_space<vmem>>, vector<1024x16xf32>
    tpu.vector_store %arg9[%swap3A_33, %swap3A_34], %broadcast_in_dim3A_32 {strides = array<i32>} : memref<1024x16xf32, #tpu.memory_space<vmem>>, vector<1024x16xf32>,
    return
  }
  func.func @transform_0(%arg0: i32) -> (i32, i32) {
    %c0_i32 = arith.constant 0 : i32
    %c0_i32_0 = arith.constant 0 : i32
    return %arg0, %c0_i32 : i32, i32
  }
  func.func @transform_1(%arg0: i32) -> (i32, i32) {
    %c0_i32 = arith.constant 0 : i32
    %c0_i32_0 = arith.constant 0 : i32
    %c0_i32_1 = arith.constant 0 : i32
    return %c0_i32, %c0_i32_0 : i32, i32
  }
  func.func @transform_2(%arg0: i32) -> (i32, i32) {
    %c0_i32 = arith.constant 0 : i32
    %c0_i32_0 = arith.constant 0 : i32
    %c0_i32_1 = arith.constant 0 : i32
    return %c0_i32, %c0_i32_0 : i32, i32
  }
  func.func @transform_3(%arg0: i32) -> (i32, i32) {
    %c0_i32 = arith.constant 0 : i32
    %c0_i32_0 = arith.constant 0 : i32
    return %arg0, %c0_i32 : i32, i32
  }
  func.func @transform_4(%arg0: i32) -> (i32, i32) {
    %c0_i32 = arith.constant 0 : i32
    %c0_i32_0 = arith.constant 0 : i32
    return %arg0, %c0_i32 : i32, i32
  }
  func.func @transform_5(%arg0: i32) -> (i32, i32) {
    %c0_i32 = arith.constant 0 : i32
    %c0_i32_0 = arith.constant 0 : i32
    return %arg0, %c0_i32 : i32, i32
  }
  func.func @transform_6(%arg0: i32) -> (i32, i32) {
    %c0_i32 = arith.constant 0 : i32
    %c0_i32_0 = arith.constant 0 : i32
    return %arg0, %c0_i32 : i32, i32
  }
  func.func @transform_7(%arg0: i32) -> (i32, i32) {
    %c0_i32 = arith.constant 0 : i32
    %c0_i32_0 = arith.constant 0 : i32
    return %arg0, %c0_i32 : i32, i32
  }
  func.func @transform_8(%arg0: i32) -> (i32, i32) {
    %c0_i32 = arith.constant 0 : i32
    %c0_i32_0 = arith.constant 0 : i32
    return %arg0, %c0_i32 : i32, i32
  }
}

module attributes {stable_mosaic.version = 14 : i64} {
  func.func @_blend_body(%arg0: i32, %arg1: memref<1024x128xf32, #tpu.memory_space<vmem>>, %arg2: memref<1024x128xf32, #tpu.memory_space<vmem>>, %arg3: memref<1024x128xf32, #tpu.memory_space<vmem>>, %arg4: memref<1024x16xf32, #tpu.memory_space<vmem>>, %arg5: memref<1024x16xf32, #tpu.memory_space<vmem>>, %arg6: memref<1024x128xf32, #tpu.memory_space<vmem>>) attributes {dimension_semantics = [#tpu.dimension_semantics<arbitrary>], iteration_bounds = array<i64: 10>, scalar_prefetch = 0 : i64, scratch_operands = 0 : i64, tpu.core_type = #tpu.core_type<tc>, window_params = [{transform_indices = @transform_0, window_bounds = array<i64: 1024, 128>}, {transform_indices = @transform_1, window_bounds = array<i64: 1024, 128>}, {transform_indices = @transform_2, window_bounds = array<i64: 1024, 128>}, {transform_indices = @transform_3, window_bounds = array<i64: 1024, 16>}, {transform_indices = @transform_4, window_bounds = array<i64: 1024, 16>}, {transform_indices = @transform_5, window_bounds = array<i64: 1024, 128>}]} {
    %get3A = arith.constant 0 : index
    %get3A_0 = arith.constant 0 : index
    %get3A_1 = vector.load %arg1[%get3A, %get3A_0] : memref<1024x128xf32, #tpu.memory_space<vmem>>, vector<1024x128xf32>
    %get3A_2 = arith.constant 0 : index
    %get3A_3 = arith.constant 0 : index
    %get3A_4 = vector.load %arg2[%get3A_2, %get3A_3] : memref<1024x128xf32, #tpu.memory_space<vmem>>, vector<1024x128xf32>
    %add3A = arith.addf %get3A_1, %get3A_4 : vector<1024x128xf32>
    %get3A_5 = arith.constant 0 : index
    %get3A_6 = arith.constant 0 : index
    %get3A_7 = vector.load %arg5[%get3A_5, %get3A_6] : memref<1024x16xf32, #tpu.memory_space<vmem>>, vector<1024x1xf32>
    %mul3A = arith.constant 0.899999976 : f32
    %mul3A_8 = vector.broadcast %mul3A : f32 to vector<1024x1xf32>
    %mul3A_9 = arith.mulf %mul3A_8, %get3A_7 : vector<1024x1xf32>
    %mul3A_10 = vector.broadcast %mul3A_9 : vector<1024x1xf32> to vector<1024x128xf32>
    %mul3A_11 = arith.mulf %mul3A_10, %add3A : vector<1024x128xf32>
    %get3A_12 = arith.constant 0 : index
    %get3A_13 = arith.constant 0 : index
    %get3A_14 = vector.load %arg3[%get3A_12, %get3A_13] : memref<1024x128xf32, #tpu.memory_space<vmem>>, vector<1024x128xf32>
    %mul3A_15 = arith.constant 1.000000e-01 : f32
    %mul3A_16 = vector.broadcast %mul3A_15 : f32 to vector<1024x128xf32>
    %mul3A_17 = arith.mulf %mul3A_16, %get3A_14 : vector<1024x128xf32>
    %add3A_18 = arith.addf %mul3A_11, %mul3A_17 : vector<1024x128xf32>
    %get3A_19 = arith.constant 0 : index
    %get3A_20 = arith.constant 0 : index
    %get3A_21 = vector.load %arg4[%get3A_19, %get3A_20] : memref<1024x16xf32, #tpu.memory_space<vmem>>, vector<1024x1xf32>
    %mul3A_22 = vector.broadcast %get3A_21 : vector<1024x1xf32> to vector<1024x128xf32>
    %mul3A_23 = arith.mulf %add3A_18, %mul3A_22 : vector<1024x128xf32>
    %swap3A = arith.constant 0 : index
    %swap3A_24 = arith.constant 0 : index
    %swap3A_25 = vector.load %arg6[%swap3A, %swap3A_24] : memref<1024x128xf32, #tpu.memory_space<vmem>>, vector<1024x128xf32>
    tpu.vector_store %arg6[%swap3A, %swap3A_24], %mul3A_23 {strides = array<i32>} : memref<1024x128xf32, #tpu.memory_space<vmem>>, vector<1024x128xf32>,
    return
  }
  func.func @transform_0(%arg0: i32) -> (i32, i32) {
    %c0_i32 = arith.constant 0 : i32
    %c0_i32_0 = arith.constant 0 : i32
    return %arg0, %c0_i32 : i32, i32
  }
  func.func @transform_1(%arg0: i32) -> (i32, i32) {
    %c0_i32 = arith.constant 0 : i32
    %c0_i32_0 = arith.constant 0 : i32
    return %arg0, %c0_i32 : i32, i32
  }
  func.func @transform_2(%arg0: i32) -> (i32, i32) {
    %c0_i32 = arith.constant 0 : i32
    %c0_i32_0 = arith.constant 0 : i32
    return %arg0, %c0_i32 : i32, i32
  }
  func.func @transform_3(%arg0: i32) -> (i32, i32) {
    %c0_i32 = arith.constant 0 : i32
    %c0_i32_0 = arith.constant 0 : i32
    return %arg0, %c0_i32 : i32, i32
  }
  func.func @transform_4(%arg0: i32) -> (i32, i32) {
    %c0_i32 = arith.constant 0 : i32
    %c0_i32_0 = arith.constant 0 : i32
    return %arg0, %c0_i32 : i32, i32
  }
  func.func @transform_5(%arg0: i32) -> (i32, i32) {
    %c0_i32 = arith.constant 0 : i32
    %c0_i32_0 = arith.constant 0 : i32
    return %arg0, %c0_i32 : i32, i32
  }
}

module attributes {stable_mosaic.version = 14 : i64} {
  func.func @_blend_body(%arg0: i32, %arg1: memref<1024x128xf32, #tpu.memory_space<vmem>>, %arg2: memref<1024x128xf32, #tpu.memory_space<vmem>>, %arg3: memref<1024x128xf32, #tpu.memory_space<vmem>>, %arg4: memref<1024x16xf32, #tpu.memory_space<vmem>>, %arg5: memref<1024x16xf32, #tpu.memory_space<vmem>>, %arg6: memref<1024x128xf32, #tpu.memory_space<vmem>>) attributes {dimension_semantics = [#tpu.dimension_semantics<arbitrary>], iteration_bounds = array<i64: 10>, scalar_prefetch = 0 : i64, scratch_operands = 0 : i64, tpu.core_type = #tpu.core_type<tc>, window_params = [{transform_indices = @transform_0, window_bounds = array<i64: 1024, 128>}, {transform_indices = @transform_1, window_bounds = array<i64: 1024, 128>}, {transform_indices = @transform_2, window_bounds = array<i64: 1024, 128>}, {transform_indices = @transform_3, window_bounds = array<i64: 1024, 16>}, {transform_indices = @transform_4, window_bounds = array<i64: 1024, 16>}, {transform_indices = @transform_5, window_bounds = array<i64: 1024, 128>}]} {
    %get3A = arith.constant 0 : index
    %get3A_0 = arith.constant 0 : index
    %get3A_1 = vector.load %arg1[%get3A, %get3A_0] : memref<1024x128xf32, #tpu.memory_space<vmem>>, vector<1024x128xf32>
    %get3A_2 = arith.constant 0 : index
    %get3A_3 = arith.constant 0 : index
    %get3A_4 = vector.load %arg2[%get3A_2, %get3A_3] : memref<1024x128xf32, #tpu.memory_space<vmem>>, vector<1024x128xf32>
    %add3A = arith.addf %get3A_1, %get3A_4 : vector<1024x128xf32>
    %get3A_5 = arith.constant 0 : index
    %get3A_6 = arith.constant 0 : index
    %get3A_7 = vector.load %arg5[%get3A_5, %get3A_6] : memref<1024x16xf32, #tpu.memory_space<vmem>>, vector<1024x1xf32>
    %mul3A = arith.constant 0.899999976 : f32
    %mul3A_8 = vector.broadcast %mul3A : f32 to vector<1024x1xf32>
    %mul3A_9 = arith.mulf %mul3A_8, %get3A_7 : vector<1024x1xf32>
    %mul3A_10 = vector.broadcast %mul3A_9 : vector<1024x1xf32> to vector<1024x128xf32>
    %mul3A_11 = arith.mulf %mul3A_10, %add3A : vector<1024x128xf32>
    %get3A_12 = arith.constant 0 : index
    %get3A_13 = arith.constant 0 : index
    %get3A_14 = vector.load %arg3[%get3A_12, %get3A_13] : memref<1024x128xf32, #tpu.memory_space<vmem>>, vector<1024x128xf32>
    %mul3A_15 = arith.constant 1.000000e-01 : f32
    %mul3A_16 = vector.broadcast %mul3A_15 : f32 to vector<1024x128xf32>
    %mul3A_17 = arith.mulf %mul3A_16, %get3A_14 : vector<1024x128xf32>
    %add3A_18 = arith.addf %mul3A_11, %mul3A_17 : vector<1024x128xf32>
    %swap3A = arith.constant 0 : index
    %swap3A_19 = arith.constant 0 : index
    %swap3A_20 = vector.load %arg6[%swap3A, %swap3A_19] : memref<1024x128xf32, #tpu.memory_space<vmem>>, vector<1024x128xf32>
    tpu.vector_store %arg6[%swap3A, %swap3A_19], %add3A_18 {strides = array<i32>} : memref<1024x128xf32, #tpu.memory_space<vmem>>, vector<1024x128xf32>,
    return
  }
  func.func @transform_0(%arg0: i32) -> (i32, i32) {
    %c0_i32 = arith.constant 0 : i32
    %c0_i32_0 = arith.constant 0 : i32
    return %arg0, %c0_i32 : i32, i32
  }
  func.func @transform_1(%arg0: i32) -> (i32, i32) {
    %c0_i32 = arith.constant 0 : i32
    %c0_i32_0 = arith.constant 0 : i32
    return %arg0, %c0_i32 : i32, i32
  }
  func.func @transform_2(%arg0: i32) -> (i32, i32) {
    %c0_i32 = arith.constant 0 : i32
    %c0_i32_0 = arith.constant 0 : i32
    return %arg0, %c0_i32 : i32, i32
  }
  func.func @transform_3(%arg0: i32) -> (i32, i32) {
    %c0_i32 = arith.constant 0 : i32
    %c0_i32_0 = arith.constant 0 : i32
    return %arg0, %c0_i32 : i32, i32
  }
  func.func @transform_4(%arg0: i32) -> (i32, i32) {
    %c0_i32 = arith.constant 0 : i32
    %c0_i32_0 = arith.constant 0 : i32
    return %arg0, %c0_i32 : i32, i32
  }
  func.func @transform_5(%arg0: i32) -> (i32, i32) {
    %c0_i32 = arith.constant 0 : i32
    %c0_i32_0 = arith.constant 0 : i32
    return %arg0, %c0_i32 : i32, i32
  }
}

</mosaic_0001>

<sc_bundles>
// kernel: kernel.11.cloned.1.call-start
scs
__scs_entry_jumppad:
0x0: {  	(pc) =	sbr.rel $0x88, $3  }
0x1: {  	(tag) =	ssettag $0x0;
	lr =	simm.s32 $0x1  }
0x2: {  	[smem:$0x3F9D] =	sst lr;
	_ =	strace $0xD0000000  }
0x3: {  	_ = 	snop  }
0x4: {  	_ = 	snop  }
0x5: {  	_ = 	snop  }
0x6: {  	_ = 	snop  }
0x7: {  	_ = 	snop  }
__scs_overlays_trampoline_lowered:
0x8: {  	[smem:$0x3FAC] =	sst s0  }
0x9: {  	[smem:$0x3FAD] =	sst s1  }
0xa: {  	[smem:$0x3FAE] =	sst s2  }
0xb: {  	[smem:$0x3FAF] =	sst s3  }
0xc: {  	[smem:$0x3FB0] =	sst s4  }
0xd: {  	[smem:$0x3FB1] =	sst s5  }
0xe: {  	[smem:$0x3FB2] =	sst s6  }
0xf: {  	[smem:$0x3FB3] =	sst s7  }
0x10: {  	[smem:$0x3FB4] =	sst s8  }
0x11: {  	[smem:$0x3FB5] =	sst s9;
	s0 =	simm.s32 @!p0 $0x0  }
0x12: {  	s1 =	sld [smem:$0x3F9B];
	s0 =	simm.s32 @p0 $0x1  }
0x13: {  	[smem:$0x3FB6] =	sst s0;
	s0 =	simm.s32 @!p1 $0x0  }
0x14: {  	s2 =	sld [smem:$0x3F9A];
	s0 =	simm.s32 @p1 $0x1  }
0x15: {  	[smem:$0x3FB7] =	sst s0;
	s0 =	simm.s32 @!p2 $0x0  }
0x16: {  	s3 =	sld [smem:$0x3FDB];
	s0 =	simm.s32 @p2 $0x1  }
0x17: {  	s4 =	simm.s32 $0x1BF5;
	[smem:$0x3FB9] =	sst s0  }
0x18: {  	s0 =	sld [smem:$0x3F9C];
	_ =	swait.ge [sflag:s4], $0x0  }
0x19: {  	s7 =	sld [smem:$0x3F9D]  }
0x1a: {  	s8 =	sadd.s32 $0xFFFFE003, lr  }
0x1b: {  	s9 =	sadd.s32 $0xFFFFFEF7, lr;
	s5 =	simm.s32 $0xFFFFFFFF;
	p2 =	slt.u32 s8, $0xFFFFF086  }
0x1c: {  	p1 =	slt.u32 s9, $0xF7A;
	s5 =	simm.s32 @!p2 $0x0  }
0x1d: {  	s5 =	simm.s32 @p1 $0x1;
	p0 =	seq.s32 s7, s2  }
0x1e: {  	s7 =	smul.u32 @!p0 $0xF7A, s2;
	p2 =	seq.s32 @!p0 s5, $0x0  }
0x1f: {  	s9 =	smul.u32 $0xF7A, s1;
	s8 =	simm.s32 @!p0 $0x1BF5;
	p2 =	por !p2, p0  }
0x20: {  	[sflag:s8] =	ssyncset.s32 @!p0 $0xFFFFF086;
	s6 =	sadd.s32 @!p0 s3, s7;
	s7 =	simm.s32 @!p0 $0x108  }
0x21: {  	s3 =	sadd.s32 s3, s9;
	s6 =	sadd.s32 @!p0 $0x88, s6;
	s7 =	simm.s32 @p2 $0x1082  }
0x22: {  	[simem:s7], [sflag:s8] =	dma.local @!p0 [hbm:s6], $0xF7A  }
0x23: {  	s9 =	sor.u32 $0xD0000000, s2;
	s6 =	simm.s32 $0x108;
	_ =	swait.ge @!p0 [sflag:s8], $0x0  }
0x24: {  	s3 =	sadd.s32 $0x88, s3;
	s6 =	simm.s32 @!p1 $0x1082;
	[sflag:s4] =	ssyncset.s32 $0xFFFFF086  }
0x25: {  	[simem:s6], [sflag:s4] =	dma.local [hbm:s3], $0xF7A  }
0x26: {  	[smem:$0x3F9D] =	sst s1;
	(tag) =	ssettag s2;
	_ =	strace s9  }
0x27: {  	s1 =	sld [smem:$0x3FAD]  }
0x28: {  	s2 =	sld [smem:$0x3FAE]  }
0x29: {  	s4 =	sld [smem:$0x3FB0]  }
0x2a: {  	p0 =	seq.s32 s5, $0x0;
	s5 =	sld [smem:$0x3FB1]  }
0x2b: {  	s6 =	sld [smem:$0x3FB2]  }
0x2c: {  	s7 =	sld [smem:$0x3FB3]  }
0x2d: {  	s3 =	simm.s32 $0x108;
	s8 =	sld [smem:$0x3FB4]  }
0x2e: {  	s3 =	simm.s32 @!p0 $0x1082;
	s9 =	sld [smem:$0x3FB5]  }
0x2f: {  	lr =	sadd.s32 s0, s3;
	s0 =	sld [smem:$0x3FAC]  }
0x30: {  	s3 =	sld [smem:$0x3FAF]  }
0x31: {  	[smem:$0x3FB8] =	sst s10  }
0x32: {  	s10 =	sld [smem:$0x3FB6];
	_ =	sdelay $0x3  }
0x33: {  	p0 =	seq.s32 s10, $0x1;
	s10 =	sld [smem:$0x3FB8];
	_ =	sdelay $0x3  }
0x34: {  	[smem:$0x3FB8] =	sst s10  }
0x35: {  	s10 =	sld [smem:$0x3FB7];
	_ =	sdelay $0x3  }
0x36: {  	p1 =	seq.s32 s10, $0x1;
	s10 =	sld [smem:$0x3FB8];
	_ =	sdelay $0x3  }
0x37: {  	[smem:$0x3FB8] =	sst s10  }
0x38: {  	s10 =	sld [smem:$0x3FB9]  }
0x39: {  	_ = 	snop;
	(pc) =	sbr.ind lr, $3  }
0x3a: {  	_ = 	snop  }
0x3b: {  	_ = 	snop  }
0x3c: {  	p2 =	seq.s32 s10, $0x1;
	s10 =	sld [smem:$0x3FB8]  }
0x3d: {  	_ =	shalt  }
0x3e: {  	_ =	shalt  }
0x3f: {  	_ =	shalt  }
0x40: {  	_ =	shalt  }
0x41: {  	_ =	shalt  }
0x42: {  	_ =	shalt  }
0x43: {  	_ =	shalt  }
0x44: {  	_ =	shalt  }
0x45: {  	_ =	shalt  }
0x46: {  	_ =	shalt  }
0x47: {  	_ =	shalt  }
0x48: {  	_ =	shalt  }
0x49: {  	_ =	shalt  }
0x4a: {  	_ =	shalt  }
0x4b: {  	_ =	shalt  }
0x4c: {  	_ =	shalt  }
0x4d: {  	_ =	shalt  }
0x4e: {  	_ =	shalt  }
0x4f: {  	_ =	shalt  }
0x50: {  	_ =	shalt  }
0x51: {  	_ =	shalt  }
0x52: {  	_ =	shalt  }
0x53: {  	_ =	shalt  }
0x54: {  	_ =	shalt  }
0x55: {  	_ =	shalt  }
0x56: {  	_ =	shalt  }
0x57: {  	_ =	shalt  }
0x58: {  	_ =	shalt  }
0x59: {  	_ =	shalt  }
0x5a: {  	_ =	shalt  }
0x5b: {  	_ =	shalt  }
0x5c: {  	_ =	shalt  }
0x5d: {  	_ =	shalt  }
0x5e: {  	_ =	shalt  }
0x5f: {  	_ =	shalt  }
0x60: {  	_ =	shalt  }
0x61: {  	_ =	shalt  }
0x62: {  	_ =	shalt  }
0x63: {  	_ =	shalt  }
0x64: {  	_ =	shalt  }
0x65: {  	_ =	shalt  }
0x66: {  	_ =	shalt  }
0x67: {  	_ =	shalt  }
0x68: {  	_ =	shalt  }
0x69: {  	_ =	shalt  }
0x6a: {  	_ =	shalt  }
0x6b: {  	_ =	shalt  }
0x6c: {  	_ =	shalt  }
0x6d: {  	_ =	shalt  }
0x6e: {  	_ =	shalt  }
0x6f: {  	_ =	shalt  }
0x70: {  	_ =	shalt  }
0x71: {  	_ =	shalt  }
0x72: {  	_ =	shalt  }
0x73: {  	_ =	shalt  }
0x74: {  	_ =	shalt  }
0x75: {  	_ =	shalt  }
0x76: {  	_ =	shalt  }
0x77: {  	_ =	shalt  }
0x78: {  	_ =	shalt  }
0x79: {  	_ =	shalt  }
0x7a: {  	_ =	shalt  }
0x7b: {  	_ =	shalt  }
0x7c: {  	_ =	shalt  }
0x7d: {  	_ =	shalt  }
0x7e: {  	_ =	shalt  }
0x7f: {  	_ =	shalt  }
0x80: {  	_ =	shalt  }
0x81: {  	_ =	shalt  }
0x82: {  	_ =	shalt  }
0x83: {  	_ =	shalt  }
0x84: {  	_ =	shalt  }
0x85: {  	_ =	shalt  }
0x86: {  	_ =	shalt  }
0x87: {  	_ =	shalt  }
.Lfunc_end0:
.L_simem_size_0:
called_computation.1_lowered:
.L_overlay_start_0:
0x88: {  	s2 =	sld [smem:$0x3FD9]  }
0x89: {  	s3 =	sld [smem:$0x3FFE];
	_ =	sdelay $0x1  }
0x8a: {  	s1 =	srdreg.scid  }
0x8b: {  	s0 =	sand.u32 $0x1, s1  }
0x8c: {  	s17 =	sshll.u32 s0, $0xA;
	s2 =	sadd.s32 s3, s2  }
0x8d: {  	s2 =	sadd.s32 s2, s17  }
0x8e: {  	[smem:$0x3FC4] =	sst s2  }
0x8f: {  	_ = 	snop  }
0x90: {  	s2 =	sld [smem:$0x3FD0];
	(tm) =	ssettm $0x1  }
0x91: {  	s18 =	sld [smem:$0x3FFB];
	_ =	sdelay $0x3  }
0x92: {  	_ =	strace s18  }
0x93: {  	s3 =	sld [smem:$0x3FFC];
	_ =	sdelay $0x3  }
0x94: {  	_ =	strace s3  }
0x95: {  	s3 =	sld [smem:$0x3FFD];
	_ =	sdelay $0x3  }
0x96: {  	_ =	strace s3  }
0x97: {  	_ =	strace $0x8FFFFFFF  }
0x98: {  	s19 =	sld [smem:$0x3FDB];
	_ =	sdelay $0x1  }
0x99: {  	s4 =	simm.s32 $_scs_section_size  }
0x9a: {  	s5 =	simm.s32 $_size__tile_overlayer_lowered;
	s6 =	simm.s32 $_tile_overlayer_lowered  }
0x9b: {  	s22 =	simm.s32 $0x1BFF;
	s21 =	sshll.u32 s6, $0x1;
	s3 =	sadd.s32 s4, s19  }
0x9c: {  	s7 =	simm.s32 $0x0;
	s20 =	sshll.u32 s5, $0x1;
	s5 =	sadd.s32 s21, s3  }
0x9d: {  	[timem:s7], [sflag:s22] =	dma.local [hbm:s5], s20  }
0x9e: {  	_ =	swait.ge [sflag:s22], s20  }
0x9f: {  	s4 =	ssub.s32 $0x0, s20;
	[sflag:s22] =	ssyncset.done $0x0  }
0xa0: {  	[sflag:s22] =	ssyncadd.s32 s4;
	_ =	sdelay $0x1  }
0xa1: {  	s23 =	simm.s32 $0x1B8B  }
0xa2: {  	_ =	swait.ge [sflag:s23], $0x1  }
0xa3: {  	[sflag:s23] =	ssyncset.done $0x0  }
0xa4: {  	s25 =	simm.s32 $0x1B8E;
	s24 =	sld [smem:$0x3FFE];
	[sflag:s23] =	ssyncadd.s32 $0xFFFFFFFF  }
0xa5: {  	s26 =	simm.s32 $execute0_lowered;
	[smem:$0x3FD2] =	sst s25  }
0xa6: {  	s5 =	sshll.u32 s26, $0x1;
	_ =	strace $0x80000049;
	[dreg:$0x1] =	wrdreg $0xFFFFFFFF  }
0xa7: {  	s28 =	simm.s32 $_size_execute0_lowered;
	s3 =	sadd.s32 s3, s5;
	[dreg:$0x0] =	wrdreg $0x0  }
0xa8: {  	s5 =	sshll.u32 s28, $0x1;
	[dreg:$0x2] =	wrdreg s3  }
0xa9: {  	[dreg:$0x3] =	wrdreg s5  }
0xaa: {  	[dreg:$0x4] =	wrdreg $0xC0  }
0xab: {  	_ =	task [dreg:s7], $0x5FFFF  }
0xac: {  	[dreg:$0x1] =	wrdreg $0xFFFFFFFF  }
0xad: {  	[dreg:$0x0] =	wrdreg $0x60  }
0xae: {  	[dreg:$0x2] =	wrdreg s24  }
0xaf: {  	[dreg:$0x3] =	wrdreg s2  }
0xb0: {  	[dreg:$0x4] =	wrdreg $0x84000  }
0xb1: {  	[dreg:$0x5] =	wrdreg $0x9  }
0xb2: {  	_ =	task.clear_ibuf [dreg:s7], $0x6FFFF;
	_ =	strace $0x90000049  }
0xb3: {  	s29 =	simm.s32 $0x9;
	_ =	strace $0x8000004B  }
0xb4: {  	_ =	swait.ge [sflag:s29], $0x1  }
0xb5: {  	[sflag:s29] =	ssyncadd.s32 $0xFFFFFFFF  }
0xb6: {  	_ =	strace $0x9000004B  }
0xb7: {  	_ =	sfence  }
0xb8: {  	s30 =	sld [smem:$0x0];
	_ =	sdelay $0x2  }
0xb9: {  	s31 =	sshll.u32 s1, $0xD;
	s1 =	sshrl.u32 s1, $0x2  }
0xba: {  	s3 =	sand.u32 $0x4000, s31;
	s1 =	sadd.s32 s1, s30  }
0xbb: {  	s0 =	sor.u32 s3, s0;
	s1 =	sshll.u32 s1, $0x11  }
0xbc: {  	s0 =	sor.u32 s1, s0  }
0xbd: {  	s0 =	sadd.s32 $0x8F2B, s0  }
0xbe: {  	[sflag:s0] =	ssyncadd.remote.s32 $0x1  }
0xbf: {  	_ =	sfence.sel $0xFFFF  }
0xc0: {  	[dreg:$0x0] =	wrdreg $0xFFFFFFFF;
	(pc) =	sbr.abs _section_cstart, $3  }
0xc1: {  	[dreg:$0x1] =	wrdreg $0xFFFFFFFF  }
0xc2: {  	_ =	task.clear_ibuf [dreg:s7], $0x2FFFF;
	_ =	strace $0x9FFFFFFF  }
0xc3: {  	(tm) =	ssettm $0x7FFFFFFF  }
tec
execute0_lowered:
.L_overlay_start_1:
0x0: {  	(tag) =	ssettag $0x1  }
0x1: {  	s0 =	rddreg [dreg:$0x0]  }
0x2: {  	s6 =	rddreg [dreg:$0x1]  }
0x3: {  	s1 =	rddreg [dreg:$0x2];
	s2 =	simm.s32 $0x0;
	s3 =	srdreg.scid  }
0x4: {  	s23 =	stileid.u32;
	s12 =	simm.s32 $0x7;
	s13 =	simm.s32 $0x1  }
0x5: {  	s14 =	simm.s32 $0x200;
	s15 =	simm.s32 $0x80;
	s16 =	simm.s32 $0x400  }
0x6: {  	s17 =	simm.s32 $0x100;
	s18 =	simm.s32 $0x4400;
	s19 =	simm.s32 $0x3  }
0x7: {  	s20 =	simm.s32 $0x4;
	s21 =	simm.s32 $0x180;
	s22 =	simm.s32 $0x5  }
0x8: {  	s28 =	simm.s32 $0x280;
	s29 =	simm.s32 $0x380;
	s9 =	smul.u32 $0x14, s23  }
0x9: {  	s30 =	simm.s32 $0x0;
	[smem:$0x7FF] =	sst s2;
	s10 =	smul.u32 $0x8C, s23  }
0xa: {  	s7 =	sand.u32 $0x1, s3;
	s4 =	sadd.s32 $0x19600, s0;
	s25 =	smul.u32 $0x50000, s23  }
0xb: {  	s5 =	sadd.s32 $0x16E00, s0;
	s31 =	sshll.u32 s23, $0x6;
	s8 =	smul.u32 $0x28000, s7  }
0xc: {  	_ =	strace $0x8000004A;
	s11 =	ssub.s32 $0x2, s7;
	p0 =	seq.s32 s7, $0x0  }
0xd: {  	s7 =	sadd.s32 $0x8C0, s9;
	s24 =	sshrl.u32 s11, $0x1;
	s26 =	sshrl.u32 s25, $0x2  }
0xe: {  	s25 =	smul.u32 $0x2800, s23;
	s23 =	simm.s32 $0x6;
	s7 =	smov.u32 @p0 s10  }
0xf: {  	s0 =	sadd.s32 s8, s0;
	s9 =	ssub.s32 s11, s24;
	s10 =	sadd.s32 s26, s1  }
0x10: {  	s8 =	simm.s32 $0x23;
	s26 =	simm.s32 $0x300;
	s7 =	sshll.u32 s7, $0x5  }
0x11: {  	s8 =	simm.s32 @!p0 $0x5;
	s24 =	sadd.s32 $0x91600, s0;
	s9 =	smax.u32 s9, $0x1  }
0x12: {  	s11 =	sshrl.u32 s10, $0x3;
	s6 =	sadd.s32 s6, s7;
	s7 =	sor.u32 $0x1C07, s31  }
0x13: {  	s24 =	sadd.s32 s25, s24;
	s25 =	simm.s32 $0x2;
	s0 =	sadd.s32 $0x80, s6  }
.LBB2_1:
0x14: {  	[tilespmem:s2], [sflag:$0x1] =	stream.linear.gather [hbm4b:s6+s2], $0x200, $0x38;
	[tilespmem:$0x1C400] =	vst v63  }
0x15: {  	[spmem:s11], [sflag:s7] =	dma.local [hbm:s5], $0x2800  }
0x16: {  	_ =	swait.ge [sflag:s12], $0x2800  }
0x17: {  	[sflag:s12] =	ssyncset.done $0x0  }
0x18: {  	[sflag:s12] =	ssyncadd.s32 $0xFFFFD800  }
0x19: {  	[bflag:$0x0] =	sbarrier.arrive $0xFFFF  }
0x1a: {  	_ =	swait.ge [sflag:s13], $0x200  }
0x1b: {  	[sflag:s13] =	ssyncset.done $0x0  }
0x1c: {  	s10 =	sadd.s32 $0xFFFFFFC0, s0;
	[sflag:s13] =	ssyncadd.s32 $0xFFFFFE00  }
0x1d: {  	[tilespmem:s14], [sflag:$0x2] =	stream.linear.gather [hbm4b:s10+s2], $0x200, $0x38;
	[tilespmem:$0x1C400] =	vst v63  }
0x1e: {  	_ = 	snop  }
0x1f: {  	[tilespmem:s16], [sflag:$0x3] =	stream.indirect.gather [hbm4b:s4+s15], $0x80, s2, s15, $0xb8;
	[tilespmem:$0x1C400] =	vst v63  }
0x20: {  	_ = 	snop  }
0x21: {  	[tilespmem:s18], [sflag:$0x4] =	stream.indirect.gather [hbm4b:s4+s15], $0x80, s17, s15, $0xb8;
	[tilespmem:$0x1C400] =	vst v63  }
0x22: {  	_ =	swait.ge [sflag:s19], $0x4000  }
0x23: {  	[sflag:s19] =	ssyncset.done $0x0  }
0x24: {  	[sflag:s19] =	ssyncadd.s32 $0xFFFFC000  }
0x25: {  	[spmem:s1] =	stream.indirect.scatter.add.f32 [tilespmem:s16], [sflag:$0x5], $0x80, s15, s15, $0xb8;
	[tilespmem:$0x1C400] =	vst v63  }
0x26: {  	_ =	swait.ge [sflag:s20], $0x4000  }
0x27: {  	[sflag:s20] =	ssyncset.done $0x0  }
0x28: {  	[sflag:s20] =	ssyncadd.s32 $0xFFFFC000  }
0x29: {  	[spmem:s1] =	stream.indirect.scatter.add.f32 [tilespmem:s18], [sflag:$0x6], $0x80, s21, s15, $0xb8;
	[tilespmem:$0x1C400] =	vst v63  }
0x2a: {  	_ =	swait.ge [sflag:s22], $0x4000  }
0x2b: {  	[sflag:s22] =	ssyncset.done $0x0  }
0x2c: {  	[sflag:s22] =	ssyncadd.s32 $0xFFFFC000  }
0x2d: {  	_ =	swait.ge [sflag:s23], $0x4000  }
0x2e: {  	[sflag:s23] =	ssyncset.done $0x0  }
0x2f: {  	[sflag:s23] =	ssyncadd.s32 $0xFFFFC000  }
0x30: {  	_ =	swait.ge [sflag:s25], $0x200  }
0x31: {  	[sflag:s25] =	ssyncset.done $0x0  }
0x32: {  	[sflag:s25] =	ssyncadd.s32 $0xFFFFFE00  }
0x33: {  	[tilespmem:s2], [sflag:$0x1] =	stream.linear.gather [hbm4b:s0+s2], $0x200, $0x38;
	[tilespmem:$0x1C400] =	vst v63  }
0x34: {  	_ = 	snop  }
0x35: {  	[tilespmem:s16], [sflag:$0x3] =	stream.indirect.gather [hbm4b:s4+s15], $0x80, s14, s15, $0xb8;
	[tilespmem:$0x1C400] =	vst v63  }
0x36: {  	_ = 	snop  }
0x37: {  	[tilespmem:s18], [sflag:$0x4] =	stream.indirect.gather [hbm4b:s4+s15], $0x80, s26, s15, $0xb8;
	[tilespmem:$0x1C400] =	vst v63  }
0x38: {  	_ =	swait.ge [sflag:s19], $0x4000  }
0x39: {  	[sflag:s19] =	ssyncset.done $0x0  }
0x3a: {  	[sflag:s19] =	ssyncadd.s32 $0xFFFFC000  }
0x3b: {  	[spmem:s1] =	stream.indirect.scatter.add.f32 [tilespmem:s16], [sflag:$0x5], $0x80, s28, s15, $0xb8;
	[tilespmem:$0x1C400] =	vst v63  }
0x3c: {  	_ =	swait.ge [sflag:s20], $0x4000  }
0x3d: {  	[sflag:s20] =	ssyncset.done $0x0  }
0x3e: {  	p0 =	sne.s32 s8, $0x1;
	[sflag:s20] =	ssyncadd.s32 $0xFFFFC000  }
0x3f: {  	[spmem:s1] =	stream.indirect.scatter.add.f32 [tilespmem:s18], [sflag:$0x6], $0x80, s29, s15, $0xb8;
	[tilespmem:$0x1C400] =	vst v63  }
.Ltmp0:
0x40: {  	_ =	swait.ge [sflag:s22], $0x4000;
	(pc) =	sbr.rel @!p0 .LBB2_3-.Ltmp0, $4  }
0x41: {  	[sflag:s22] =	ssyncset.done $0x0  }
0x42: {  	[sflag:s22] =	ssyncadd.s32 $0xFFFFC000  }
0x43: {  	_ =	swait.ge [sflag:s23], $0x4000  }
0x44: {  	s31 =	sadd.s32 $0xFFFFFFFF, s8;
	s10 =	smov.u32 s0;
	[sflag:s23] =	ssyncset.done $0x0  }
.LBB2_2:
0x45: {  	p0 =	sne.s32 s31, $0x1;
	[sflag:s23] =	ssyncadd.s32 $0xFFFFC000;
	s10 =	sadd.s32 $0x80, s10  }
0x46: {  	s31 =	sadd.s32 $0xFFFFFFFF, s31;
	_ =	swait.ge [sflag:s13], $0x200  }
0x47: {  	[sflag:s13] =	ssyncset.done $0x0  }
0x48: {  	s3 =	sadd.s32 $0xFFFFFFC0, s10;
	[sflag:s13] =	ssyncadd.s32 $0xFFFFFE00  }
0x49: {  	[tilespmem:s14], [sflag:$0x2] =	stream.linear.gather [hbm4b:s3+s2], $0x200, $0x38;
	[tilespmem:$0x1C400] =	vst v63  }
0x4a: {  	_ = 	snop  }
0x4b: {  	[tilespmem:s16], [sflag:$0x3] =	stream.indirect.gather [hbm4b:s4+s15], $0x80, s2, s15, $0xb8;
	[tilespmem:$0x1C400] =	vst v63  }
0x4c: {  	_ = 	snop  }
0x4d: {  	[tilespmem:s18], [sflag:$0x4] =	stream.indirect.gather [hbm4b:s4+s15], $0x80, s17, s15, $0xb8;
	[tilespmem:$0x1C400] =	vst v63  }
0x4e: {  	_ =	swait.ge [sflag:s19], $0x4000  }
0x4f: {  	[sflag:s19] =	ssyncset.done $0x0  }
0x50: {  	[sflag:s19] =	ssyncadd.s32 $0xFFFFC000  }
0x51: {  	[spmem:s1] =	stream.indirect.scatter.add.f32 [tilespmem:s16], [sflag:$0x5], $0x80, s15, s15, $0xb8;
	[tilespmem:$0x1C400] =	vst v63  }
0x52: {  	_ =	swait.ge [sflag:s20], $0x4000  }
0x53: {  	[sflag:s20] =	ssyncset.done $0x0  }
0x54: {  	[sflag:s20] =	ssyncadd.s32 $0xFFFFC000  }
0x55: {  	[spmem:s1] =	stream.indirect.scatter.add.f32 [tilespmem:s18], [sflag:$0x6], $0x80, s21, s15, $0xb8;
	[tilespmem:$0x1C400] =	vst v63  }
0x56: {  	_ =	swait.ge [sflag:s22], $0x4000  }
0x57: {  	[sflag:s22] =	ssyncset.done $0x0  }
0x58: {  	[sflag:s22] =	ssyncadd.s32 $0xFFFFC000  }
0x59: {  	_ =	swait.ge [sflag:s23], $0x4000  }
0x5a: {  	[sflag:s23] =	ssyncset.done $0x0  }
0x5b: {  	[sflag:s23] =	ssyncadd.s32 $0xFFFFC000  }
0x5c: {  	_ =	swait.ge [sflag:s25], $0x200  }
0x5d: {  	[sflag:s25] =	ssyncset.done $0x0  }
0x5e: {  	[sflag:s25] =	ssyncadd.s32 $0xFFFFFE00  }
0x5f: {  	[tilespmem:s2], [sflag:$0x1] =	stream.linear.gather [hbm4b:s10+s2], $0x200, $0x38;
	[tilespmem:$0x1C400] =	vst v63  }
0x60: {  	_ = 	snop  }
0x61: {  	[tilespmem:s16], [sflag:$0x3] =	stream.indirect.gather [hbm4b:s4+s15], $0x80, s14, s15, $0xb8;
	[tilespmem:$0x1C400] =	vst v63  }
0x62: {  	_ = 	snop  }
0x63: {  	[tilespmem:s18], [sflag:$0x4] =	stream.indirect.gather [hbm4b:s4+s15], $0x80, s26, s15, $0xb8;
	[tilespmem:$0x1C400] =	vst v63  }
0x64: {  	_ =	swait.ge [sflag:s19], $0x4000  }
0x65: {  	[sflag:s19] =	ssyncset.done $0x0  }
0x66: {  	[sflag:s19] =	ssyncadd.s32 $0xFFFFC000  }
0x67: {  	[spmem:s1] =	stream.indirect.scatter.add.f32 [tilespmem:s16], [sflag:$0x5], $0x80, s28, s15, $0xb8;
	[tilespmem:$0x1C400] =	vst v63  }
0x68: {  	_ =	swait.ge [sflag:s20], $0x4000  }
0x69: {  	[sflag:s20] =	ssyncset.done $0x0  }
0x6a: {  	[sflag:s20] =	ssyncadd.s32 $0xFFFFC000  }
0x6b: {  	[spmem:s1] =	stream.indirect.scatter.add.f32 [tilespmem:s18], [sflag:$0x6], $0x80, s29, s15, $0xb8;
	[tilespmem:$0x1C400] =	vst v63  }
.Ltmp1:
0x6c: {  	_ =	swait.ge [sflag:s22], $0x4000;
	(pc) =	sbr.rel @p0 .LBB2_2-.Ltmp1, $4  }
0x6d: {  	[sflag:s22] =	ssyncset.done $0x0  }
0x6e: {  	[sflag:s22] =	ssyncadd.s32 $0xFFFFC000  }
0x6f: {  	_ =	swait.ge [sflag:s23], $0x4000  }
0x70: {  	[sflag:s23] =	ssyncset.done $0x0  }
.LBB2_3:
0x71: {  	[sflag:s23] =	ssyncadd.s32 $0xFFFFC000  }
0x72: {  	_ =	swait.ge [sflag:s13], $0x200  }
0x73: {  	s30 =	sadd.s32 $0x1, s30;
	[sflag:s13] =	ssyncset.done $0x0  }
0x74: {  	p0 =	sne.s32 s30, s9;
	[sflag:s13] =	ssyncadd.s32 $0xFFFFFE00  }
.Ltmp2:
0x75: {  	[bflag:$0x0] =	sbarrier.arrive $0xFFFF;
	(pc) =	sbr.rel @p0 .LBB2_1-.Ltmp2, $4  }
0x76: {  	[hbm:s24], [sflag:s7] =	dma.local [spmem:s11], $0x2800  }
0x77: {  	_ =	swait.ge [sflag:s12], $0x2800  }
0x78: {  	[sflag:s12] =	ssyncset.done $0x0  }
0x79: {  	[sflag:s12] =	ssyncadd.s32 $0xFFFFD800  }
0x7a: {  	_ =	sfence.sel $0x180000  }
0x7b: {  	[bflag:$0x0] =	sbarrier.arrive $0xFFFF  }
0x7c: {  	_ =	strace $0x9000004A  }
0x7d: {  	s0 =	stileid.u32;
	[bflag:$0x2] =	sbarrier.arrive $0xFFFF  }
0x7e: {  	p0 =	sne.s32 s0, $0x0;
	s0 =	rddreg [dreg:$0x3]  }
0x7f: {  	s0 =	sadd.s32 @!p0 $0x100000, s0  }
0x80: {  	[sflag:s0] =	ssyncadd.tile.s32 @!p0 $0x1;
	_ =	shalt  }
.Lfunc_end2:
_tile_overlayer_lowered:
.L_overlay_start_2:
0x81: {  	(tag) =	ssettag $0x2  }
0x82: {  	s0 =	rddreg [dreg:$0x0];
	s2 =	stileid.u32  }
0x83: {  	s1 =	rddreg [dreg:$0x1];
	p0 =	sne.s32 s2, $0x0  }
0x84: {  	s3 =	rddreg [dreg:$0x2];
	[bflag:$0x3] =	sbarrier.arrive $0xFFFF;
	s2 =	simm.s32 @!p0 $0x1C07  }
0x85: {  	[timem:s3], [sflag:s2] =	dma.local @!p0 [hbm:s0], s1  }
0x86: {  	s0 =	simm.s32 @!p0 $0x7  }
0x87: {  	_ =	swait.ge @!p0 [sflag:s0], s1  }
0x88: {  	s1 =	ssub.s32 @!p0 $0x0, s1;
	[sflag:s0] =	ssyncset.done @!p0 $0x0  }
0x89: {  	[sflag:s0] =	ssyncadd.s32 @!p0 s1  }
0x8a: {  	[bflag:$0x3] =	sbarrier.arrive $0xFFFF  }
0x8b: {  	_ =	shalt  }

// kernel: kernel.14.cloned.1.call-start
scs
__scs_entry_jumppad:
0x0: {  	(pc) =	sbr.rel $0x88, $3  }
0x1: {  	(tag) =	ssettag $0x0;
	lr =	simm.s32 $0x1  }
0x2: {  	[smem:$0x3F9D] =	sst lr;
	_ =	strace $0xD0000000  }
0x3: {  	_ = 	snop  }
0x4: {  	_ = 	snop  }
0x5: {  	_ = 	snop  }
0x6: {  	_ = 	snop  }
0x7: {  	_ = 	snop  }
__scs_overlays_trampoline_lowered:
0x8: {  	[smem:$0x3FAC] =	sst s0  }
0x9: {  	[smem:$0x3FAD] =	sst s1  }
0xa: {  	[smem:$0x3FAE] =	sst s2  }
0xb: {  	[smem:$0x3FAF] =	sst s3  }
0xc: {  	[smem:$0x3FB0] =	sst s4  }
0xd: {  	[smem:$0x3FB1] =	sst s5  }
0xe: {  	[smem:$0x3FB2] =	sst s6  }
0xf: {  	[smem:$0x3FB3] =	sst s7  }
0x10: {  	[smem:$0x3FB4] =	sst s8  }
0x11: {  	[smem:$0x3FB5] =	sst s9;
	s0 =	simm.s32 @!p0 $0x0  }
0x12: {  	s1 =	sld [smem:$0x3F9B];
	s0 =	simm.s32 @p0 $0x1  }
0x13: {  	[smem:$0x3FB6] =	sst s0;
	s0 =	simm.s32 @!p1 $0x0  }
0x14: {  	s2 =	sld [smem:$0x3F9A];
	s0 =	simm.s32 @p1 $0x1  }
0x15: {  	[smem:$0x3FB7] =	sst s0;
	s0 =	simm.s32 @!p2 $0x0  }
0x16: {  	s3 =	sld [smem:$0x3FDB];
	s0 =	simm.s32 @p2 $0x1  }
0x17: {  	s4 =	simm.s32 $0x1BF5;
	[smem:$0x3FB9] =	sst s0  }
0x18: {  	s0 =	sld [smem:$0x3F9C];
	_ =	swait.ge [sflag:s4], $0x0  }
0x19: {  	s7 =	sld [smem:$0x3F9D]  }
0x1a: {  	s8 =	sadd.s32 $0xFFFFE003, lr  }
0x1b: {  	s9 =	sadd.s32 $0xFFFFFEF7, lr;
	s5 =	simm.s32 $0xFFFFFFFF;
	p2 =	slt.u32 s8, $0xFFFFF086  }
0x1c: {  	p1 =	slt.u32 s9, $0xF7A;
	s5 =	simm.s32 @!p2 $0x0  }
0x1d: {  	s5 =	simm.s32 @p1 $0x1;
	p0 =	seq.s32 s7, s2  }
0x1e: {  	s7 =	smul.u32 @!p0 $0xF7A, s2;
	p2 =	seq.s32 @!p0 s5, $0x0  }
0x1f: {  	s9 =	smul.u32 $0xF7A, s1;
	s8 =	simm.s32 @!p0 $0x1BF5;
	p2 =	por !p2, p0  }
0x20: {  	[sflag:s8] =	ssyncset.s32 @!p0 $0xFFFFF086;
	s6 =	sadd.s32 @!p0 s3, s7;
	s7 =	simm.s32 @!p0 $0x108  }
0x21: {  	s3 =	sadd.s32 s3, s9;
	s6 =	sadd.s32 @!p0 $0x88, s6;
	s7 =	simm.s32 @p2 $0x1082  }
0x22: {  	[simem:s7], [sflag:s8] =	dma.local @!p0 [hbm:s6], $0xF7A  }
0x23: {  	s9 =	sor.u32 $0xD0000000, s2;
	s6 =	simm.s32 $0x108;
	_ =	swait.ge @!p0 [sflag:s8], $0x0  }
0x24: {  	s3 =	sadd.s32 $0x88, s3;
	s6 =	simm.s32 @!p1 $0x1082;
	[sflag:s4] =	ssyncset.s32 $0xFFFFF086  }
0x25: {  	[simem:s6], [sflag:s4] =	dma.local [hbm:s3], $0xF7A  }
0x26: {  	[smem:$0x3F9D] =	sst s1;
	(tag) =	ssettag s2;
	_ =	strace s9  }
0x27: {  	s1 =	sld [smem:$0x3FAD]  }
0x28: {  	s2 =	sld [smem:$0x3FAE]  }
0x29: {  	s4 =	sld [smem:$0x3FB0]  }
0x2a: {  	p0 =	seq.s32 s5, $0x0;
	s5 =	sld [smem:$0x3FB1]  }
0x2b: {  	s6 =	sld [smem:$0x3FB2]  }
0x2c: {  	s7 =	sld [smem:$0x3FB3]  }
0x2d: {  	s3 =	simm.s32 $0x108;
	s8 =	sld [smem:$0x3FB4]  }
0x2e: {  	s3 =	simm.s32 @!p0 $0x1082;
	s9 =	sld [smem:$0x3FB5]  }
0x2f: {  	lr =	sadd.s32 s0, s3;
	s0 =	sld [smem:$0x3FAC]  }
0x30: {  	s3 =	sld [smem:$0x3FAF]  }
0x31: {  	[smem:$0x3FB8] =	sst s10  }
0x32: {  	s10 =	sld [smem:$0x3FB6];
	_ =	sdelay $0x3  }
0x33: {  	p0 =	seq.s32 s10, $0x1;
	s10 =	sld [smem:$0x3FB8];
	_ =	sdelay $0x3  }
0x34: {  	[smem:$0x3FB8] =	sst s10  }
0x35: {  	s10 =	sld [smem:$0x3FB7];
	_ =	sdelay $0x3  }
0x36: {  	p1 =	seq.s32 s10, $0x1;
	s10 =	sld [smem:$0x3FB8];
	_ =	sdelay $0x3  }
0x37: {  	[smem:$0x3FB8] =	sst s10  }
0x38: {  	s10 =	sld [smem:$0x3FB9]  }
0x39: {  	_ = 	snop;
	(pc) =	sbr.ind lr, $3  }
0x3a: {  	_ = 	snop  }
0x3b: {  	_ = 	snop  }
0x3c: {  	p2 =	seq.s32 s10, $0x1;
	s10 =	sld [smem:$0x3FB8]  }
0x3d: {  	_ =	shalt  }
0x3e: {  	_ =	shalt  }
0x3f: {  	_ =	shalt  }
0x40: {  	_ =	shalt  }
0x41: {  	_ =	shalt  }
0x42: {  	_ =	shalt  }
0x43: {  	_ =	shalt  }
0x44: {  	_ =	shalt  }
0x45: {  	_ =	shalt  }
0x46: {  	_ =	shalt  }
0x47: {  	_ =	shalt  }
0x48: {  	_ =	shalt  }
0x49: {  	_ =	shalt  }
0x4a: {  	_ =	shalt  }
0x4b: {  	_ =	shalt  }
0x4c: {  	_ =	shalt  }
0x4d: {  	_ =	shalt  }
0x4e: {  	_ =	shalt  }
0x4f: {  	_ =	shalt  }
0x50: {  	_ =	shalt  }
0x51: {  	_ =	shalt  }
0x52: {  	_ =	shalt  }
0x53: {  	_ =	shalt  }
0x54: {  	_ =	shalt  }
0x55: {  	_ =	shalt  }
0x56: {  	_ =	shalt  }
0x57: {  	_ =	shalt  }
0x58: {  	_ =	shalt  }
0x59: {  	_ =	shalt  }
0x5a: {  	_ =	shalt  }
0x5b: {  	_ =	shalt  }
0x5c: {  	_ =	shalt  }
0x5d: {  	_ =	shalt  }
0x5e: {  	_ =	shalt  }
0x5f: {  	_ =	shalt  }
0x60: {  	_ =	shalt  }
0x61: {  	_ =	shalt  }
0x62: {  	_ =	shalt  }
0x63: {  	_ =	shalt  }
0x64: {  	_ =	shalt  }
0x65: {  	_ =	shalt  }
0x66: {  	_ =	shalt  }
0x67: {  	_ =	shalt  }
0x68: {  	_ =	shalt  }
0x69: {  	_ =	shalt  }
0x6a: {  	_ =	shalt  }
0x6b: {  	_ =	shalt  }
0x6c: {  	_ =	shalt  }
0x6d: {  	_ =	shalt  }
0x6e: {  	_ =	shalt  }
0x6f: {  	_ =	shalt  }
0x70: {  	_ =	shalt  }
0x71: {  	_ =	shalt  }
0x72: {  	_ =	shalt  }
0x73: {  	_ =	shalt  }
0x74: {  	_ =	shalt  }
0x75: {  	_ =	shalt  }
0x76: {  	_ =	shalt  }
0x77: {  	_ =	shalt  }
0x78: {  	_ =	shalt  }
0x79: {  	_ =	shalt  }
0x7a: {  	_ =	shalt  }
0x7b: {  	_ =	shalt  }
0x7c: {  	_ =	shalt  }
0x7d: {  	_ =	shalt  }
0x7e: {  	_ =	shalt  }
0x7f: {  	_ =	shalt  }
0x80: {  	_ =	shalt  }
0x81: {  	_ =	shalt  }
0x82: {  	_ =	shalt  }
0x83: {  	_ =	shalt  }
0x84: {  	_ =	shalt  }
0x85: {  	_ =	shalt  }
0x86: {  	_ =	shalt  }
0x87: {  	_ =	shalt  }
.Lfunc_end0:
.L_simem_size_0:
called_computation.2_lowered:
.L_overlay_start_0:
0x88: {  	s2 =	sld [smem:$0x3FD9]  }
0x89: {  	s3 =	sld [smem:$0x3FFE];
	_ =	sdelay $0x1  }
0x8a: {  	s1 =	srdreg.scid  }
0x8b: {  	s0 =	sand.u32 $0x1, s1  }
0x8c: {  	s17 =	sshll.u32 s0, $0xA;
	s2 =	sadd.s32 s3, s2  }
0x8d: {  	s2 =	sadd.s32 s2, s17  }
0x8e: {  	[smem:$0x3FC4] =	sst s2  }
0x8f: {  	_ = 	snop  }
0x90: {  	s2 =	sld [smem:$0x3FD0];
	(tm) =	ssettm $0x1  }
0x91: {  	s18 =	sld [smem:$0x3FFB];
	_ =	sdelay $0x3  }
0x92: {  	_ =	strace s18  }
0x93: {  	s3 =	sld [smem:$0x3FFC];
	_ =	sdelay $0x3  }
0x94: {  	_ =	strace s3  }
0x95: {  	s3 =	sld [smem:$0x3FFD];
	_ =	sdelay $0x3  }
0x96: {  	_ =	strace s3  }
0x97: {  	_ =	strace $0x8FFFFFFF  }
0x98: {  	s19 =	sld [smem:$0x3FDB];
	_ =	sdelay $0x1  }
0x99: {  	s4 =	simm.s32 $_scs_section_size  }
0x9a: {  	s5 =	simm.s32 $_size__tile_overlayer_lowered;
	s6 =	simm.s32 $_tile_overlayer_lowered  }
0x9b: {  	s22 =	simm.s32 $0x1BFF;
	s21 =	sshll.u32 s6, $0x1;
	s3 =	sadd.s32 s4, s19  }
0x9c: {  	s7 =	simm.s32 $0x0;
	s20 =	sshll.u32 s5, $0x1;
	s5 =	sadd.s32 s21, s3  }
0x9d: {  	[timem:s7], [sflag:s22] =	dma.local [hbm:s5], s20  }
0x9e: {  	_ =	swait.ge [sflag:s22], s20  }
0x9f: {  	s4 =	ssub.s32 $0x0, s20;
	[sflag:s22] =	ssyncset.done $0x0  }
0xa0: {  	[sflag:s22] =	ssyncadd.s32 s4;
	_ =	sdelay $0x1  }
0xa1: {  	s23 =	simm.s32 $0x1B8B  }
0xa2: {  	_ =	swait.ge [sflag:s23], $0x1  }
0xa3: {  	[sflag:s23] =	ssyncset.done $0x0  }
0xa4: {  	s25 =	simm.s32 $0x1B8E;
	s24 =	sld [smem:$0x3FFE];
	[sflag:s23] =	ssyncadd.s32 $0xFFFFFFFF  }
0xa5: {  	s26 =	simm.s32 $execute0_lowered;
	[smem:$0x3FD2] =	sst s25  }
0xa6: {  	s5 =	sshll.u32 s26, $0x1;
	_ =	strace $0x8000004C;
	[dreg:$0x1] =	wrdreg $0xFFFFFFFF  }
0xa7: {  	s28 =	simm.s32 $_size_execute0_lowered;
	s3 =	sadd.s32 s3, s5;
	[dreg:$0x0] =	wrdreg $0x0  }
0xa8: {  	s5 =	sshll.u32 s28, $0x1;
	[dreg:$0x2] =	wrdreg s3  }
0xa9: {  	[dreg:$0x3] =	wrdreg s5  }
0xaa: {  	[dreg:$0x4] =	wrdreg $0xC0  }
0xab: {  	_ =	task [dreg:s7], $0x5FFFF  }
0xac: {  	[dreg:$0x1] =	wrdreg $0xFFFFFFFF  }
0xad: {  	[dreg:$0x0] =	wrdreg $0x60  }
0xae: {  	[dreg:$0x2] =	wrdreg s24  }
0xaf: {  	[dreg:$0x3] =	wrdreg s2  }
0xb0: {  	[dreg:$0x4] =	wrdreg $0x84000  }
0xb1: {  	[dreg:$0x5] =	wrdreg $0x9  }
0xb2: {  	_ =	task.clear_ibuf [dreg:s7], $0x6FFFF;
	_ =	strace $0x9000004C  }
0xb3: {  	s29 =	simm.s32 $0x9;
	_ =	strace $0x8000004E  }
0xb4: {  	_ =	swait.ge [sflag:s29], $0x1  }
0xb5: {  	[sflag:s29] =	ssyncadd.s32 $0xFFFFFFFF  }
0xb6: {  	_ =	strace $0x9000004E  }
0xb7: {  	_ =	sfence  }
0xb8: {  	s30 =	sld [smem:$0x0];
	_ =	sdelay $0x2  }
0xb9: {  	s31 =	sshll.u32 s1, $0xD;
	s1 =	sshrl.u32 s1, $0x2  }
0xba: {  	s3 =	sand.u32 $0x4000, s31;
	s1 =	sadd.s32 s1, s30  }
0xbb: {  	s0 =	sor.u32 s3, s0;
	s1 =	sshll.u32 s1, $0x11  }
0xbc: {  	s0 =	sor.u32 s1, s0  }
0xbd: {  	s0 =	sadd.s32 $0x8F2B, s0  }
0xbe: {  	[sflag:s0] =	ssyncadd.remote.s32 $0x1  }
0xbf: {  	_ =	sfence.sel $0xFFFF  }
0xc0: {  	[dreg:$0x0] =	wrdreg $0xFFFFFFFF;
	(pc) =	sbr.abs _section_cstart, $3  }
0xc1: {  	[dreg:$0x1] =	wrdreg $0xFFFFFFFF  }
0xc2: {  	_ =	task.clear_ibuf [dreg:s7], $0x2FFFF;
	_ =	strace $0x9FFFFFFF  }
0xc3: {  	(tm) =	ssettm $0x7FFFFFFF  }
tec
execute0_lowered:
.L_overlay_start_1:
0x0: {  	(tag) =	ssettag $0x1  }
0x1: {  	s0 =	rddreg [dreg:$0x0]  }
0x2: {  	s6 =	rddreg [dreg:$0x1]  }
0x3: {  	s1 =	rddreg [dreg:$0x2];
	s2 =	simm.s32 $0x0;
	s3 =	srdreg.scid  }
0x4: {  	s23 =	stileid.u32;
	s12 =	simm.s32 $0x7;
	s13 =	simm.s32 $0x1  }
0x5: {  	s14 =	simm.s32 $0x200;
	s15 =	simm.s32 $0x80;
	s16 =	simm.s32 $0x400  }
0x6: {  	s17 =	simm.s32 $0x100;
	s18 =	simm.s32 $0x4400;
	s19 =	simm.s32 $0x3  }
0x7: {  	s20 =	simm.s32 $0x4;
	s21 =	simm.s32 $0x180;
	s22 =	simm.s32 $0x5  }
0x8: {  	s28 =	simm.s32 $0x280;
	s29 =	simm.s32 $0x380;
	s9 =	smul.u32 $0x14, s23  }
0x9: {  	s30 =	simm.s32 $0x0;
	[smem:$0x7FF] =	sst s2;
	s10 =	smul.u32 $0x8C, s23  }
0xa: {  	s7 =	sand.u32 $0x1, s3;
	s4 =	sadd.s32 $0x19600, s0;
	s25 =	smul.u32 $0x50000, s23  }
0xb: {  	s5 =	sadd.s32 $0x16E00, s0;
	s31 =	sshll.u32 s23, $0x6;
	s8 =	smul.u32 $0x28000, s7  }
0xc: {  	_ =	strace $0x8000004D;
	s11 =	ssub.s32 $0x2, s7;
	p0 =	seq.s32 s7, $0x0  }
0xd: {  	s7 =	sadd.s32 $0x8C0, s9;
	s24 =	sshrl.u32 s11, $0x1;
	s26 =	sshrl.u32 s25, $0x2  }
0xe: {  	s25 =	smul.u32 $0x2800, s23;
	s23 =	simm.s32 $0x6;
	s7 =	smov.u32 @p0 s10  }
0xf: {  	s0 =	sadd.s32 s8, s0;
	s9 =	ssub.s32 s11, s24;
	s10 =	sadd.s32 s26, s1  }
0x10: {  	s8 =	simm.s32 $0x23;
	s26 =	simm.s32 $0x300;
	s7 =	sshll.u32 s7, $0x5  }
0x11: {  	s8 =	simm.s32 @!p0 $0x5;
	s24 =	sadd.s32 $0x91600, s0;
	s9 =	smax.u32 s9, $0x1  }
0x12: {  	s11 =	sshrl.u32 s10, $0x3;
	s6 =	sadd.s32 s6, s7;
	s7 =	sor.u32 $0x1C07, s31  }
0x13: {  	s24 =	sadd.s32 s25, s24;
	s25 =	simm.s32 $0x2;
	s0 =	sadd.s32 $0x80, s6  }
.LBB2_1:
0x14: {  	[tilespmem:s2], [sflag:$0x1] =	stream.linear.gather [hbm4b:s6+s2], $0x200, $0x38;
	[tilespmem:$0x1C400] =	vst v63  }
0x15: {  	[spmem:s11], [sflag:s7] =	dma.local [hbm:s5], $0x2800  }
0x16: {  	_ =	swait.ge [sflag:s12], $0x2800  }
0x17: {  	[sflag:s12] =	ssyncset.done $0x0  }
0x18: {  	[sflag:s12] =	ssyncadd.s32 $0xFFFFD800  }
0x19: {  	[bflag:$0x0] =	sbarrier.arrive $0xFFFF  }
0x1a: {  	_ =	swait.ge [sflag:s13], $0x200  }
0x1b: {  	[sflag:s13] =	ssyncset.done $0x0  }
0x1c: {  	s10 =	sadd.s32 $0xFFFFFFC0, s0;
	[sflag:s13] =	ssyncadd.s32 $0xFFFFFE00  }
0x1d: {  	[tilespmem:s14], [sflag:$0x2] =	stream.linear.gather [hbm4b:s10+s2], $0x200, $0x38;
	[tilespmem:$0x1C400] =	vst v63  }
0x1e: {  	_ = 	snop  }
0x1f: {  	[tilespmem:s16], [sflag:$0x3] =	stream.indirect.gather [hbm4b:s4+s15], $0x80, s2, s15, $0xb8;
	[tilespmem:$0x1C400] =	vst v63  }
0x20: {  	_ = 	snop  }
0x21: {  	[tilespmem:s18], [sflag:$0x4] =	stream.indirect.gather [hbm4b:s4+s15], $0x80, s17, s15, $0xb8;
	[tilespmem:$0x1C400] =	vst v63  }
0x22: {  	_ =	swait.ge [sflag:s19], $0x4000  }
0x23: {  	[sflag:s19] =	ssyncset.done $0x0  }
0x24: {  	[sflag:s19] =	ssyncadd.s32 $0xFFFFC000  }
0x25: {  	[spmem:s1] =	stream.indirect.scatter.add.f32 [tilespmem:s16], [sflag:$0x5], $0x80, s15, s15, $0xb8;
	[tilespmem:$0x1C400] =	vst v63  }
0x26: {  	_ =	swait.ge [sflag:s20], $0x4000  }
0x27: {  	[sflag:s20] =	ssyncset.done $0x0  }
0x28: {  	[sflag:s20] =	ssyncadd.s32 $0xFFFFC000  }
0x29: {  	[spmem:s1] =	stream.indirect.scatter.add.f32 [tilespmem:s18], [sflag:$0x6], $0x80, s21, s15, $0xb8;
	[tilespmem:$0x1C400] =	vst v63  }
0x2a: {  	_ =	swait.ge [sflag:s22], $0x4000  }
0x2b: {  	[sflag:s22] =	ssyncset.done $0x0  }
0x2c: {  	[sflag:s22] =	ssyncadd.s32 $0xFFFFC000  }
0x2d: {  	_ =	swait.ge [sflag:s23], $0x4000  }
0x2e: {  	[sflag:s23] =	ssyncset.done $0x0  }
0x2f: {  	[sflag:s23] =	ssyncadd.s32 $0xFFFFC000  }
0x30: {  	_ =	swait.ge [sflag:s25], $0x200  }
0x31: {  	[sflag:s25] =	ssyncset.done $0x0  }
0x32: {  	[sflag:s25] =	ssyncadd.s32 $0xFFFFFE00  }
0x33: {  	[tilespmem:s2], [sflag:$0x1] =	stream.linear.gather [hbm4b:s0+s2], $0x200, $0x38;
	[tilespmem:$0x1C400] =	vst v63  }
0x34: {  	_ = 	snop  }
0x35: {  	[tilespmem:s16], [sflag:$0x3] =	stream.indirect.gather [hbm4b:s4+s15], $0x80, s14, s15, $0xb8;
	[tilespmem:$0x1C400] =	vst v63  }
0x36: {  	_ = 	snop  }
0x37: {  	[tilespmem:s18], [sflag:$0x4] =	stream.indirect.gather [hbm4b:s4+s15], $0x80, s26, s15, $0xb8;
	[tilespmem:$0x1C400] =	vst v63  }
0x38: {  	_ =	swait.ge [sflag:s19], $0x4000  }
0x39: {  	[sflag:s19] =	ssyncset.done $0x0  }
0x3a: {  	[sflag:s19] =	ssyncadd.s32 $0xFFFFC000  }
0x3b: {  	[spmem:s1] =	stream.indirect.scatter.add.f32 [tilespmem:s16], [sflag:$0x5], $0x80, s28, s15, $0xb8;
	[tilespmem:$0x1C400] =	vst v63  }
0x3c: {  	_ =	swait.ge [sflag:s20], $0x4000  }
0x3d: {  	[sflag:s20] =	ssyncset.done $0x0  }
0x3e: {  	p0 =	sne.s32 s8, $0x1;
	[sflag:s20] =	ssyncadd.s32 $0xFFFFC000  }
0x3f: {  	[spmem:s1] =	stream.indirect.scatter.add.f32 [tilespmem:s18], [sflag:$0x6], $0x80, s29, s15, $0xb8;
	[tilespmem:$0x1C400] =	vst v63  }
.Ltmp0:
0x40: {  	_ =	swait.ge [sflag:s22], $0x4000;
	(pc) =	sbr.rel @!p0 .LBB2_3-.Ltmp0, $4  }
0x41: {  	[sflag:s22] =	ssyncset.done $0x0  }
0x42: {  	[sflag:s22] =	ssyncadd.s32 $0xFFFFC000  }
0x43: {  	_ =	swait.ge [sflag:s23], $0x4000  }
0x44: {  	s31 =	sadd.s32 $0xFFFFFFFF, s8;
	s10 =	smov.u32 s0;
	[sflag:s23] =	ssyncset.done $0x0  }
.LBB2_2:
0x45: {  	p0 =	sne.s32 s31, $0x1;
	[sflag:s23] =	ssyncadd.s32 $0xFFFFC000;
	s10 =	sadd.s32 $0x80, s10  }
0x46: {  	s31 =	sadd.s32 $0xFFFFFFFF, s31;
	_ =	swait.ge [sflag:s13], $0x200  }
0x47: {  	[sflag:s13] =	ssyncset.done $0x0  }
0x48: {  	s3 =	sadd.s32 $0xFFFFFFC0, s10;
	[sflag:s13] =	ssyncadd.s32 $0xFFFFFE00  }
0x49: {  	[tilespmem:s14], [sflag:$0x2] =	stream.linear.gather [hbm4b:s3+s2], $0x200, $0x38;
	[tilespmem:$0x1C400] =	vst v63  }
0x4a: {  	_ = 	snop  }
0x4b: {  	[tilespmem:s16], [sflag:$0x3] =	stream.indirect.gather [hbm4b:s4+s15], $0x80, s2, s15, $0xb8;
	[tilespmem:$0x1C400] =	vst v63  }
0x4c: {  	_ = 	snop  }
0x4d: {  	[tilespmem:s18], [sflag:$0x4] =	stream.indirect.gather [hbm4b:s4+s15], $0x80, s17, s15, $0xb8;
	[tilespmem:$0x1C400] =	vst v63  }
0x4e: {  	_ =	swait.ge [sflag:s19], $0x4000  }
0x4f: {  	[sflag:s19] =	ssyncset.done $0x0  }
0x50: {  	[sflag:s19] =	ssyncadd.s32 $0xFFFFC000  }
0x51: {  	[spmem:s1] =	stream.indirect.scatter.add.f32 [tilespmem:s16], [sflag:$0x5], $0x80, s15, s15, $0xb8;
	[tilespmem:$0x1C400] =	vst v63  }
0x52: {  	_ =	swait.ge [sflag:s20], $0x4000  }
0x53: {  	[sflag:s20] =	ssyncset.done $0x0  }
0x54: {  	[sflag:s20] =	ssyncadd.s32 $0xFFFFC000  }
0x55: {  	[spmem:s1] =	stream.indirect.scatter.add.f32 [tilespmem:s18], [sflag:$0x6], $0x80, s21, s15, $0xb8;
	[tilespmem:$0x1C400] =	vst v63  }
0x56: {  	_ =	swait.ge [sflag:s22], $0x4000  }
0x57: {  	[sflag:s22] =	ssyncset.done $0x0  }
0x58: {  	[sflag:s22] =	ssyncadd.s32 $0xFFFFC000  }
0x59: {  	_ =	swait.ge [sflag:s23], $0x4000  }
0x5a: {  	[sflag:s23] =	ssyncset.done $0x0  }
0x5b: {  	[sflag:s23] =	ssyncadd.s32 $0xFFFFC000  }
0x5c: {  	_ =	swait.ge [sflag:s25], $0x200  }
0x5d: {  	[sflag:s25] =	ssyncset.done $0x0  }
0x5e: {  	[sflag:s25] =	ssyncadd.s32 $0xFFFFFE00  }
0x5f: {  	[tilespmem:s2], [sflag:$0x1] =	stream.linear.gather [hbm4b:s10+s2], $0x200, $0x38;
	[tilespmem:$0x1C400] =	vst v63  }
0x60: {  	_ = 	snop  }
0x61: {  	[tilespmem:s16], [sflag:$0x3] =	stream.indirect.gather [hbm4b:s4+s15], $0x80, s14, s15, $0xb8;
	[tilespmem:$0x1C400] =	vst v63  }
0x62: {  	_ = 	snop  }
0x63: {  	[tilespmem:s18], [sflag:$0x4] =	stream.indirect.gather [hbm4b:s4+s15], $0x80, s26, s15, $0xb8;
	[tilespmem:$0x1C400] =	vst v63  }
0x64: {  	_ =	swait.ge [sflag:s19], $0x4000  }
0x65: {  	[sflag:s19] =	ssyncset.done $0x0  }
0x66: {  	[sflag:s19] =	ssyncadd.s32 $0xFFFFC000  }
0x67: {  	[spmem:s1] =	stream.indirect.scatter.add.f32 [tilespmem:s16], [sflag:$0x5], $0x80, s28, s15, $0xb8;
	[tilespmem:$0x1C400] =	vst v63  }
0x68: {  	_ =	swait.ge [sflag:s20], $0x4000  }
0x69: {  	[sflag:s20] =	ssyncset.done $0x0  }
0x6a: {  	[sflag:s20] =	ssyncadd.s32 $0xFFFFC000  }
0x6b: {  	[spmem:s1] =	stream.indirect.scatter.add.f32 [tilespmem:s18], [sflag:$0x6], $0x80, s29, s15, $0xb8;
	[tilespmem:$0x1C400] =	vst v63  }
.Ltmp1:
0x6c: {  	_ =	swait.ge [sflag:s22], $0x4000;
	(pc) =	sbr.rel @p0 .LBB2_2-.Ltmp1, $4  }
0x6d: {  	[sflag:s22] =	ssyncset.done $0x0  }
0x6e: {  	[sflag:s22] =	ssyncadd.s32 $0xFFFFC000  }
0x6f: {  	_ =	swait.ge [sflag:s23], $0x4000  }
0x70: {  	[sflag:s23] =	ssyncset.done $0x0  }
.LBB2_3:
0x71: {  	[sflag:s23] =	ssyncadd.s32 $0xFFFFC000  }
0x72: {  	_ =	swait.ge [sflag:s13], $0x200  }
0x73: {  	s30 =	sadd.s32 $0x1, s30;
	[sflag:s13] =	ssyncset.done $0x0  }
0x74: {  	p0 =	sne.s32 s30, s9;
	[sflag:s13] =	ssyncadd.s32 $0xFFFFFE00  }
.Ltmp2:
0x75: {  	[bflag:$0x0] =	sbarrier.arrive $0xFFFF;
	(pc) =	sbr.rel @p0 .LBB2_1-.Ltmp2, $4  }
0x76: {  	[hbm:s24], [sflag:s7] =	dma.local [spmem:s11], $0x2800  }
0x77: {  	_ =	swait.ge [sflag:s12], $0x2800  }
0x78: {  	[sflag:s12] =	ssyncset.done $0x0  }
0x79: {  	[sflag:s12] =	ssyncadd.s32 $0xFFFFD800  }
0x7a: {  	_ =	sfence.sel $0x180000  }
0x7b: {  	[bflag:$0x0] =	sbarrier.arrive $0xFFFF  }
0x7c: {  	_ =	strace $0x9000004D  }
0x7d: {  	s0 =	stileid.u32;
	[bflag:$0x2] =	sbarrier.arrive $0xFFFF  }
0x7e: {  	p0 =	sne.s32 s0, $0x0;
	s0 =	rddreg [dreg:$0x3]  }
0x7f: {  	s0 =	sadd.s32 @!p0 $0x100000, s0  }
0x80: {  	[sflag:s0] =	ssyncadd.tile.s32 @!p0 $0x1;
	_ =	shalt  }
.Lfunc_end2:
_tile_overlayer_lowered:
.L_overlay_start_2:
0x81: {  	(tag) =	ssettag $0x2  }
0x82: {  	s0 =	rddreg [dreg:$0x0];
	s2 =	stileid.u32  }
0x83: {  	s1 =	rddreg [dreg:$0x1];
	p0 =	sne.s32 s2, $0x0  }
0x84: {  	s3 =	rddreg [dreg:$0x2];
	[bflag:$0x3] =	sbarrier.arrive $0xFFFF;
	s2 =	simm.s32 @!p0 $0x1C07  }
0x85: {  	[timem:s3], [sflag:s2] =	dma.local @!p0 [hbm:s0], s1  }
0x86: {  	s0 =	simm.s32 @!p0 $0x7  }
0x87: {  	_ =	swait.ge @!p0 [sflag:s0], s1  }
0x88: {  	s1 =	ssub.s32 @!p0 $0x0, s1;
	[sflag:s0] =	ssyncset.done @!p0 $0x0  }
0x89: {  	[sflag:s0] =	ssyncadd.s32 @!p0 s1  }
0x8a: {  	[bflag:$0x3] =	sbarrier.arrive $0xFFFF  }
0x8b: {  	_ =	shalt  }

// kernel: kernel.8.cloned.1.call-start
scs
__scs_entry_jumppad:
0x0: {  	(pc) =	sbr.rel $0x88, $3  }
0x1: {  	(tag) =	ssettag $0x0;
	lr =	simm.s32 $0x1  }
0x2: {  	[smem:$0x3F9D] =	sst lr;
	_ =	strace $0xD0000000  }
0x3: {  	_ = 	snop  }
0x4: {  	_ = 	snop  }
0x5: {  	_ = 	snop  }
0x6: {  	_ = 	snop  }
0x7: {  	_ = 	snop  }
__scs_overlays_trampoline_lowered:
0x8: {  	[smem:$0x3FAC] =	sst s0  }
0x9: {  	[smem:$0x3FAD] =	sst s1  }
0xa: {  	[smem:$0x3FAE] =	sst s2  }
0xb: {  	[smem:$0x3FAF] =	sst s3  }
0xc: {  	[smem:$0x3FB0] =	sst s4  }
0xd: {  	[smem:$0x3FB1] =	sst s5  }
0xe: {  	[smem:$0x3FB2] =	sst s6  }
0xf: {  	[smem:$0x3FB3] =	sst s7  }
0x10: {  	[smem:$0x3FB4] =	sst s8  }
0x11: {  	[smem:$0x3FB5] =	sst s9;
	s0 =	simm.s32 @!p0 $0x0  }
0x12: {  	s1 =	sld [smem:$0x3F9B];
	s0 =	simm.s32 @p0 $0x1  }
0x13: {  	[smem:$0x3FB6] =	sst s0;
	s0 =	simm.s32 @!p1 $0x0  }
0x14: {  	s2 =	sld [smem:$0x3F9A];
	s0 =	simm.s32 @p1 $0x1  }
0x15: {  	[smem:$0x3FB7] =	sst s0;
	s0 =	simm.s32 @!p2 $0x0  }
0x16: {  	s3 =	sld [smem:$0x3FDB];
	s0 =	simm.s32 @p2 $0x1  }
0x17: {  	s4 =	simm.s32 $0x1BF5;
	[smem:$0x3FB9] =	sst s0  }
0x18: {  	s0 =	sld [smem:$0x3F9C];
	_ =	swait.ge [sflag:s4], $0x0  }
0x19: {  	s7 =	sld [smem:$0x3F9D]  }
0x1a: {  	s8 =	sadd.s32 $0xFFFFE003, lr  }
0x1b: {  	s9 =	sadd.s32 $0xFFFFFEF7, lr;
	s5 =	simm.s32 $0xFFFFFFFF;
	p2 =	slt.u32 s8, $0xFFFFF086  }
0x1c: {  	p1 =	slt.u32 s9, $0xF7A;
	s5 =	simm.s32 @!p2 $0x0  }
0x1d: {  	s5 =	simm.s32 @p1 $0x1;
	p0 =	seq.s32 s7, s2  }
0x1e: {  	s7 =	smul.u32 @!p0 $0xF7A, s2;
	p2 =	seq.s32 @!p0 s5, $0x0  }
0x1f: {  	s9 =	smul.u32 $0xF7A, s1;
	s8 =	simm.s32 @!p0 $0x1BF5;
	p2 =	por !p2, p0  }
0x20: {  	[sflag:s8] =	ssyncset.s32 @!p0 $0xFFFFF086;
	s6 =	sadd.s32 @!p0 s3, s7;
	s7 =	simm.s32 @!p0 $0x108  }
0x21: {  	s3 =	sadd.s32 s3, s9;
	s6 =	sadd.s32 @!p0 $0x88, s6;
	s7 =	simm.s32 @p2 $0x1082  }
0x22: {  	[simem:s7], [sflag:s8] =	dma.local @!p0 [hbm:s6], $0xF7A  }
0x23: {  	s9 =	sor.u32 $0xD0000000, s2;
	s6 =	simm.s32 $0x108;
	_ =	swait.ge @!p0 [sflag:s8], $0x0  }
0x24: {  	s3 =	sadd.s32 $0x88, s3;
	s6 =	simm.s32 @!p1 $0x1082;
	[sflag:s4] =	ssyncset.s32 $0xFFFFF086  }
0x25: {  	[simem:s6], [sflag:s4] =	dma.local [hbm:s3], $0xF7A  }
0x26: {  	[smem:$0x3F9D] =	sst s1;
	(tag) =	ssettag s2;
	_ =	strace s9  }
0x27: {  	s1 =	sld [smem:$0x3FAD]  }
0x28: {  	s2 =	sld [smem:$0x3FAE]  }
0x29: {  	s4 =	sld [smem:$0x3FB0]  }
0x2a: {  	p0 =	seq.s32 s5, $0x0;
	s5 =	sld [smem:$0x3FB1]  }
0x2b: {  	s6 =	sld [smem:$0x3FB2]  }
0x2c: {  	s7 =	sld [smem:$0x3FB3]  }
0x2d: {  	s3 =	simm.s32 $0x108;
	s8 =	sld [smem:$0x3FB4]  }
0x2e: {  	s3 =	simm.s32 @!p0 $0x1082;
	s9 =	sld [smem:$0x3FB5]  }
0x2f: {  	lr =	sadd.s32 s0, s3;
	s0 =	sld [smem:$0x3FAC]  }
0x30: {  	s3 =	sld [smem:$0x3FAF]  }
0x31: {  	[smem:$0x3FB8] =	sst s10  }
0x32: {  	s10 =	sld [smem:$0x3FB6];
	_ =	sdelay $0x3  }
0x33: {  	p0 =	seq.s32 s10, $0x1;
	s10 =	sld [smem:$0x3FB8];
	_ =	sdelay $0x3  }
0x34: {  	[smem:$0x3FB8] =	sst s10  }
0x35: {  	s10 =	sld [smem:$0x3FB7];
	_ =	sdelay $0x3  }
0x36: {  	p1 =	seq.s32 s10, $0x1;
	s10 =	sld [smem:$0x3FB8];
	_ =	sdelay $0x3  }
0x37: {  	[smem:$0x3FB8] =	sst s10  }
0x38: {  	s10 =	sld [smem:$0x3FB9]  }
0x39: {  	_ = 	snop;
	(pc) =	sbr.ind lr, $3  }
0x3a: {  	_ = 	snop  }
0x3b: {  	_ = 	snop  }
0x3c: {  	p2 =	seq.s32 s10, $0x1;
	s10 =	sld [smem:$0x3FB8]  }
0x3d: {  	_ =	shalt  }
0x3e: {  	_ =	shalt  }
0x3f: {  	_ =	shalt  }
0x40: {  	_ =	shalt  }
0x41: {  	_ =	shalt  }
0x42: {  	_ =	shalt  }
0x43: {  	_ =	shalt  }
0x44: {  	_ =	shalt  }
0x45: {  	_ =	shalt  }
0x46: {  	_ =	shalt  }
0x47: {  	_ =	shalt  }
0x48: {  	_ =	shalt  }
0x49: {  	_ =	shalt  }
0x4a: {  	_ =	shalt  }
0x4b: {  	_ =	shalt  }
0x4c: {  	_ =	shalt  }
0x4d: {  	_ =	shalt  }
0x4e: {  	_ =	shalt  }
0x4f: {  	_ =	shalt  }
0x50: {  	_ =	shalt  }
0x51: {  	_ =	shalt  }
0x52: {  	_ =	shalt  }
0x53: {  	_ =	shalt  }
0x54: {  	_ =	shalt  }
0x55: {  	_ =	shalt  }
0x56: {  	_ =	shalt  }
0x57: {  	_ =	shalt  }
0x58: {  	_ =	shalt  }
0x59: {  	_ =	shalt  }
0x5a: {  	_ =	shalt  }
0x5b: {  	_ =	shalt  }
0x5c: {  	_ =	shalt  }
0x5d: {  	_ =	shalt  }
0x5e: {  	_ =	shalt  }
0x5f: {  	_ =	shalt  }
0x60: {  	_ =	shalt  }
0x61: {  	_ =	shalt  }
0x62: {  	_ =	shalt  }
0x63: {  	_ =	shalt  }
0x64: {  	_ =	shalt  }
0x65: {  	_ =	shalt  }
0x66: {  	_ =	shalt  }
0x67: {  	_ =	shalt  }
0x68: {  	_ =	shalt  }
0x69: {  	_ =	shalt  }
0x6a: {  	_ =	shalt  }
0x6b: {  	_ =	shalt  }
0x6c: {  	_ =	shalt  }
0x6d: {  	_ =	shalt  }
0x6e: {  	_ =	shalt  }
0x6f: {  	_ =	shalt  }
0x70: {  	_ =	shalt  }
0x71: {  	_ =	shalt  }
0x72: {  	_ =	shalt  }
0x73: {  	_ =	shalt  }
0x74: {  	_ =	shalt  }
0x75: {  	_ =	shalt  }
0x76: {  	_ =	shalt  }
0x77: {  	_ =	shalt  }
0x78: {  	_ =	shalt  }
0x79: {  	_ =	shalt  }
0x7a: {  	_ =	shalt  }
0x7b: {  	_ =	shalt  }
0x7c: {  	_ =	shalt  }
0x7d: {  	_ =	shalt  }
0x7e: {  	_ =	shalt  }
0x7f: {  	_ =	shalt  }
0x80: {  	_ =	shalt  }
0x81: {  	_ =	shalt  }
0x82: {  	_ =	shalt  }
0x83: {  	_ =	shalt  }
0x84: {  	_ =	shalt  }
0x85: {  	_ =	shalt  }
0x86: {  	_ =	shalt  }
0x87: {  	_ =	shalt  }
.Lfunc_end0:
.L_simem_size_0:
called_computation_lowered:
.L_overlay_start_0:
0x88: {  	s2 =	sld [smem:$0x3FD9]  }
0x89: {  	s3 =	sld [smem:$0x3FFE];
	_ =	sdelay $0x1  }
0x8a: {  	s1 =	srdreg.scid  }
0x8b: {  	s0 =	sand.u32 $0x1, s1  }
0x8c: {  	s16 =	sshll.u32 s0, $0xA;
	s2 =	sadd.s32 s3, s2  }
0x8d: {  	s2 =	sadd.s32 s2, s16  }
0x8e: {  	[smem:$0x3FC4] =	sst s2  }
0x8f: {  	_ = 	snop  }
0x90: {  	(tm) =	ssettm $0x1  }
0x91: {  	s17 =	sld [smem:$0x3FFB];
	_ =	sdelay $0x3  }
0x92: {  	_ =	strace s17  }
0x93: {  	s2 =	sld [smem:$0x3FFC];
	_ =	sdelay $0x3  }
0x94: {  	_ =	strace s2  }
0x95: {  	s2 =	sld [smem:$0x3FFD];
	_ =	sdelay $0x3  }
0x96: {  	_ =	strace s2  }
0x97: {  	_ =	strace $0x8FFFFFFF  }
0x98: {  	s18 =	sld [smem:$0x3FDB];
	_ =	sdelay $0x1  }
0x99: {  	s19 =	simm.s32 $_scs_section_size  }
0x9a: {  	s4 =	simm.s32 $_size__tile_overlayer_lowered;
	s5 =	simm.s32 $_tile_overlayer_lowered  }
0x9b: {  	s22 =	simm.s32 $0x1BFF;
	s21 =	sshll.u32 s5, $0x1;
	s2 =	sadd.s32 s19, s18  }
0x9c: {  	s6 =	simm.s32 $0x0;
	s20 =	sshll.u32 s4, $0x1;
	s4 =	sadd.s32 s21, s2  }
0x9d: {  	[timem:s6], [sflag:s22] =	dma.local [hbm:s4], s20  }
0x9e: {  	_ =	swait.ge [sflag:s22], s20  }
0x9f: {  	s3 =	ssub.s32 $0x0, s20;
	[sflag:s22] =	ssyncset.done $0x0  }
0xa0: {  	[sflag:s22] =	ssyncadd.s32 s3;
	_ =	sdelay $0x1  }
0xa1: {  	s23 =	simm.s32 $0x1B8B  }
0xa2: {  	_ =	swait.ge [sflag:s23], $0x1  }
0xa3: {  	[sflag:s23] =	ssyncset.done $0x0  }
0xa4: {  	s25 =	simm.s32 $0x1B8E;
	s24 =	sld [smem:$0x3FFE];
	[sflag:s23] =	ssyncadd.s32 $0xFFFFFFFF  }
0xa5: {  	s26 =	simm.s32 $execute0_lowered;
	[smem:$0x3FD2] =	sst s25  }
0xa6: {  	s4 =	sshll.u32 s26, $0x1;
	_ =	strace $0x80000046;
	[dreg:$0x1] =	wrdreg $0xFFFFFFFF  }
0xa7: {  	s28 =	simm.s32 $_size_execute0_lowered;
	s2 =	sadd.s32 s2, s4;
	[dreg:$0x0] =	wrdreg $0x0  }
0xa8: {  	s4 =	sshll.u32 s28, $0x1;
	[dreg:$0x2] =	wrdreg s2  }
0xa9: {  	[dreg:$0x3] =	wrdreg s4  }
0xaa: {  	[dreg:$0x4] =	wrdreg $0xC0  }
0xab: {  	_ =	task [dreg:s6], $0x5FFFF  }
0xac: {  	[dreg:$0x1] =	wrdreg $0xFFFFFFFF  }
0xad: {  	[dreg:$0x0] =	wrdreg $0x60  }
0xae: {  	[dreg:$0x2] =	wrdreg s24  }
0xaf: {  	[dreg:$0x3] =	wrdreg $0x90000  }
0xb0: {  	[dreg:$0x4] =	wrdreg $0x9  }
0xb1: {  	_ =	task.clear_ibuf [dreg:s6], $0x5FFFF;
	_ =	strace $0x90000046  }
0xb2: {  	s29 =	simm.s32 $0x9;
	_ =	strace $0x80000048  }
0xb3: {  	_ =	swait.ge [sflag:s29], $0x1  }
0xb4: {  	[sflag:s29] =	ssyncadd.s32 $0xFFFFFFFF  }
0xb5: {  	_ =	strace $0x90000048  }
0xb6: {  	_ =	sfence  }
0xb7: {  	s30 =	sld [smem:$0x0];
	_ =	sdelay $0x2  }
0xb8: {  	s31 =	sshll.u32 s1, $0xD;
	s1 =	sshrl.u32 s1, $0x2  }
0xb9: {  	s3 =	sand.u32 $0x4000, s31;
	s1 =	sadd.s32 s1, s30  }
0xba: {  	s0 =	sor.u32 s3, s0;
	s1 =	sshll.u32 s1, $0x11  }
0xbb: {  	s0 =	sor.u32 s1, s0  }
0xbc: {  	s0 =	sadd.s32 $0x8F2B, s0  }
0xbd: {  	[sflag:s0] =	ssyncadd.remote.s32 $0x1  }
0xbe: {  	_ =	sfence.sel $0xFFFF  }
0xbf: {  	[dreg:$0x0] =	wrdreg $0xFFFFFFFF;
	(pc) =	sbr.abs _section_cstart, $3  }
0xc0: {  	[dreg:$0x1] =	wrdreg $0xFFFFFFFF  }
0xc1: {  	_ =	task.clear_ibuf [dreg:s6], $0x2FFFF;
	_ =	strace $0x9FFFFFFF  }
0xc2: {  	(tm) =	ssettm $0x7FFFFFFF  }
0xc3: {  	_ =	shalt  }
tec
execute0_lowered:
.L_overlay_start_1:
0x0: {  	(tag) =	ssettag $0x1  }
0x1: {  	s6 =	rddreg [dreg:$0x0]  }
0x2: {  	s2 =	rddreg [dreg:$0x1]  }
0x3: {  	s0 =	srdreg.scid;
	s1 =	rddreg [dreg:$0x2];
	s3 =	simm.s32 $0x0  }
0x4: {  	s12 =	simm.s32 $0x80;
	s13 =	simm.s32 $0x1;
	s14 =	simm.s32 $0x2  }
0x5: {  	s15 =	simm.s32 $0x3;
	s16 =	simm.s32 $0x4;
	s4 =	sand.u32 $0x1, s0  }
0x6: {  	s17 =	simm.s32 $0x5;
	s0 =	stileid.u32;
	s5 =	smul.u32 $0x50000, s4  }
0x7: {  	s18 =	simm.s32 $0x6;
	s19 =	simm.s32 $0x7;
	s7 =	smul.u32 $0x5000, s0  }
0x8: {  	s20 =	simm.s32 $0x8;
	[smem:$0x7FF] =	sst s3;
	s29 =	smul.u32 $0x28000, s4  }
0x9: {  	_ =	strace $0x80000047;
	s9 =	ssub.s32 $0x2, s4;
	s10 =	smul.u32 $0x50000, s0  }
0xa: {  	s4 =	sadd.s32 $0x16600, s6;
	s22 =	smul.u32 $0x2800, s0;
	s31 =	sshll.u32 s0, $0x6  }
0xb: {  	s11 =	sshrl.u32 s9, $0x1;
	s5 =	sadd.s32 s7, s5;
	s7 =	sadd.s32 s29, s6  }
0xc: {  	s9 =	ssub.s32 s9, s11;
	s10 =	sshrl.u32 s10, $0x2;
	s5 =	sshrl.u32 s5, $0x3  }
0xd: {  	s30 =	sadd.s32 s10, s2;
	s21 =	sadd.s32 $0x19600, s7;
	s7 =	smax.u32 s9, $0x1  }
0xe: {  	s9 =	simm.s32 $0x9;
	s10 =	sor.u32 $0x1C09, s31;
	s8 =	sadd.s32 s5, s6  }
0xf: {  	s5 =	sadd.s32 $0x16E00, s6;
	s11 =	sshrl.u32 s30, $0x3;
	s21 =	sadd.s32 s22, s21  }
0x10: {  	s22 =	simm.s32 $0x0;
	s6 =	sadd.s32 $0x2600, s8;
	s8 =	simm.s32 $0x5000  }
.LBB2_1:
0x11: {  	[tilespmem:s8], [sflag:$0x9] =	stream.linear.gather [hbm4b:s4+s3], $0x4000, $0x38;
	[tilespmem:$0x1D000] =	vst v63  }
0x12: {  	_ =	swait.ge [sflag:s9], $0x4000  }
0x13: {  	[sflag:s9] =	ssyncset.done $0x0  }
0x14: {  	[sflag:s9] =	ssyncadd.s32 $0xFFFFC000  }
0x15: {  	[tilespmem:s3], [sflag:$0x9] =	stream.linear.gather [hbm4b:s6+s3], $0x5000, $0x38;
	[tilespmem:$0x1D000] =	vst v63  }
0x16: {  	_ =	swait.ge [sflag:s9], $0x5000  }
0x17: {  	[sflag:s9] =	ssyncset.done $0x0  }
0x18: {  	[sflag:s9] =	ssyncadd.s32 $0xFFFFB000  }
0x19: {  	[spmem:s11], [sflag:s10] =	dma.local [hbm:s5], $0x2800  }
0x1a: {  	_ =	swait.ge [sflag:s9], $0x2800  }
0x1b: {  	[sflag:s9] =	ssyncset.done $0x0  }
0x1c: {  	[sflag:s9] =	ssyncadd.s32 $0xFFFFD800  }
0x1d: {  	s23 =	simm.s32 $0x0;
	[bflag:$0x0] =	sbarrier.arrive $0xFFFF  }
0x1e: {  	[spmem:s2] =	stream.indirect.scatter.add.f32 [tilespmem:s8], [sflag:$0x1], $0x80, s23, s12, $0xb8;
	[tilespmem:$0x1D000] =	vst v63  }
0x1f: {  	s24 =	simm.s32 $0x80  }
0x20: {  	[spmem:s2] =	stream.indirect.scatter.add.f32 [tilespmem:s8], [sflag:$0x2], $0x80, s24, s12, $0xb8;
	[tilespmem:$0x1D000] =	vst v63  }
0x21: {  	s25 =	simm.s32 $0x100  }
0x22: {  	[spmem:s2] =	stream.indirect.scatter.add.f32 [tilespmem:s8], [sflag:$0x3], $0x80, s25, s12, $0xb8;
	[tilespmem:$0x1D000] =	vst v63  }
0x23: {  	s26 =	simm.s32 $0x180  }
0x24: {  	[spmem:s2] =	stream.indirect.scatter.add.f32 [tilespmem:s8], [sflag:$0x4], $0x80, s26, s12, $0xb8;
	[tilespmem:$0x1D000] =	vst v63  }
0x25: {  	s28 =	simm.s32 $0x200  }
0x26: {  	[spmem:s2] =	stream.indirect.scatter.add.f32 [tilespmem:s8], [sflag:$0x5], $0x80, s28, s12, $0xb8;
	[tilespmem:$0x1D000] =	vst v63  }
0x27: {  	s29 =	simm.s32 $0x280  }
0x28: {  	[spmem:s2] =	stream.indirect.scatter.add.f32 [tilespmem:s8], [sflag:$0x6], $0x80, s29, s12, $0xb8;
	[tilespmem:$0x1D000] =	vst v63  }
0x29: {  	s30 =	simm.s32 $0x300  }
0x2a: {  	[spmem:s2] =	stream.indirect.scatter.add.f32 [tilespmem:s8], [sflag:$0x7], $0x80, s30, s12, $0xb8;
	[tilespmem:$0x1D000] =	vst v63  }
0x2b: {  	s31 =	simm.s32 $0x380  }
0x2c: {  	[spmem:s2] =	stream.indirect.scatter.add.f32 [tilespmem:s8], [sflag:$0x8], $0x80, s31, s12, $0xb8;
	[tilespmem:$0x1D000] =	vst v63  }
0x2d: {  	_ =	swait.ge [sflag:s13], $0x4000  }
0x2e: {  	[sflag:s13] =	ssyncset.done $0x0  }
0x2f: {  	[sflag:s13] =	ssyncadd.s32 $0xFFFFC000  }
0x30: {  	_ =	swait.ge [sflag:s14], $0x4000  }
0x31: {  	[sflag:s14] =	ssyncset.done $0x0  }
0x32: {  	[sflag:s14] =	ssyncadd.s32 $0xFFFFC000  }
0x33: {  	_ =	swait.ge [sflag:s15], $0x4000  }
0x34: {  	[sflag:s15] =	ssyncset.done $0x0  }
0x35: {  	[sflag:s15] =	ssyncadd.s32 $0xFFFFC000  }
0x36: {  	_ =	swait.ge [sflag:s16], $0x4000  }
0x37: {  	[sflag:s16] =	ssyncset.done $0x0  }
0x38: {  	[sflag:s16] =	ssyncadd.s32 $0xFFFFC000  }
0x39: {  	_ =	swait.ge [sflag:s17], $0x4000  }
0x3a: {  	[sflag:s17] =	ssyncset.done $0x0  }
0x3b: {  	[sflag:s17] =	ssyncadd.s32 $0xFFFFC000  }
0x3c: {  	_ =	swait.ge [sflag:s18], $0x4000  }
0x3d: {  	[sflag:s18] =	ssyncset.done $0x0  }
0x3e: {  	[sflag:s18] =	ssyncadd.s32 $0xFFFFC000  }
0x3f: {  	_ =	swait.ge [sflag:s19], $0x4000  }
0x40: {  	[sflag:s19] =	ssyncset.done $0x0  }
0x41: {  	[sflag:s19] =	ssyncadd.s32 $0xFFFFC000  }
0x42: {  	_ =	swait.ge [sflag:s20], $0x4000  }
0x43: {  	s23 =	simm.s32 $0x1000;
	s25 =	simm.s32 $0x2000;
	[sflag:s20] =	ssyncset.done $0x0  }
.LBB2_2:
0x44: {  	s26 =	sshra.s32 s23, $0x2  }
0x45: {  	[sflag:s20] =	ssyncadd.s32 $0xFFFFC000;
	s23 =	smov.u32 s25;
	s24 =	sadd.s32 $0x1000, s25  }
0x46: {  	[spmem:s2] =	stream.indirect.scatter.add.f32 [tilespmem:s8], [sflag:$0x1], $0x80, s26, s12, $0xb8;
	[tilespmem:$0x1D000] =	vst v63  }
0x47: {  	p0 =	sne.s32 s25, $0x13000;
	s25 =	sadd.s32 $0x80, s26  }
0x48: {  	[spmem:s2] =	stream.indirect.scatter.add.f32 [tilespmem:s8], [sflag:$0x2], $0x80, s25, s12, $0xb8;
	[tilespmem:$0x1D000] =	vst v63  }
0x49: {  	s25 =	sadd.s32 $0x100, s26  }
0x4a: {  	[spmem:s2] =	stream.indirect.scatter.add.f32 [tilespmem:s8], [sflag:$0x3], $0x80, s25, s12, $0xb8;
	[tilespmem:$0x1D000] =	vst v63  }
0x4b: {  	s25 =	sadd.s32 $0x180, s26  }
0x4c: {  	[spmem:s2] =	stream.indirect.scatter.add.f32 [tilespmem:s8], [sflag:$0x4], $0x80, s25, s12, $0xb8;
	[tilespmem:$0x1D000] =	vst v63  }
0x4d: {  	s25 =	sadd.s32 $0x200, s26  }
0x4e: {  	[spmem:s2] =	stream.indirect.scatter.add.f32 [tilespmem:s8], [sflag:$0x5], $0x80, s25, s12, $0xb8;
	[tilespmem:$0x1D000] =	vst v63  }
0x4f: {  	s25 =	sadd.s32 $0x280, s26  }
0x50: {  	[spmem:s2] =	stream.indirect.scatter.add.f32 [tilespmem:s8], [sflag:$0x6], $0x80, s25, s12, $0xb8;
	[tilespmem:$0x1D000] =	vst v63  }
0x51: {  	s25 =	sadd.s32 $0x300, s26  }
0x52: {  	[spmem:s2] =	stream.indirect.scatter.add.f32 [tilespmem:s8], [sflag:$0x7], $0x80, s25, s12, $0xb8;
	[tilespmem:$0x1D000] =	vst v63  }
0x53: {  	s25 =	sadd.s32 $0x380, s26  }
0x54: {  	[spmem:s2] =	stream.indirect.scatter.add.f32 [tilespmem:s8], [sflag:$0x8], $0x80, s25, s12, $0xb8;
	[tilespmem:$0x1D000] =	vst v63  }
0x55: {  	_ =	swait.ge [sflag:s13], $0x4000  }
0x56: {  	[sflag:s13] =	ssyncset.done $0x0  }
0x57: {  	[sflag:s13] =	ssyncadd.s32 $0xFFFFC000  }
0x58: {  	_ =	swait.ge [sflag:s14], $0x4000  }
0x59: {  	[sflag:s14] =	ssyncset.done $0x0  }
0x5a: {  	[sflag:s14] =	ssyncadd.s32 $0xFFFFC000  }
0x5b: {  	_ =	swait.ge [sflag:s15], $0x4000  }
0x5c: {  	[sflag:s15] =	ssyncset.done $0x0  }
0x5d: {  	[sflag:s15] =	ssyncadd.s32 $0xFFFFC000  }
0x5e: {  	_ =	swait.ge [sflag:s16], $0x4000  }
0x5f: {  	[sflag:s16] =	ssyncset.done $0x0  }
0x60: {  	[sflag:s16] =	ssyncadd.s32 $0xFFFFC000  }
0x61: {  	_ =	swait.ge [sflag:s17], $0x4000  }
0x62: {  	[sflag:s17] =	ssyncset.done $0x0  }
0x63: {  	[sflag:s17] =	ssyncadd.s32 $0xFFFFC000  }
0x64: {  	_ =	swait.ge [sflag:s18], $0x4000  }
0x65: {  	[sflag:s18] =	ssyncset.done $0x0  }
0x66: {  	[sflag:s18] =	ssyncadd.s32 $0xFFFFC000  }
.Ltmp0:
0x67: {  	_ =	swait.ge [sflag:s19], $0x4000;
	(pc) =	sbr.rel @p0 .LBB2_2-.Ltmp0, $4  }
0x68: {  	[sflag:s19] =	ssyncset.done $0x0  }
0x69: {  	[sflag:s19] =	ssyncadd.s32 $0xFFFFC000  }
0x6a: {  	_ =	swait.ge [sflag:s20], $0x4000  }
0x6b: {  	s25 =	smov.u32 s24;
	[sflag:s20] =	ssyncset.done $0x0  }
0x6c: {  	s23 =	sshra.s32 s23, $0x2;
	[sflag:s20] =	ssyncadd.s32 $0xFFFFC000  }
0x6d: {  	[spmem:s2] =	stream.indirect.scatter.add.f32 [tilespmem:s8], [sflag:$0x1], $0x80, s23, s12, $0xb8;
	[tilespmem:$0x1D000] =	vst v63  }
0x6e: {  	s24 =	sadd.s32 $0x80, s23  }
0x6f: {  	[spmem:s2] =	stream.indirect.scatter.add.f32 [tilespmem:s8], [sflag:$0x2], $0x80, s24, s12, $0xb8;
	[tilespmem:$0x1D000] =	vst v63  }
0x70: {  	s26 =	sadd.s32 $0x100, s23  }
0x71: {  	[spmem:s2] =	stream.indirect.scatter.add.f32 [tilespmem:s8], [sflag:$0x3], $0x80, s26, s12, $0xb8;
	[tilespmem:$0x1D000] =	vst v63  }
0x72: {  	s28 =	sadd.s32 $0x180, s23  }
0x73: {  	[spmem:s2] =	stream.indirect.scatter.add.f32 [tilespmem:s8], [sflag:$0x4], $0x80, s28, s12, $0xb8;
	[tilespmem:$0x1D000] =	vst v63  }
0x74: {  	s29 =	sadd.s32 $0x200, s23  }
0x75: {  	[spmem:s2] =	stream.indirect.scatter.add.f32 [tilespmem:s8], [sflag:$0x5], $0x80, s29, s12, $0xb8;
	[tilespmem:$0x1D000] =	vst v63  }
0x76: {  	s30 =	sadd.s32 $0x280, s23  }
0x77: {  	[spmem:s2] =	stream.indirect.scatter.add.f32 [tilespmem:s8], [sflag:$0x6], $0x80, s30, s12, $0xb8;
	[tilespmem:$0x1D000] =	vst v63  }
0x78: {  	s31 =	sadd.s32 $0x300, s23  }
0x79: {  	[spmem:s2] =	stream.indirect.scatter.add.f32 [tilespmem:s8], [sflag:$0x7], $0x80, s31, s12, $0xb8;
	[tilespmem:$0x1D000] =	vst v63  }
0x7a: {  	s23 =	sadd.s32 $0x380, s23  }
0x7b: {  	[spmem:s2] =	stream.indirect.scatter.add.f32 [tilespmem:s8], [sflag:$0x8], $0x80, s23, s12, $0xb8;
	[tilespmem:$0x1D000] =	vst v63  }
0x7c: {  	_ =	swait.ge [sflag:s13], $0x4000  }
0x7d: {  	[sflag:s13] =	ssyncset.done $0x0  }
0x7e: {  	[sflag:s13] =	ssyncadd.s32 $0xFFFFC000  }
0x7f: {  	_ =	swait.ge [sflag:s14], $0x4000  }
0x80: {  	[sflag:s14] =	ssyncset.done $0x0  }
0x81: {  	[sflag:s14] =	ssyncadd.s32 $0xFFFFC000  }
0x82: {  	_ =	swait.ge [sflag:s15], $0x4000  }
0x83: {  	[sflag:s15] =	ssyncset.done $0x0  }
0x84: {  	[sflag:s15] =	ssyncadd.s32 $0xFFFFC000  }
0x85: {  	_ =	swait.ge [sflag:s16], $0x4000  }
0x86: {  	[sflag:s16] =	ssyncset.done $0x0  }
0x87: {  	[sflag:s16] =	ssyncadd.s32 $0xFFFFC000  }
0x88: {  	_ =	swait.ge [sflag:s17], $0x4000  }
0x89: {  	[sflag:s17] =	ssyncset.done $0x0  }
0x8a: {  	[sflag:s17] =	ssyncadd.s32 $0xFFFFC000  }
0x8b: {  	_ =	swait.ge [sflag:s18], $0x4000  }
0x8c: {  	[sflag:s18] =	ssyncset.done $0x0  }
0x8d: {  	[sflag:s18] =	ssyncadd.s32 $0xFFFFC000  }
0x8e: {  	_ =	swait.ge [sflag:s19], $0x4000  }
0x8f: {  	[sflag:s19] =	ssyncset.done $0x0  }
0x90: {  	[sflag:s19] =	ssyncadd.s32 $0xFFFFC000  }
0x91: {  	_ =	swait.ge [sflag:s20], $0x4000  }
0x92: {  	s22 =	sadd.s32 $0x1, s22;
	[sflag:s20] =	ssyncset.done $0x0  }
0x93: {  	p0 =	sne.s32 s22, s7;
	[sflag:s20] =	ssyncadd.s32 $0xFFFFC000  }
.Ltmp1:
0x94: {  	[bflag:$0x0] =	sbarrier.arrive $0xFFFF;
	(pc) =	sbr.rel @p0 .LBB2_1-.Ltmp1, $4  }
0x95: {  	[hbm:s21], [sflag:s10] =	dma.local [spmem:s11], $0x2800  }
0x96: {  	_ =	swait.ge [sflag:s9], $0x2800  }
0x97: {  	[sflag:s9] =	ssyncset.done $0x0  }
0x98: {  	[sflag:s9] =	ssyncadd.s32 $0xFFFFD800  }
0x99: {  	_ =	sfence.sel $0x180000  }
0x9a: {  	[bflag:$0x0] =	sbarrier.arrive $0xFFFF  }
0x9b: {  	p0 =	sne.s32 s0, $0x0;
	_ =	strace $0x90000047  }
0x9c: {  	s0 =	sadd.s32 @!p0 $0x100000, s1;
	[bflag:$0x2] =	sbarrier.arrive $0xFFFF  }
0x9d: {  	[sflag:s0] =	ssyncadd.tile.s32 @!p0 $0x1;
	_ =	shalt  }
.Lfunc_end2:
_tile_overlayer_lowered:
.L_overlay_start_2:
0x9e: {  	(tag) =	ssettag $0x2  }
0x9f: {  	s0 =	rddreg [dreg:$0x0];
	s2 =	stileid.u32  }
0xa0: {  	s1 =	rddreg [dreg:$0x1];
	p0 =	sne.s32 s2, $0x0  }
0xa1: {  	s3 =	rddreg [dreg:$0x2];
	[bflag:$0x3] =	sbarrier.arrive $0xFFFF;
	s2 =	simm.s32 @!p0 $0x1C09  }
0xa2: {  	[timem:s3], [sflag:s2] =	dma.local @!p0 [hbm:s0], s1  }
0xa3: {  	s0 =	simm.s32 @!p0 $0x9  }
0xa4: {  	_ =	swait.ge @!p0 [sflag:s0], s1  }
0xa5: {  	s1 =	ssub.s32 @!p0 $0x0, s1;
	[sflag:s0] =	ssyncset.done @!p0 $0x0  }
0xa6: {  	[sflag:s0] =	ssyncadd.s32 @!p0 s1  }
0xa7: {  	[bflag:$0x3] =	sbarrier.arrive $0xFFFF  }
0xa8: {  	_ =	shalt  }

</sc_bundles>
